<compile_context>
chip_gen: v7x
topology: tpu7x:2x2x1
jax: 0.10.2.dev20260603
libtpu: 0.0.44.dev20260713+nightly
codegen_flags: <defaults>
</compile_context>

<pallas_src>
import functools

import jax
import jax.numpy as jnp
from jax import lax
from jax.experimental import pallas as pl
from jax.experimental.pallas import tpu as pltpu
from jax.experimental.pallas import tpu_sc as plsc

N_BINS = 15
NW = 32
NBUF = 4
OUT_STRIDE = 2048
UNROLL = 10


def _sc_hist_body(n_rows, n_classes, base_blocks, extra, rep_stride,
                  logits_hbm, labels_hbm,
                  cnt_out, cnf_out, acc_out, ml_out,
                  labels_v, buf, east, cnt_h, cnf_h, acc_h, red, mlv, s_acc,
                  *sems):
    w = lax.axis_index("s") * 2 + lax.axis_index("c")
    iota = lax.iota(jnp.int32, 16)
    laneoff = iota * rep_stride
    slots_pad = rep_stride - 1
    groups = slots_pad // 16
    nmax = 16 * (base_blocks + 1)
    nmin = 16 * base_blocks
    nblk_max = base_blocks + (1 if extra else 0)

    base = 16 * (w * base_blocks + jnp.minimum(w, extra))
    nblk = base_blocks + (w < extra).astype(jnp.int32)

    zero16 = jnp.zeros((16,), jnp.float32)
    ones16 = jnp.ones((16,), jnp.float32)

    def zero_body(g, carry):
        off = g * 16
        cnt_h[pl.ds(off, 16)] = zero16
        cnf_h[pl.ds(off, 16)] = zero16
        acc_h[pl.ds(off, 16)] = zero16
        return carry

    lax.fori_loop(0, 16 * rep_stride // 16, zero_body, 0)

    @pl.when(w < extra)
    def _labels_big():
        pltpu.sync_copy(labels_hbm.at[pl.ds(base, nmax)], labels_v)

    @pl.when(w >= extra)
    def _labels_small():
        pltpu.sync_copy(labels_hbm.at[pl.ds(base, nmin)],
                        labels_v.at[pl.ds(0, nmin)])

    def blk_row0(blk):
        return jnp.minimum(base + blk * 16, n_rows - 16)

    def start_copy(blk, k):
        pltpu.async_copy(logits_hbm.at[pl.ds(blk_row0(blk), 16)],
                         buf.at[k], sems[k])

    def wait_copy(blk, k):
        pltpu.make_async_copy(logits_hbm.at[pl.ds(blk_row0(blk), 16)],
                              buf.at[k], sems[k]).wait()

    for k in range(NBUF):
        start_copy(k, k)

    def bin_of(t):
        ti = t.astype(jnp.int32)
        on_edge = (t == ti.astype(jnp.float32)).astype(jnp.int32)
        return jnp.clip(ti - on_edge, 0, N_BINS - 1)

    zero16i = jnp.zeros((16,), jnp.int32)

    def block_compute(blk, k, ml):
        real = blk < nblk
        realv = (zero16i + real.astype(jnp.int32)) > 0
        bufk = buf.at[k]

        @plsc.parallel_loop(0, n_classes, unroll=UNROLL,
                            carry=(zero16, zero16, zero16, zero16,
                                   zero16i, zero16i + 1, zero16i + 2,
                                   zero16i + 3))
        def s_rot(c, carry):
            s0, s1, s2, s3, v0, v1, v2, v3 = carry
            v = plsc.load_gather(bufk, [iota, v0])
            e = jnp.exp(v)
            east[pl.ds(c * 16, 16)] = e
            return s1, s2, s3, s0 + e, v1, v2, v3, v0 + 4

        s = (s_rot[0] + s_rot[1]) + (s_rot[2] + s_rot[3])
        rinv = 1.0 / s

        @plsc.parallel_loop(0, n_classes, unroll=UNROLL,
                            carry=(laneoff, laneoff + N_BINS,
                                   laneoff + 2 * N_BINS,
                                   laneoff + 3 * N_BINS))
        def _scatter(c, carry):
            i0, i1, i2, i3 = carry
            e = east[pl.ds(c * 16, 16)]
            p = e * rinv
            bi = bin_of(p * float(N_BINS))
            idx = i0 + bi
            plsc.addupdate_scatter(cnt_h, [idx], ones16, mask=realv)
            plsc.addupdate_scatter(cnf_h, [idx], p, mask=realv)
            return i1, i2, i3, i0 + 4 * N_BINS

        lab = jnp.clip(labels_v[pl.ds(blk * 16, 16)], 0, n_classes - 1)
        e_l = plsc.load_gather(east, [lab * 16 + iota])
        p_l = e_l * rinv
        bi = bin_of(p_l * float(N_BINS))
        idx = laneoff + (lab * N_BINS + bi)
        plsc.addupdate_scatter(acc_h, [idx], ones16, mask=realv)
        return jnp.where(real, jnp.maximum(ml, lab), ml)

    def group_body(g, ml):
        for k in range(NBUF):
            blk = g * NBUF + k
            wait_copy(blk, k)
            ml = block_compute(blk, k, ml)
            nxt = blk + NBUF

            @pl.when(nxt < nblk_max)
            def _():
                start_copy(nxt, k)
        return ml

    assert nblk_max % NBUF == 0
    ml = lax.fori_loop(0, nblk_max // NBUF, group_body,
                       jnp.zeros((16,), jnp.int32))
    mlv[...] = ml
    pltpu.sync_copy(mlv, ml_out.at[pl.ds(w * 16, 16)])

    def red_zero(g, carry):
        red[pl.ds(g * 16, 16)] = zero16
        return carry

    lax.fori_loop(0, OUT_STRIDE // 16, red_zero, 0)

    for hist, out in ((cnt_h, cnt_out), (cnf_h, cnf_out), (acc_h, acc_out)):
        def red_body(g, carry, hist=hist):
            a = zero16
            for l in range(16):
                a = a + plsc.load_gather(hist, [l * rep_stride + g * 16 + iota])
            red[pl.ds(g * 16, 16)] = a
            return carry

        lax.fori_loop(0, groups, red_body, 0)
        pltpu.sync_copy(red, out.at[pl.ds(w * OUT_STRIDE, OUT_STRIDE)])


def _sc_hist(logits, labels):
    n_rows, n_classes = logits.shape
    assert n_rows % 16 == 0 and n_classes % UNROLL == 0
    blocks_total = n_rows // 16
    base_blocks = blocks_total // NW
    extra = blocks_total % NW
    slots = N_BINS * n_classes
    slots_pad = ((slots + 15) // 16) * 16
    rep_stride = slots_pad + 1
    nmax = 16 * (base_blocks + 1)

    mesh = plsc.VectorSubcoreMesh(core_axis_name="c", subcore_axis_name="s")
    body = functools.partial(_sc_hist_body, n_rows, n_classes,
                             base_blocks, extra, rep_stride)
    f = pl.kernel(
        body,
        mesh=mesh,
        compiler_params=pltpu.CompilerParams(
            needs_layout_passes=False,
            disable_bounds_checks=True,
            disable_semaphore_checks=True,
        ),
        out_type=[
            jax.ShapeDtypeStruct((NW * OUT_STRIDE,), jnp.float32),
            jax.ShapeDtypeStruct((NW * OUT_STRIDE,), jnp.float32),
            jax.ShapeDtypeStruct((NW * OUT_STRIDE,), jnp.float32),
            jax.ShapeDtypeStruct((NW * 16,), jnp.int32),
        ],
        scratch_types=[
            pltpu.VMEM((nmax,), jnp.int32),
            pltpu.VMEM((NBUF, 16, n_classes), jnp.float32),
            pltpu.VMEM((16 * n_classes,), jnp.float32),
            pltpu.VMEM((16 * rep_stride,), jnp.float32),
            pltpu.VMEM((16 * rep_stride,), jnp.float32),
            pltpu.VMEM((16 * rep_stride,), jnp.float32),
            pltpu.VMEM((OUT_STRIDE,), jnp.float32),
            pltpu.VMEM((16,), jnp.int32),
            pltpu.VMEM((16,), jnp.float32),
        ] + [pltpu.SemaphoreType.DMA] * NBUF,
    )
    return f(logits, labels)


def _final_body(n_total, cnt_ref, cnf_ref, acc_ref, ml_ref, out_ref,
                cnt_s, cnf_s, acc_s):
    i = pl.program_id(0)

    @pl.when(i == 0)
    def _init():
        cnt_s[...] = jnp.zeros_like(cnt_s)
        cnf_s[...] = jnp.zeros_like(cnf_s)
        acc_s[...] = jnp.zeros_like(acc_s)

    cnt_s[...] += cnt_ref[...]
    cnf_s[...] += cnf_ref[...]
    acc_s[...] += acc_ref[...]

    @pl.when(i == NW - 1)
    def _fini():
        nc = jnp.max(ml_ref[...]) + 1
        cnt = cnt_s[...]
        nonempty = cnt > 0.0
        denom = jnp.maximum(cnt, 1.0)
        avg_conf = jnp.where(nonempty, cnf_s[...] / denom, 0.0)
        avg_acc = jnp.where(nonempty, acc_s[...] / denom, 0.0)
        prop = cnt / jnp.float32(n_total)
        s_iota = lax.broadcasted_iota(jnp.int32, cnt.shape, 0)
        valid = nonempty & (s_iota < nc * N_BINS)
        contrib = jnp.where(valid, jnp.abs(avg_conf - avg_acc) * prop, 0.0)
        total = jnp.sum(contrib, axis=0, keepdims=True)
        out_ref[...] = (total / nc.astype(jnp.float32)).reshape(1, 1)


def kernel(logits, labels):
    n_rows, n_classes = logits.shape
    cnt, cnf, acc, ml = _sc_hist(logits, labels)
    out = pl.pallas_call(
        functools.partial(_final_body, n_rows),
        grid=(NW,),
        in_specs=[
            pl.BlockSpec((OUT_STRIDE,), lambda i: (i,)),
            pl.BlockSpec((OUT_STRIDE,), lambda i: (i,)),
            pl.BlockSpec((OUT_STRIDE,), lambda i: (i,)),
            pl.BlockSpec((NW * 16,), lambda i: (0,)),
        ],
        out_specs=pl.BlockSpec((1, 1), lambda i: (0, 0)),
        out_shape=jax.ShapeDtypeStruct((1, 1), jnp.float32),
        scratch_shapes=[
            pltpu.VMEM((OUT_STRIDE,), jnp.float32),
            pltpu.VMEM((OUT_STRIDE,), jnp.float32),
            pltpu.VMEM((OUT_STRIDE,), jnp.float32),
        ],
    )(cnt, cnf, acc, ml)
    return out[0, 0]

# --- scband reference (transcript-rebuilt; emitter-appended) ---
"""Pipeline reference for scband-classwise-ece-33303176413864 (READ-ONLY COPY).

The authoritative reference and input builder live on the scoring server;
editing this copy changes nothing except your own understanding.
"""

import jax, jax.numpy as jnp
import numpy as np

N_BINS = 15


def setup_inputs(seed: int = 0) -> dict:
    key = jax.random.key(seed)
    k1, k2 = jax.random.split(key)
    logits = jax.random.normal(k1, (100000, 100), dtype=jnp.float32)
    labels = jax.random.randint(k2, (100000,), 0, 100, dtype=jnp.int32)
    return {"logits": logits, "labels": labels}


def reference(logits, labels):
    n_bins = N_BINS
    # num_classes = max(labels) + 1, as in the torch module (kept traced)
    num_classes = jnp.max(labels).astype(jnp.int32) + 1
    N = logits.shape[0]
    C = logits.shape[1]  # static upper bound on num_classes (labels in [0, C))
    # softmax over full class dim (SM=True)
    probs_full = jax.nn.softmax(logits, axis=1)
    probs = probs_full

    # bin assignment: sample with confidence p falls in bin b iff p > b/n_bins and p <= (b+1)/n_bins
    # equivalent to bin = ceil(p * n_bins) - 1 for p in (0, 1]; p == 0 falls in NO bin
    bin_idx = jnp.ceil(probs * n_bins).astype(jnp.int32) - 1
    bin_idx = jnp.clip(bin_idx, 0, n_bins - 1)
    class_ids = jnp.arange(C, dtype=jnp.int32)[None, :]
    seg = bin_idx + class_ids * n_bins  # [N, C]
    valid = (probs > 0.0) & (class_ids < num_classes)
    overflow = C * n_bins
    seg = jnp.where(valid, seg, overflow)
    num_seg = overflow + 1

    seg_flat = seg.reshape(-1)
    probs_flat = probs.reshape(-1)
    ones = jnp.ones_like(probs_flat)
    is_label = (labels[:, None] == jnp.arange(C)[None, :]).astype(jnp.float32)

    count = jax.ops.segment_sum(ones, seg_flat, num_segments=num_seg)
    conf_sum = jax.ops.segment_sum(probs_flat, seg_flat, num_segments=num_seg)
    acc_sum = jax.ops.segment_sum(is_label.reshape(-1), seg_flat, num_segments=num_seg)

    count = count[:overflow].reshape(C, n_bins)
    conf_sum = conf_sum[:overflow].reshape(C, n_bins)
    acc_sum = acc_sum[:overflow].reshape(C, n_bins)

    prop = count / N  # prop_in_bin = in_bin.float().mean()
    nonempty = count > 0
    denom = jnp.maximum(count, 1.0)
    avg_conf = jnp.where(nonempty, conf_sum / denom, 0.0)
    avg_acc = jnp.where(nonempty, acc_sum / denom, 0.0)
    contrib = jnp.where(nonempty, jnp.abs(avg_conf - avg_acc) * prop, 0.0)
    per_class_sce = jnp.sum(contrib, axis=1)  # [C]; classes >= num_classes are exactly 0
    sce = jnp.sum(per_class_sce) / num_classes.astype(per_class_sce.dtype)
    return sce

if __name__ == "__main__":
    import jax
    _d = setup_inputs()
    print(jax.jit(kernel)(*tuple(_d.values())))

</pallas_src>

<mosaic_0001>
#map = affine_map<(d0, d1) -> (0, 0)>
#map1 = affine_map<(d0, d1) -> (0)>
module attributes {stable_mosaic.version = 14 : i64} {
  func.func @_sc_hist_body(%arg0: i32, %arg1: i32, %arg2: memref<100000x100xf32, #tpu.memory_space<hbm>>, %arg3: memref<100000xi32, #tpu.memory_space<hbm>>, %arg4: memref<65536xf32, #tpu.memory_space<hbm>>, %arg5: memref<65536xf32, #tpu.memory_space<hbm>>, %arg6: memref<65536xf32, #tpu.memory_space<hbm>>, %arg7: memref<512xi32, #tpu.memory_space<hbm>>, %arg8: memref<3136xi32, #tpu.memory_space<vmem>>, %arg9: memref<4x16x100xf32, #tpu.memory_space<vmem>>, %arg10: memref<1600xf32, #tpu.memory_space<vmem>>, %arg11: memref<24080xf32, #tpu.memory_space<vmem>>, %arg12: memref<24080xf32, #tpu.memory_space<vmem>>, %arg13: memref<24080xf32, #tpu.memory_space<vmem>>, %arg14: memref<2048xf32, #tpu.memory_space<vmem>>, %arg15: memref<16xi32, #tpu.memory_space<vmem>>, %arg16: memref<16xf32, #tpu.memory_space<vmem>>, %arg17: memref<!tpu.dma_semaphore, #tpu.memory_space<semaphore_mem>>, %arg18: memref<!tpu.dma_semaphore, #tpu.memory_space<semaphore_mem>>, %arg19: memref<!tpu.dma_semaphore, #tpu.memory_space<semaphore_mem>>, %arg20: memref<!tpu.dma_semaphore, #tpu.memory_space<semaphore_mem>>) attributes {dimension_semantics = [#tpu.dimension_semantics<core_parallel>, #tpu.dimension_semantics<subcore_parallel>], iteration_bounds = array<i64: 2, 16>, scalar_prefetch = 0 : i64, scratch_operands = 13 : i64, tpu.core_type = #tpu.core_type<sc_vector_subcore>, window_params = [{transform_indices = #map}, {transform_indices = #map1}, {transform_indices = #map1}, {transform_indices = #map1}, {transform_indices = #map1}, {transform_indices = #map1}]} {
    %mul3A = arith.constant 2 : i32
    %mul3A_0 = arith.muli %arg1, %mul3A : i32
    %add3A = arith.addi %mul3A_0, %arg0 : i32
    %iota3A = tpu.iota {dimensions = array<i32: 0>} : vector<16xi32>
    %mul3A_1 = arith.constant 1505 : i32
    %mul3A_2 = vector.broadcast %mul3A_1 : i32 to vector<16xi32>
    %mul3A_3 = arith.muli %iota3A, %mul3A_2 : vector<16xi32>
    %mul3A_4 = arith.constant 195 : i32
    %mul3A_5 = arith.muli %add3A, %mul3A_4 : i32
    %min3A = arith.constant 10 : i32
    %min3A_6 = arith.minsi %add3A, %min3A : i32
    %add3A_7 = arith.addi %mul3A_5, %min3A_6 : i32
    %mul3A_8 = arith.constant 16 : i32
    %mul3A_9 = arith.muli %mul3A_8, %add3A_7 : i32
    %lt3A = arith.constant 10 : i32
    %lt3A_10 = arith.cmpi slt, %add3A, %lt3A : i32
    %convert_element_type3A = arith.extui %lt3A_10 : i1 to i32
    %add3A_11 = arith.constant 195 : i32
    %add3A_12 = arith.addi %add3A_11, %convert_element_type3A : i32
    %broadcast_in_dim3A = arith.constant 0.000000e+00 : f32
    %broadcast_in_dim3A_13 = vector.broadcast %broadcast_in_dim3A : f32 to vector<16xf32>
    %broadcast_in_dim3A_14 = arith.constant 1.000000e+00 : f32
    %broadcast_in_dim3A_15 = vector.broadcast %broadcast_in_dim3A_14 : f32 to vector<16xf32>
    %scan3A = arith.constant 0 : i32
    %scan3A_16 = arith.constant 0 : i32
    %scan3A_17 = arith.constant 1505 : i32
    %scan3A_18 = arith.addi %scan3A_16, %scan3A_17 : i32
    %scan3A_19 = arith.constant 1 : i32
    scf.for %scan3A_139 = %scan3A_16 to %scan3A_18 step %scan3A_19  : i32 {
      %mul3A_140 = arith.constant 16 : i32
      %mul3A_141 = arith.muli %scan3A_139, %mul3A_140 : i32
      %swap3A_142 = arith.index_cast %mul3A_141 : i32 to index
      %swap3A_143 = tpu.vector_load %arg11[%swap3A_142] {strides = array<i32>} : memref<24080xf32, #tpu.memory_space<vmem>>, vector<16xf32>,
      tpu.vector_store %arg11[%swap3A_142], %broadcast_in_dim3A_13 {strides = array<i32>} : memref<24080xf32, #tpu.memory_space<vmem>>, vector<16xf32>,
      %swap3A_144 = arith.index_cast %mul3A_141 : i32 to index
      %swap3A_145 = tpu.vector_load %arg12[%swap3A_144] {strides = array<i32>} : memref<24080xf32, #tpu.memory_space<vmem>>, vector<16xf32>,
      tpu.vector_store %arg12[%swap3A_144], %broadcast_in_dim3A_13 {strides = array<i32>} : memref<24080xf32, #tpu.memory_space<vmem>>, vector<16xf32>,
      %swap3A_146 = arith.index_cast %mul3A_141 : i32 to index
      %swap3A_147 = tpu.vector_load %arg13[%swap3A_146] {strides = array<i32>} : memref<24080xf32, #tpu.memory_space<vmem>>, vector<16xf32>,
      tpu.vector_store %arg13[%swap3A_146], %broadcast_in_dim3A_13 {strides = array<i32>} : memref<24080xf32, #tpu.memory_space<vmem>>, vector<16xf32>,
    }
    %scan3A_20 = arith.constant 1505 : i32
    %lt3A_21 = arith.constant 10 : i32
    %lt3A_22 = arith.cmpi slt, %add3A, %lt3A_21 : i32
    %convert_element_type3A_23 = arith.extui %lt3A_22 : i1 to i32
    %cond3A = arith.constant 0 : i32
    %cond3A_24 = arith.cmpi ne, %convert_element_type3A_23, %cond3A : i32
    scf.if %cond3A_24 {
      "tpu.region"() ({
        %run_scoped3A = tpu.sem_alloc : memref<!tpu.dma_semaphore, #tpu.memory_space<semaphore_mem>>
        %dma_start3A_139 = tpu.memref_slice %arg3[%mul3A_9] : memref<100000xi32, #tpu.memory_space<hbm>> -> memref<3136xi32, #tpu.memory_space<hbm>>
        %dma_start3A_140 = tpu.memref_slice %arg3[%mul3A_9] : memref<100000xi32, #tpu.memory_space<hbm>> -> memref<3136xi32, #tpu.memory_space<hbm>>
        tpu.enqueue_dma source(%dma_start3A_140 : memref<3136xi32, #tpu.memory_space<hbm>>) target(%arg8 : memref<3136xi32, #tpu.memory_space<vmem>>) target_semaphore(%run_scoped3A : memref<!tpu.dma_semaphore, #tpu.memory_space<semaphore_mem>>)
        %dma_wait3A = tpu.memref_slice %arg3[%mul3A_9] : memref<100000xi32, #tpu.memory_space<hbm>> -> memref<3136xi32, #tpu.memory_space<hbm>>
        %dma_wait3A_141 = tpu.memref_slice %arg3[%mul3A_9] : memref<100000xi32, #tpu.memory_space<hbm>> -> memref<3136xi32, #tpu.memory_space<hbm>>
        tpu.wait_dma2 semaphore(%run_scoped3A : memref<!tpu.dma_semaphore, #tpu.memory_space<semaphore_mem>>) src(%dma_wait3A_141 : memref<3136xi32, #tpu.memory_space<hbm>>) dst(%arg8 : memref<3136xi32, #tpu.memory_space<vmem>>)
        tpu.yield
      }) : () -> ()
    } else {
    }
    %ge3A = arith.constant 10 : i32
    %ge3A_25 = arith.cmpi sge, %add3A, %ge3A : i32
    %convert_element_type3A_26 = arith.extui %ge3A_25 : i1 to i32
    %cond3A_27 = arith.constant 0 : i32
    %cond3A_28 = arith.cmpi ne, %convert_element_type3A_26, %cond3A_27 : i32
    scf.if %cond3A_28 {
      "tpu.region"() ({
        %run_scoped3A = tpu.sem_alloc : memref<!tpu.dma_semaphore, #tpu.memory_space<semaphore_mem>>
        %dma_start3A_139 = arith.constant 0 : i32
        %dma_start3A_140 = tpu.memref_slice %arg8[%dma_start3A_139] : memref<3136xi32, #tpu.memory_space<vmem>> -> memref<3120xi32, #tpu.memory_space<vmem>>
        %dma_start3A_141 = tpu.memref_slice %arg3[%mul3A_9] : memref<100000xi32, #tpu.memory_space<hbm>> -> memref<3120xi32, #tpu.memory_space<hbm>>
        %dma_start3A_142 = arith.constant 0 : i32
        %dma_start3A_143 = tpu.memref_slice %arg8[%dma_start3A_142] : memref<3136xi32, #tpu.memory_space<vmem>> -> memref<3120xi32, #tpu.memory_space<vmem>>
        %dma_start3A_144 = tpu.memref_slice %arg3[%mul3A_9] : memref<100000xi32, #tpu.memory_space<hbm>> -> memref<3120xi32, #tpu.memory_space<hbm>>
        tpu.enqueue_dma source(%dma_start3A_144 : memref<3120xi32, #tpu.memory_space<hbm>>) target(%dma_start3A_143 : memref<3120xi32, #tpu.memory_space<vmem>>) target_semaphore(%run_scoped3A : memref<!tpu.dma_semaphore, #tpu.memory_space<semaphore_mem>>)
        %dma_wait3A = arith.constant 0 : i32
        %dma_wait3A_145 = tpu.memref_slice %arg8[%dma_wait3A] : memref<3136xi32, #tpu.memory_space<vmem>> -> memref<3120xi32, #tpu.memory_space<vmem>>
        %dma_wait3A_146 = tpu.memref_slice %arg3[%mul3A_9] : memref<100000xi32, #tpu.memory_space<hbm>> -> memref<3120xi32, #tpu.memory_space<hbm>>
        %dma_wait3A_147 = arith.constant 0 : i32
        %dma_wait3A_148 = tpu.memref_slice %arg8[%dma_wait3A_147] : memref<3136xi32, #tpu.memory_space<vmem>> -> memref<3120xi32, #tpu.memory_space<vmem>>
        %dma_wait3A_149 = tpu.memref_slice %arg3[%mul3A_9] : memref<100000xi32, #tpu.memory_space<hbm>> -> memref<3120xi32, #tpu.memory_space<hbm>>
        tpu.wait_dma2 semaphore(%run_scoped3A : memref<!tpu.dma_semaphore, #tpu.memory_space<semaphore_mem>>) src(%dma_wait3A_149 : memref<3120xi32, #tpu.memory_space<hbm>>) dst(%dma_wait3A_148 : memref<3120xi32, #tpu.memory_space<vmem>>)
        tpu.yield
      }) : () -> ()
    } else {
    }
    %add3A_29 = arith.constant 0 : i32
    %add3A_30 = arith.addi %mul3A_9, %add3A_29 : i32
    %min3A_31 = arith.constant 99984 : i32
    %min3A_32 = arith.minsi %add3A_30, %min3A_31 : i32
    %dma_start3A = arith.constant 0 : i32
    %dma_start3A_33 = arith.constant 0 : i32
    %dma_start3A_34 = arith.constant 0 : i32
    %dma_start3A_35 = tpu.memref_slice %arg9[%dma_start3A, %dma_start3A_33, %dma_start3A_34] : memref<4x16x100xf32, #tpu.memory_space<vmem>> -> memref<1x16x100xf32, #tpu.memory_space<vmem>>
    %dma_start3A_36 = tpu.memref_squeeze %dma_start3A_35 : memref<1x16x100xf32, #tpu.memory_space<vmem>> -> memref<16x100xf32, #tpu.memory_space<vmem>>
    %dma_start3A_37 = arith.constant 0 : i32
    %dma_start3A_38 = tpu.memref_slice %arg2[%min3A_32, %dma_start3A_37] : memref<100000x100xf32, #tpu.memory_space<hbm>> -> memref<16x100xf32, #tpu.memory_space<hbm>>
    %dma_start3A_39 = arith.constant 0 : i32
    %dma_start3A_40 = arith.constant 0 : i32
    %dma_start3A_41 = tpu.memref_slice %arg9[%dma_start3A, %dma_start3A_39, %dma_start3A_40] : memref<4x16x100xf32, #tpu.memory_space<vmem>> -> memref<1x16x100xf32, #tpu.memory_space<vmem>>
    %dma_start3A_42 = tpu.memref_squeeze %dma_start3A_41 : memref<1x16x100xf32, #tpu.memory_space<vmem>> -> memref<16x100xf32, #tpu.memory_space<vmem>>
    %dma_start3A_43 = arith.constant 0 : i32
    %dma_start3A_44 = tpu.memref_slice %arg2[%min3A_32, %dma_start3A_43] : memref<100000x100xf32, #tpu.memory_space<hbm>> -> memref<16x100xf32, #tpu.memory_space<hbm>>
    tpu.enqueue_dma source(%dma_start3A_44 : memref<16x100xf32, #tpu.memory_space<hbm>>) target(%dma_start3A_42 : memref<16x100xf32, #tpu.memory_space<vmem>>) target_semaphore(%arg17 : memref<!tpu.dma_semaphore, #tpu.memory_space<semaphore_mem>>)
    %add3A_45 = arith.constant 16 : i32
    %add3A_46 = arith.addi %mul3A_9, %add3A_45 : i32
    %min3A_47 = arith.constant 99984 : i32
    %min3A_48 = arith.minsi %add3A_46, %min3A_47 : i32
    %dma_start3A_49 = arith.constant 1 : i32
    %dma_start3A_50 = arith.constant 0 : i32
    %dma_start3A_51 = arith.constant 0 : i32
    %dma_start3A_52 = tpu.memref_slice %arg9[%dma_start3A_49, %dma_start3A_50, %dma_start3A_51] : memref<4x16x100xf32, #tpu.memory_space<vmem>> -> memref<1x16x100xf32, #tpu.memory_space<vmem>>
    %dma_start3A_53 = tpu.memref_squeeze %dma_start3A_52 : memref<1x16x100xf32, #tpu.memory_space<vmem>> -> memref<16x100xf32, #tpu.memory_space<vmem>>
    %dma_start3A_54 = arith.constant 0 : i32
    %dma_start3A_55 = tpu.memref_slice %arg2[%min3A_48, %dma_start3A_54] : memref<100000x100xf32, #tpu.memory_space<hbm>> -> memref<16x100xf32, #tpu.memory_space<hbm>>
    %dma_start3A_56 = arith.constant 0 : i32
    %dma_start3A_57 = arith.constant 0 : i32
    %dma_start3A_58 = tpu.memref_slice %arg9[%dma_start3A_49, %dma_start3A_56, %dma_start3A_57] : memref<4x16x100xf32, #tpu.memory_space<vmem>> -> memref<1x16x100xf32, #tpu.memory_space<vmem>>
    %dma_start3A_59 = tpu.memref_squeeze %dma_start3A_58 : memref<1x16x100xf32, #tpu.memory_space<vmem>> -> memref<16x100xf32, #tpu.memory_space<vmem>>
    %dma_start3A_60 = arith.constant 0 : i32
    %dma_start3A_61 = tpu.memref_slice %arg2[%min3A_48, %dma_start3A_60] : memref<100000x100xf32, #tpu.memory_space<hbm>> -> memref<16x100xf32, #tpu.memory_space<hbm>>
    tpu.enqueue_dma source(%dma_start3A_61 : memref<16x100xf32, #tpu.memory_space<hbm>>) target(%dma_start3A_59 : memref<16x100xf32, #tpu.memory_space<vmem>>) target_semaphore(%arg18 : memref<!tpu.dma_semaphore, #tpu.memory_space<semaphore_mem>>)
    %add3A_62 = arith.constant 32 : i32
    %add3A_63 = arith.addi %mul3A_9, %add3A_62 : i32
    %min3A_64 = arith.constant 99984 : i32
    %min3A_65 = arith.minsi %add3A_63, %min3A_64 : i32
    %dma_start3A_66 = arith.constant 2 : i32
    %dma_start3A_67 = arith.constant 0 : i32
    %dma_start3A_68 = arith.constant 0 : i32
    %dma_start3A_69 = tpu.memref_slice %arg9[%dma_start3A_66, %dma_start3A_67, %dma_start3A_68] : memref<4x16x100xf32, #tpu.memory_space<vmem>> -> memref<1x16x100xf32, #tpu.memory_space<vmem>>
    %dma_start3A_70 = tpu.memref_squeeze %dma_start3A_69 : memref<1x16x100xf32, #tpu.memory_space<vmem>> -> memref<16x100xf32, #tpu.memory_space<vmem>>
    %dma_start3A_71 = arith.constant 0 : i32
    %dma_start3A_72 = tpu.memref_slice %arg2[%min3A_65, %dma_start3A_71] : memref<100000x100xf32, #tpu.memory_space<hbm>> -> memref<16x100xf32, #tpu.memory_space<hbm>>
    %dma_start3A_73 = arith.constant 0 : i32
    %dma_start3A_74 = arith.constant 0 : i32
    %dma_start3A_75 = tpu.memref_slice %arg9[%dma_start3A_66, %dma_start3A_73, %dma_start3A_74] : memref<4x16x100xf32, #tpu.memory_space<vmem>> -> memref<1x16x100xf32, #tpu.memory_space<vmem>>
    %dma_start3A_76 = tpu.memref_squeeze %dma_start3A_75 : memref<1x16x100xf32, #tpu.memory_space<vmem>> -> memref<16x100xf32, #tpu.memory_space<vmem>>
    %dma_start3A_77 = arith.constant 0 : i32
    %dma_start3A_78 = tpu.memref_slice %arg2[%min3A_65, %dma_start3A_77] : memref<100000x100xf32, #tpu.memory_space<hbm>> -> memref<16x100xf32, #tpu.memory_space<hbm>>
    tpu.enqueue_dma source(%dma_start3A_78 : memref<16x100xf32, #tpu.memory_space<hbm>>) target(%dma_start3A_76 : memref<16x100xf32, #tpu.memory_space<vmem>>) target_semaphore(%arg19 : memref<!tpu.dma_semaphore, #tpu.memory_space<semaphore_mem>>)
    %add3A_79 = arith.constant 48 : i32
    %add3A_80 = arith.addi %mul3A_9, %add3A_79 : i32
    %min3A_81 = arith.constant 99984 : i32
    %min3A_82 = arith.minsi %add3A_80, %min3A_81 : i32
    %dma_start3A_83 = arith.constant 3 : i32
    %dma_start3A_84 = arith.constant 0 : i32
    %dma_start3A_85 = arith.constant 0 : i32
    %dma_start3A_86 = tpu.memref_slice %arg9[%dma_start3A_83, %dma_start3A_84, %dma_start3A_85] : memref<4x16x100xf32, #tpu.memory_space<vmem>> -> memref<1x16x100xf32, #tpu.memory_space<vmem>>
    %dma_start3A_87 = tpu.memref_squeeze %dma_start3A_86 : memref<1x16x100xf32, #tpu.memory_space<vmem>> -> memref<16x100xf32, #tpu.memory_space<vmem>>
    %dma_start3A_88 = arith.constant 0 : i32
    %dma_start3A_89 = tpu.memref_slice %arg2[%min3A_82, %dma_start3A_88] : memref<100000x100xf32, #tpu.memory_space<hbm>> -> memref<16x100xf32, #tpu.memory_space<hbm>>
    %dma_start3A_90 = arith.constant 0 : i32
    %dma_start3A_91 = arith.constant 0 : i32
    %dma_start3A_92 = tpu.memref_slice %arg9[%dma_start3A_83, %dma_start3A_90, %dma_start3A_91] : memref<4x16x100xf32, #tpu.memory_space<vmem>> -> memref<1x16x100xf32, #tpu.memory_space<vmem>>
    %dma_start3A_93 = tpu.memref_squeeze %dma_start3A_92 : memref<1x16x100xf32, #tpu.memory_space<vmem>> -> memref<16x100xf32, #tpu.memory_space<vmem>>
    %dma_start3A_94 = arith.constant 0 : i32
    %dma_start3A_95 = tpu.memref_slice %arg2[%min3A_82, %dma_start3A_94] : memref<100000x100xf32, #tpu.memory_space<hbm>> -> memref<16x100xf32, #tpu.memory_space<hbm>>
    tpu.enqueue_dma source(%dma_start3A_95 : memref<16x100xf32, #tpu.memory_space<hbm>>) target(%dma_start3A_93 : memref<16x100xf32, #tpu.memory_space<vmem>>) target_semaphore(%arg20 : memref<!tpu.dma_semaphore, #tpu.memory_space<semaphore_mem>>)
    %broadcast_in_dim3A_96 = arith.constant 0 : i32
    %broadcast_in_dim3A_97 = vector.broadcast %broadcast_in_dim3A_96 : i32 to vector<16xi32>
    %broadcast_in_dim3A_98 = arith.constant 0 : i32
    %broadcast_in_dim3A_99 = vector.broadcast %broadcast_in_dim3A_98 : i32 to vector<16xi32>
    %scan3A_100 = arith.constant 0 : i32
    %scan3A_101 = arith.constant 49 : i32
    %scan3A_102 = arith.addi %scan3A_100, %scan3A_101 : i32
    %scan3A_103 = arith.constant 1 : i32
    %scan3A_104 = scf.for %scan3A_139 = %scan3A_100 to %scan3A_102 step %scan3A_103 iter_args(%scan3A_140 = %broadcast_in_dim3A_99) -> (vector<16xi32>)  : i32 {
      %mul3A_141 = arith.constant 4 : i32
      %mul3A_142 = arith.muli %scan3A_139, %mul3A_141 : i32
      %add3A_143 = arith.constant 0 : i32
      %add3A_144 = arith.addi %mul3A_142, %add3A_143 : i32
      %mul3A_145 = arith.constant 16 : i32
      %mul3A_146 = arith.muli %add3A_144, %mul3A_145 : i32
      %add3A_147 = arith.addi %mul3A_9, %mul3A_146 : i32
      %min3A_148 = arith.constant 99984 : i32
      %min3A_149 = arith.minsi %add3A_147, %min3A_148 : i32
      %dma_wait3A = arith.constant 0 : i32
      %dma_wait3A_150 = arith.constant 0 : i32
      %dma_wait3A_151 = arith.constant 0 : i32
      %dma_wait3A_152 = tpu.memref_slice %arg9[%dma_wait3A, %dma_wait3A_150, %dma_wait3A_151] : memref<4x16x100xf32, #tpu.memory_space<vmem>> -> memref<1x16x100xf32, #tpu.memory_space<vmem>>
      %dma_wait3A_153 = tpu.memref_squeeze %dma_wait3A_152 : memref<1x16x100xf32, #tpu.memory_space<vmem>> -> memref<16x100xf32, #tpu.memory_space<vmem>>
      %dma_wait3A_154 = arith.constant 0 : i32
      %dma_wait3A_155 = tpu.memref_slice %arg2[%min3A_149, %dma_wait3A_154] : memref<100000x100xf32, #tpu.memory_space<hbm>> -> memref<16x100xf32, #tpu.memory_space<hbm>>
      %dma_wait3A_156 = arith.constant 0 : i32
      %dma_wait3A_157 = arith.constant 0 : i32
      %dma_wait3A_158 = tpu.memref_slice %arg9[%dma_wait3A, %dma_wait3A_156, %dma_wait3A_157] : memref<4x16x100xf32, #tpu.memory_space<vmem>> -> memref<1x16x100xf32, #tpu.memory_space<vmem>>
      %dma_wait3A_159 = tpu.memref_squeeze %dma_wait3A_158 : memref<1x16x100xf32, #tpu.memory_space<vmem>> -> memref<16x100xf32, #tpu.memory_space<vmem>>
      %dma_wait3A_160 = arith.constant 0 : i32
      %dma_wait3A_161 = tpu.memref_slice %arg2[%min3A_149, %dma_wait3A_160] : memref<100000x100xf32, #tpu.memory_space<hbm>> -> memref<16x100xf32, #tpu.memory_space<hbm>>
      tpu.wait_dma2 semaphore(%arg17 : memref<!tpu.dma_semaphore, #tpu.memory_space<semaphore_mem>>) src(%dma_wait3A_161 : memref<16x100xf32, #tpu.memory_space<hbm>>) dst(%dma_wait3A_159 : memref<16x100xf32, #tpu.memory_space<vmem>>)
      %lt3A_162 = arith.cmpi slt, %add3A_144, %add3A_12 : i32
      %convert_element_type3A_163 = arith.extui %lt3A_162 : i1 to i32
      %add3A_164 = vector.broadcast %convert_element_type3A_163 : i32 to vector<16xi32>
      %add3A_165 = arith.addi %broadcast_in_dim3A_97, %add3A_164 : vector<16xi32>
      %gt3A = arith.constant 0 : i32
      %gt3A_166 = vector.broadcast %gt3A : i32 to vector<16xi32>
      %gt3A_167 = arith.cmpi sgt, %add3A_165, %gt3A_166 : vector<16xi32>
      %add3A_168 = arith.constant 1 : i32
      %add3A_169 = vector.broadcast %add3A_168 : i32 to vector<16xi32>
      %add3A_170 = arith.addi %broadcast_in_dim3A_97, %add3A_169 : vector<16xi32>
      %add3A_171 = arith.constant 2 : i32
      %add3A_172 = vector.broadcast %add3A_171 : i32 to vector<16xi32>
      %add3A_173 = arith.addi %broadcast_in_dim3A_97, %add3A_172 : vector<16xi32>
      %add3A_174 = arith.constant 3 : i32
      %add3A_175 = vector.broadcast %add3A_174 : i32 to vector<16xi32>
      %add3A_176 = arith.addi %broadcast_in_dim3A_97, %add3A_175 : vector<16xi32>
      %parallel_loop3A = arith.constant 0 : i32
      %parallel_loop3A_177 = arith.constant 100 : i32
      %parallel_loop3A_178 = arith.constant 1 : i32
      %parallel_loop3A_179 = arith.constant 0 : i32
      %parallel_loop3A_180:8 = scf.for %parallel_loop3A_554 = %parallel_loop3A to %parallel_loop3A_177 step %parallel_loop3A_178 iter_args(%parallel_loop3A_555 = %broadcast_in_dim3A_13, %parallel_loop3A_556 = %broadcast_in_dim3A_13, %parallel_loop3A_557 = %broadcast_in_dim3A_13, %parallel_loop3A_558 = %broadcast_in_dim3A_13, %parallel_loop3A_559 = %broadcast_in_dim3A_97, %parallel_loop3A_560 = %add3A_170, %parallel_loop3A_561 = %add3A_173, %parallel_loop3A_562 = %add3A_176) -> (vector<16xf32>, vector<16xf32>, vector<16xf32>, vector<16xf32>, vector<16xi32>, vector<16xi32>, vector<16xi32>, vector<16xi32>)  : i32 {
        %parallel_loop3A_563 = arith.constant 0 : i32
        %parallel_loop3A_564 = arith.constant 0 : i32
        %parallel_loop3A_565 = tpu.memref_slice %arg9[%parallel_loop3A_179, %parallel_loop3A_563, %parallel_loop3A_564] : memref<4x16x100xf32, #tpu.memory_space<vmem>> -> memref<1x16x100xf32, #tpu.memory_space<vmem>>
        %parallel_loop3A_566 = tpu.memref_squeeze %parallel_loop3A_565 : memref<1x16x100xf32, #tpu.memory_space<vmem>> -> memref<16x100xf32, #tpu.memory_space<vmem>>
        %parallel_loop3A_567 = tpu.vector_load_idx %parallel_loop3A_566[%iota3A, %parallel_loop3A_559] : memref<16x100xf32, #tpu.memory_space<vmem>>[vector<16xi32>, vector<16xi32>], vector<16xf32>,
        %parallel_loop3A_568 = math.exp %parallel_loop3A_567 : vector<16xf32>
        %parallel_loop3A_569 = arith.constant 16 : i32
        %parallel_loop3A_570 = arith.muli %parallel_loop3A_554, %parallel_loop3A_569 : i32
        %parallel_loop3A_571 = arith.index_cast %parallel_loop3A_570 : i32 to index
        %parallel_loop3A_572 = tpu.vector_load %arg10[%parallel_loop3A_571] {strides = array<i32>} : memref<1600xf32, #tpu.memory_space<vmem>>, vector<16xf32>,
        tpu.vector_store %arg10[%parallel_loop3A_571], %parallel_loop3A_568 {strides = array<i32>} : memref<1600xf32, #tpu.memory_space<vmem>>, vector<16xf32>,
        %parallel_loop3A_573 = arith.addf %parallel_loop3A_555, %parallel_loop3A_568 : vector<16xf32>
        %parallel_loop3A_574 = arith.constant 4 : i32
        %parallel_loop3A_575 = vector.broadcast %parallel_loop3A_574 : i32 to vector<16xi32>
        %parallel_loop3A_576 = arith.addi %parallel_loop3A_559, %parallel_loop3A_575 : vector<16xi32>
        scf.yield %parallel_loop3A_556, %parallel_loop3A_557, %parallel_loop3A_558, %parallel_loop3A_573, %parallel_loop3A_560, %parallel_loop3A_561, %parallel_loop3A_562, %parallel_loop3A_576 : vector<16xf32>, vector<16xf32>, vector<16xf32>, vector<16xf32>, vector<16xi32>, vector<16xi32>, vector<16xi32>, vector<16xi32>
      } {sc.loop_unroll_factor = 10 : i64, sc.parallel_access}
      %add3A_181 = arith.addf %parallel_loop3A_180#0, %parallel_loop3A_180#1 : vector<16xf32>
      %add3A_182 = arith.addf %parallel_loop3A_180#2, %parallel_loop3A_180#3 : vector<16xf32>
      %add3A_183 = arith.addf %add3A_181, %add3A_182 : vector<16xf32>
      %div3A = arith.constant 1.000000e+00 : f32
      %div3A_184 = vector.broadcast %div3A : f32 to vector<16xf32>
      %div3A_185 = arith.divf %div3A_184, %add3A_183 : vector<16xf32>
      %add3A_186 = arith.constant 15 : i32
      %add3A_187 = vector.broadcast %add3A_186 : i32 to vector<16xi32>
      %add3A_188 = arith.addi %mul3A_3, %add3A_187 : vector<16xi32>
      %add3A_189 = arith.constant 30 : i32
      %add3A_190 = vector.broadcast %add3A_189 : i32 to vector<16xi32>
      %add3A_191 = arith.addi %mul3A_3, %add3A_190 : vector<16xi32>
      %add3A_192 = arith.constant 45 : i32
      %add3A_193 = vector.broadcast %add3A_192 : i32 to vector<16xi32>
      %add3A_194 = arith.addi %mul3A_3, %add3A_193 : vector<16xi32>
      %parallel_loop3A_195 = arith.constant 0 : i32
      %parallel_loop3A_196 = arith.constant 100 : i32
      %parallel_loop3A_197 = arith.constant 1 : i32
      %parallel_loop3A_198:4 = scf.for %parallel_loop3A_554 = %parallel_loop3A_195 to %parallel_loop3A_196 step %parallel_loop3A_197 iter_args(%parallel_loop3A_555 = %mul3A_3, %parallel_loop3A_556 = %add3A_188, %parallel_loop3A_557 = %add3A_191, %parallel_loop3A_558 = %add3A_194) -> (vector<16xi32>, vector<16xi32>, vector<16xi32>, vector<16xi32>)  : i32 {
        %parallel_loop3A_559 = arith.constant 16 : i32
        %parallel_loop3A_560 = arith.muli %parallel_loop3A_554, %parallel_loop3A_559 : i32
        %parallel_loop3A_561 = arith.index_cast %parallel_loop3A_560 : i32 to index
        %parallel_loop3A_562 = tpu.vector_load %arg10[%parallel_loop3A_561] {strides = array<i32>} : memref<1600xf32, #tpu.memory_space<vmem>>, vector<16xf32>,
        %parallel_loop3A_563 = arith.mulf %parallel_loop3A_562, %div3A_185 : vector<16xf32>
        %parallel_loop3A_564 = arith.constant 1.500000e+01 : f32
        %parallel_loop3A_565 = vector.broadcast %parallel_loop3A_564 : f32 to vector<16xf32>
        %parallel_loop3A_566 = arith.mulf %parallel_loop3A_563, %parallel_loop3A_565 : vector<16xf32>
        %parallel_loop3A_567 = arith.fptosi %parallel_loop3A_566 : vector<16xf32> to vector<16xi32>
        %parallel_loop3A_568 = arith.sitofp %parallel_loop3A_567 : vector<16xi32> to vector<16xf32>
        %parallel_loop3A_569 = arith.cmpf oeq, %parallel_loop3A_566, %parallel_loop3A_568 : vector<16xf32>
        %parallel_loop3A_570 = arith.extui %parallel_loop3A_569 : vector<16xi1> to vector<16xi32>
        %parallel_loop3A_571 = arith.subi %parallel_loop3A_567, %parallel_loop3A_570 : vector<16xi32>
        %parallel_loop3A_572 = arith.constant 0 : i32
        %parallel_loop3A_573 = arith.constant 14 : i32
        %parallel_loop3A_574 = vector.broadcast %parallel_loop3A_572 : i32 to vector<16xi32>
        %parallel_loop3A_575 = arith.maxsi %parallel_loop3A_574, %parallel_loop3A_571 : vector<16xi32>
        %parallel_loop3A_576 = vector.broadcast %parallel_loop3A_573 : i32 to vector<16xi32>
        %parallel_loop3A_577 = arith.minsi %parallel_loop3A_576, %parallel_loop3A_575 : vector<16xi32>
        %parallel_loop3A_578 = arith.addi %parallel_loop3A_555, %parallel_loop3A_577 : vector<16xi32>
        tpu.vector_store_idx %arg11[%parallel_loop3A_578], %broadcast_in_dim3A_15 masked %gt3A_167 {add = true} : memref<24080xf32, #tpu.memory_space<vmem>>[vector<16xi32>], vector<16xf32>, vector<16xi1>
        tpu.vector_store_idx %arg12[%parallel_loop3A_578], %parallel_loop3A_563 masked %gt3A_167 {add = true} : memref<24080xf32, #tpu.memory_space<vmem>>[vector<16xi32>], vector<16xf32>, vector<16xi1>
        %parallel_loop3A_579 = arith.constant 60 : i32
        %parallel_loop3A_580 = vector.broadcast %parallel_loop3A_579 : i32 to vector<16xi32>
        %parallel_loop3A_581 = arith.addi %parallel_loop3A_555, %parallel_loop3A_580 : vector<16xi32>
        scf.yield %parallel_loop3A_556, %parallel_loop3A_557, %parallel_loop3A_558, %parallel_loop3A_581 : vector<16xi32>, vector<16xi32>, vector<16xi32>, vector<16xi32>
      } {sc.loop_unroll_factor = 10 : i64, sc.parallel_access}
      %mul3A_199 = arith.constant 16 : i32
      %mul3A_200 = arith.muli %add3A_144, %mul3A_199 : i32
      %get3A = arith.index_cast %mul3A_200 : i32 to index
      %get3A_201 = tpu.vector_load %arg8[%get3A] {strides = array<i32>} : memref<3136xi32, #tpu.memory_space<vmem>>, vector<16xi32>,
      %jit3A = arith.constant 0 : i32
      %jit3A_202 = arith.constant 99 : i32
      %max3A = vector.broadcast %jit3A : i32 to vector<16xi32>
      %max3A_203 = arith.maxsi %max3A, %get3A_201 : vector<16xi32>
      %min3A_204 = vector.broadcast %jit3A_202 : i32 to vector<16xi32>
      %min3A_205 = arith.minsi %min3A_204, %max3A_203 : vector<16xi32>
      %mul3A_206 = arith.constant 16 : i32
      %mul3A_207 = vector.broadcast %mul3A_206 : i32 to vector<16xi32>
      %mul3A_208 = arith.muli %min3A_205, %mul3A_207 : vector<16xi32>
      %add3A_209 = arith.addi %mul3A_208, %iota3A : vector<16xi32>
      %gather3A = tpu.vector_load_idx %arg10[%add3A_209] : memref<1600xf32, #tpu.memory_space<vmem>>[vector<16xi32>], vector<16xf32>,
      %mul3A_210 = arith.mulf %gather3A, %div3A_185 : vector<16xf32>
      %mul3A_211 = arith.constant 1.500000e+01 : f32
      %mul3A_212 = vector.broadcast %mul3A_211 : f32 to vector<16xf32>
      %mul3A_213 = arith.mulf %mul3A_210, %mul3A_212 : vector<16xf32>
      %convert_element_type3A_214 = arith.fptosi %mul3A_213 : vector<16xf32> to vector<16xi32>
      %convert_element_type3A_215 = arith.sitofp %convert_element_type3A_214 : vector<16xi32> to vector<16xf32>
      %eq3A = arith.cmpf oeq, %mul3A_213, %convert_element_type3A_215 : vector<16xf32>
      %convert_element_type3A_216 = arith.extui %eq3A : vector<16xi1> to vector<16xi32>
      %sub3A = arith.subi %convert_element_type3A_214, %convert_element_type3A_216 : vector<16xi32>
      %jit3A_217 = arith.constant 0 : i32
      %jit3A_218 = arith.constant 14 : i32
      %max3A_219 = vector.broadcast %jit3A_217 : i32 to vector<16xi32>
      %max3A_220 = arith.maxsi %max3A_219, %sub3A : vector<16xi32>
      %min3A_221 = vector.broadcast %jit3A_218 : i32 to vector<16xi32>
      %min3A_222 = arith.minsi %min3A_221, %max3A_220 : vector<16xi32>
      %mul3A_223 = arith.constant 15 : i32
      %mul3A_224 = vector.broadcast %mul3A_223 : i32 to vector<16xi32>
      %mul3A_225 = arith.muli %min3A_205, %mul3A_224 : vector<16xi32>
      %add3A_226 = arith.addi %mul3A_225, %min3A_222 : vector<16xi32>
      %add3A_227 = arith.addi %mul3A_3, %add3A_226 : vector<16xi32>
      tpu.vector_store_idx %arg13[%add3A_227], %broadcast_in_dim3A_15 masked %gt3A_167 {add = true} : memref<24080xf32, #tpu.memory_space<vmem>>[vector<16xi32>], vector<16xf32>, vector<16xi1>
      %max3A_228 = arith.maxsi %scan3A_140, %min3A_205 : vector<16xi32>
      %select_n3A = arith.select %lt3A_162, %max3A_228, %scan3A_140 : vector<16xi32>
      %add3A_229 = arith.constant 4 : i32
      %add3A_230 = arith.addi %add3A_144, %add3A_229 : i32
      %lt3A_231 = arith.constant 196 : i32
      %lt3A_232 = arith.cmpi slt, %add3A_230, %lt3A_231 : i32
      %convert_element_type3A_233 = arith.extui %lt3A_232 : i1 to i32
      %cond3A_234 = arith.constant 0 : i32
      %cond3A_235 = arith.cmpi ne, %convert_element_type3A_233, %cond3A_234 : i32
      scf.if %cond3A_235 {
        %mul3A_554 = arith.constant 16 : i32
        %mul3A_555 = arith.muli %add3A_230, %mul3A_554 : i32
        %add3A_556 = arith.addi %mul3A_9, %mul3A_555 : i32
        %min3A_557 = arith.constant 99984 : i32
        %min3A_558 = arith.minsi %add3A_556, %min3A_557 : i32
        %dma_start3A_559 = arith.constant 0 : i32
        %dma_start3A_560 = arith.constant 0 : i32
        %dma_start3A_561 = arith.constant 0 : i32
        %dma_start3A_562 = tpu.memref_slice %arg9[%dma_start3A_559, %dma_start3A_560, %dma_start3A_561] : memref<4x16x100xf32, #tpu.memory_space<vmem>> -> memref<1x16x100xf32, #tpu.memory_space<vmem>>
        %dma_start3A_563 = tpu.memref_squeeze %dma_start3A_562 : memref<1x16x100xf32, #tpu.memory_space<vmem>> -> memref<16x100xf32, #tpu.memory_space<vmem>>
        %dma_start3A_564 = arith.constant 0 : i32
        %dma_start3A_565 = tpu.memref_slice %arg2[%min3A_558, %dma_start3A_564] : memref<100000x100xf32, #tpu.memory_space<hbm>> -> memref<16x100xf32, #tpu.memory_space<hbm>>
        %dma_start3A_566 = arith.constant 0 : i32
        %dma_start3A_567 = arith.constant 0 : i32
        %dma_start3A_568 = tpu.memref_slice %arg9[%dma_start3A_559, %dma_start3A_566, %dma_start3A_567] : memref<4x16x100xf32, #tpu.memory_space<vmem>> -> memref<1x16x100xf32, #tpu.memory_space<vmem>>
        %dma_start3A_569 = tpu.memref_squeeze %dma_start3A_568 : memref<1x16x100xf32, #tpu.memory_space<vmem>> -> memref<16x100xf32, #tpu.memory_space<vmem>>
        %dma_start3A_570 = arith.constant 0 : i32
        %dma_start3A_571 = tpu.memref_slice %arg2[%min3A_558, %dma_start3A_570] : memref<100000x100xf32, #tpu.memory_space<hbm>> -> memref<16x100xf32, #tpu.memory_space<hbm>>
        tpu.enqueue_dma source(%dma_start3A_571 : memref<16x100xf32, #tpu.memory_space<hbm>>) target(%dma_start3A_569 : memref<16x100xf32, #tpu.memory_space<vmem>>) target_semaphore(%arg17 : memref<!tpu.dma_semaphore, #tpu.memory_space<semaphore_mem>>)
      } else {
      }
      %mul3A_236 = arith.constant 4 : i32
      %mul3A_237 = arith.muli %scan3A_139, %mul3A_236 : i32
      %add3A_238 = arith.constant 1 : i32
      %add3A_239 = arith.addi %mul3A_237, %add3A_238 : i32
      %mul3A_240 = arith.constant 16 : i32
      %mul3A_241 = arith.muli %add3A_239, %mul3A_240 : i32
      %add3A_242 = arith.addi %mul3A_9, %mul3A_241 : i32
      %min3A_243 = arith.constant 99984 : i32
      %min3A_244 = arith.minsi %add3A_242, %min3A_243 : i32
      %dma_wait3A_245 = arith.constant 1 : i32
      %dma_wait3A_246 = arith.constant 0 : i32
      %dma_wait3A_247 = arith.constant 0 : i32
      %dma_wait3A_248 = tpu.memref_slice %arg9[%dma_wait3A_245, %dma_wait3A_246, %dma_wait3A_247] : memref<4x16x100xf32, #tpu.memory_space<vmem>> -> memref<1x16x100xf32, #tpu.memory_space<vmem>>
      %dma_wait3A_249 = tpu.memref_squeeze %dma_wait3A_248 : memref<1x16x100xf32, #tpu.memory_space<vmem>> -> memref<16x100xf32, #tpu.memory_space<vmem>>
      %dma_wait3A_250 = arith.constant 0 : i32
      %dma_wait3A_251 = tpu.memref_slice %arg2[%min3A_244, %dma_wait3A_250] : memref<100000x100xf32, #tpu.memory_space<hbm>> -> memref<16x100xf32, #tpu.memory_space<hbm>>
      %dma_wait3A_252 = arith.constant 0 : i32
      %dma_wait3A_253 = arith.constant 0 : i32
      %dma_wait3A_254 = tpu.memref_slice %arg9[%dma_wait3A_245, %dma_wait3A_252, %dma_wait3A_253] : memref<4x16x100xf32, #tpu.memory_space<vmem>> -> memref<1x16x100xf32, #tpu.memory_space<vmem>>
      %dma_wait3A_255 = tpu.memref_squeeze %dma_wait3A_254 : memref<1x16x100xf32, #tpu.memory_space<vmem>> -> memref<16x100xf32, #tpu.memory_space<vmem>>
      %dma_wait3A_256 = arith.constant 0 : i32
      %dma_wait3A_257 = tpu.memref_slice %arg2[%min3A_244, %dma_wait3A_256] : memref<100000x100xf32, #tpu.memory_space<hbm>> -> memref<16x100xf32, #tpu.memory_space<hbm>>
      tpu.wait_dma2 semaphore(%arg18 : memref<!tpu.dma_semaphore, #tpu.memory_space<semaphore_mem>>) src(%dma_wait3A_257 : memref<16x100xf32, #tpu.memory_space<hbm>>) dst(%dma_wait3A_255 : memref<16x100xf32, #tpu.memory_space<vmem>>)
      %lt3A_258 = arith.cmpi slt, %add3A_239, %add3A_12 : i32
      %convert_element_type3A_259 = arith.extui %lt3A_258 : i1 to i32
      %add3A_260 = vector.broadcast %convert_element_type3A_259 : i32 to vector<16xi32>
      %add3A_261 = arith.addi %broadcast_in_dim3A_97, %add3A_260 : vector<16xi32>
      %gt3A_262 = arith.constant 0 : i32
      %gt3A_263 = vector.broadcast %gt3A_262 : i32 to vector<16xi32>
      %gt3A_264 = arith.cmpi sgt, %add3A_261, %gt3A_263 : vector<16xi32>
      %add3A_265 = arith.constant 1 : i32
      %add3A_266 = vector.broadcast %add3A_265 : i32 to vector<16xi32>
      %add3A_267 = arith.addi %broadcast_in_dim3A_97, %add3A_266 : vector<16xi32>
      %add3A_268 = arith.constant 2 : i32
      %add3A_269 = vector.broadcast %add3A_268 : i32 to vector<16xi32>
      %add3A_270 = arith.addi %broadcast_in_dim3A_97, %add3A_269 : vector<16xi32>
      %add3A_271 = arith.constant 3 : i32
      %add3A_272 = vector.broadcast %add3A_271 : i32 to vector<16xi32>
      %add3A_273 = arith.addi %broadcast_in_dim3A_97, %add3A_272 : vector<16xi32>
      %parallel_loop3A_274 = arith.constant 0 : i32
      %parallel_loop3A_275 = arith.constant 100 : i32
      %parallel_loop3A_276 = arith.constant 1 : i32
      %parallel_loop3A_277 = arith.constant 1 : i32
      %parallel_loop3A_278:8 = scf.for %parallel_loop3A_554 = %parallel_loop3A_274 to %parallel_loop3A_275 step %parallel_loop3A_276 iter_args(%parallel_loop3A_555 = %broadcast_in_dim3A_13, %parallel_loop3A_556 = %broadcast_in_dim3A_13, %parallel_loop3A_557 = %broadcast_in_dim3A_13, %parallel_loop3A_558 = %broadcast_in_dim3A_13, %parallel_loop3A_559 = %broadcast_in_dim3A_97, %parallel_loop3A_560 = %add3A_267, %parallel_loop3A_561 = %add3A_270, %parallel_loop3A_562 = %add3A_273) -> (vector<16xf32>, vector<16xf32>, vector<16xf32>, vector<16xf32>, vector<16xi32>, vector<16xi32>, vector<16xi32>, vector<16xi32>)  : i32 {
        %parallel_loop3A_563 = arith.constant 0 : i32
        %parallel_loop3A_564 = arith.constant 0 : i32
        %parallel_loop3A_565 = tpu.memref_slice %arg9[%parallel_loop3A_277, %parallel_loop3A_563, %parallel_loop3A_564] : memref<4x16x100xf32, #tpu.memory_space<vmem>> -> memref<1x16x100xf32, #tpu.memory_space<vmem>>
        %parallel_loop3A_566 = tpu.memref_squeeze %parallel_loop3A_565 : memref<1x16x100xf32, #tpu.memory_space<vmem>> -> memref<16x100xf32, #tpu.memory_space<vmem>>
        %parallel_loop3A_567 = tpu.vector_load_idx %parallel_loop3A_566[%iota3A, %parallel_loop3A_559] : memref<16x100xf32, #tpu.memory_space<vmem>>[vector<16xi32>, vector<16xi32>], vector<16xf32>,
        %parallel_loop3A_568 = math.exp %parallel_loop3A_567 : vector<16xf32>
        %parallel_loop3A_569 = arith.constant 16 : i32
        %parallel_loop3A_570 = arith.muli %parallel_loop3A_554, %parallel_loop3A_569 : i32
        %parallel_loop3A_571 = arith.index_cast %parallel_loop3A_570 : i32 to index
        %parallel_loop3A_572 = tpu.vector_load %arg10[%parallel_loop3A_571] {strides = array<i32>} : memref<1600xf32, #tpu.memory_space<vmem>>, vector<16xf32>,
        tpu.vector_store %arg10[%parallel_loop3A_571], %parallel_loop3A_568 {strides = array<i32>} : memref<1600xf32, #tpu.memory_space<vmem>>, vector<16xf32>,
        %parallel_loop3A_573 = arith.addf %parallel_loop3A_555, %parallel_loop3A_568 : vector<16xf32>
        %parallel_loop3A_574 = arith.constant 4 : i32
        %parallel_loop3A_575 = vector.broadcast %parallel_loop3A_574 : i32 to vector<16xi32>
        %parallel_loop3A_576 = arith.addi %parallel_loop3A_559, %parallel_loop3A_575 : vector<16xi32>
        scf.yield %parallel_loop3A_556, %parallel_loop3A_557, %parallel_loop3A_558, %parallel_loop3A_573, %parallel_loop3A_560, %parallel_loop3A_561, %parallel_loop3A_562, %parallel_loop3A_576 : vector<16xf32>, vector<16xf32>, vector<16xf32>, vector<16xf32>, vector<16xi32>, vector<16xi32>, vector<16xi32>, vector<16xi32>
      } {sc.loop_unroll_factor = 10 : i64, sc.parallel_access}
      %add3A_279 = arith.addf %parallel_loop3A_278#0, %parallel_loop3A_278#1 : vector<16xf32>
      %add3A_280 = arith.addf %parallel_loop3A_278#2, %parallel_loop3A_278#3 : vector<16xf32>
      %add3A_281 = arith.addf %add3A_279, %add3A_280 : vector<16xf32>
      %div3A_282 = arith.constant 1.000000e+00 : f32
      %div3A_283 = vector.broadcast %div3A_282 : f32 to vector<16xf32>
      %div3A_284 = arith.divf %div3A_283, %add3A_281 : vector<16xf32>
      %add3A_285 = arith.constant 15 : i32
      %add3A_286 = vector.broadcast %add3A_285 : i32 to vector<16xi32>
      %add3A_287 = arith.addi %mul3A_3, %add3A_286 : vector<16xi32>
      %add3A_288 = arith.constant 30 : i32
      %add3A_289 = vector.broadcast %add3A_288 : i32 to vector<16xi32>
      %add3A_290 = arith.addi %mul3A_3, %add3A_289 : vector<16xi32>
      %add3A_291 = arith.constant 45 : i32
      %add3A_292 = vector.broadcast %add3A_291 : i32 to vector<16xi32>
      %add3A_293 = arith.addi %mul3A_3, %add3A_292 : vector<16xi32>
      %parallel_loop3A_294 = arith.constant 0 : i32
      %parallel_loop3A_295 = arith.constant 100 : i32
      %parallel_loop3A_296 = arith.constant 1 : i32
      %parallel_loop3A_297:4 = scf.for %parallel_loop3A_554 = %parallel_loop3A_294 to %parallel_loop3A_295 step %parallel_loop3A_296 iter_args(%parallel_loop3A_555 = %mul3A_3, %parallel_loop3A_556 = %add3A_287, %parallel_loop3A_557 = %add3A_290, %parallel_loop3A_558 = %add3A_293) -> (vector<16xi32>, vector<16xi32>, vector<16xi32>, vector<16xi32>)  : i32 {
        %parallel_loop3A_559 = arith.constant 16 : i32
        %parallel_loop3A_560 = arith.muli %parallel_loop3A_554, %parallel_loop3A_559 : i32
        %parallel_loop3A_561 = arith.index_cast %parallel_loop3A_560 : i32 to index
        %parallel_loop3A_562 = tpu.vector_load %arg10[%parallel_loop3A_561] {strides = array<i32>} : memref<1600xf32, #tpu.memory_space<vmem>>, vector<16xf32>,
        %parallel_loop3A_563 = arith.mulf %parallel_loop3A_562, %div3A_284 : vector<16xf32>
        %parallel_loop3A_564 = arith.constant 1.500000e+01 : f32
        %parallel_loop3A_565 = vector.broadcast %parallel_loop3A_564 : f32 to vector<16xf32>
        %parallel_loop3A_566 = arith.mulf %parallel_loop3A_563, %parallel_loop3A_565 : vector<16xf32>
        %parallel_loop3A_567 = arith.fptosi %parallel_loop3A_566 : vector<16xf32> to vector<16xi32>
        %parallel_loop3A_568 = arith.sitofp %parallel_loop3A_567 : vector<16xi32> to vector<16xf32>
        %parallel_loop3A_569 = arith.cmpf oeq, %parallel_loop3A_566, %parallel_loop3A_568 : vector<16xf32>
        %parallel_loop3A_570 = arith.extui %parallel_loop3A_569 : vector<16xi1> to vector<16xi32>
        %parallel_loop3A_571 = arith.subi %parallel_loop3A_567, %parallel_loop3A_570 : vector<16xi32>
        %parallel_loop3A_572 = arith.constant 0 : i32
        %parallel_loop3A_573 = arith.constant 14 : i32
        %parallel_loop3A_574 = vector.broadcast %parallel_loop3A_572 : i32 to vector<16xi32>
        %parallel_loop3A_575 = arith.maxsi %parallel_loop3A_574, %parallel_loop3A_571 : vector<16xi32>
        %parallel_loop3A_576 = vector.broadcast %parallel_loop3A_573 : i32 to vector<16xi32>
        %parallel_loop3A_577 = arith.minsi %parallel_loop3A_576, %parallel_loop3A_575 : vector<16xi32>
        %parallel_loop3A_578 = arith.addi %parallel_loop3A_555, %parallel_loop3A_577 : vector<16xi32>
        tpu.vector_store_idx %arg11[%parallel_loop3A_578], %broadcast_in_dim3A_15 masked %gt3A_264 {add = true} : memref<24080xf32, #tpu.memory_space<vmem>>[vector<16xi32>], vector<16xf32>, vector<16xi1>
        tpu.vector_store_idx %arg12[%parallel_loop3A_578], %parallel_loop3A_563 masked %gt3A_264 {add = true} : memref<24080xf32, #tpu.memory_space<vmem>>[vector<16xi32>], vector<16xf32>, vector<16xi1>
        %parallel_loop3A_579 = arith.constant 60 : i32
        %parallel_loop3A_580 = vector.broadcast %parallel_loop3A_579 : i32 to vector<16xi32>
        %parallel_loop3A_581 = arith.addi %parallel_loop3A_555, %parallel_loop3A_580 : vector<16xi32>
        scf.yield %parallel_loop3A_556, %parallel_loop3A_557, %parallel_loop3A_558, %parallel_loop3A_581 : vector<16xi32>, vector<16xi32>, vector<16xi32>, vector<16xi32>
      } {sc.loop_unroll_factor = 10 : i64, sc.parallel_access}
      %mul3A_298 = arith.constant 16 : i32
      %mul3A_299 = arith.muli %add3A_239, %mul3A_298 : i32
      %get3A_300 = arith.index_cast %mul3A_299 : i32 to index
      %get3A_301 = tpu.vector_load %arg8[%get3A_300] {strides = array<i32>} : memref<3136xi32, #tpu.memory_space<vmem>>, vector<16xi32>,
      %jit3A_302 = arith.constant 0 : i32
      %jit3A_303 = arith.constant 99 : i32
      %max3A_304 = vector.broadcast %jit3A_302 : i32 to vector<16xi32>
      %max3A_305 = arith.maxsi %max3A_304, %get3A_301 : vector<16xi32>
      %min3A_306 = vector.broadcast %jit3A_303 : i32 to vector<16xi32>
      %min3A_307 = arith.minsi %min3A_306, %max3A_305 : vector<16xi32>
      %mul3A_308 = arith.constant 16 : i32
      %mul3A_309 = vector.broadcast %mul3A_308 : i32 to vector<16xi32>
      %mul3A_310 = arith.muli %min3A_307, %mul3A_309 : vector<16xi32>
      %add3A_311 = arith.addi %mul3A_310, %iota3A : vector<16xi32>
      %gather3A_312 = tpu.vector_load_idx %arg10[%add3A_311] : memref<1600xf32, #tpu.memory_space<vmem>>[vector<16xi32>], vector<16xf32>,
      %mul3A_313 = arith.mulf %gather3A_312, %div3A_284 : vector<16xf32>
      %mul3A_314 = arith.constant 1.500000e+01 : f32
      %mul3A_315 = vector.broadcast %mul3A_314 : f32 to vector<16xf32>
      %mul3A_316 = arith.mulf %mul3A_313, %mul3A_315 : vector<16xf32>
      %convert_element_type3A_317 = arith.fptosi %mul3A_316 : vector<16xf32> to vector<16xi32>
      %convert_element_type3A_318 = arith.sitofp %convert_element_type3A_317 : vector<16xi32> to vector<16xf32>
      %eq3A_319 = arith.cmpf oeq, %mul3A_316, %convert_element_type3A_318 : vector<16xf32>
      %convert_element_type3A_320 = arith.extui %eq3A_319 : vector<16xi1> to vector<16xi32>
      %sub3A_321 = arith.subi %convert_element_type3A_317, %convert_element_type3A_320 : vector<16xi32>
      %jit3A_322 = arith.constant 0 : i32
      %jit3A_323 = arith.constant 14 : i32
      %max3A_324 = vector.broadcast %jit3A_322 : i32 to vector<16xi32>
      %max3A_325 = arith.maxsi %max3A_324, %sub3A_321 : vector<16xi32>
      %min3A_326 = vector.broadcast %jit3A_323 : i32 to vector<16xi32>
      %min3A_327 = arith.minsi %min3A_326, %max3A_325 : vector<16xi32>
      %mul3A_328 = arith.constant 15 : i32
      %mul3A_329 = vector.broadcast %mul3A_328 : i32 to vector<16xi32>
      %mul3A_330 = arith.muli %min3A_307, %mul3A_329 : vector<16xi32>
      %add3A_331 = arith.addi %mul3A_330, %min3A_327 : vector<16xi32>
      %add3A_332 = arith.addi %mul3A_3, %add3A_331 : vector<16xi32>
      tpu.vector_store_idx %arg13[%add3A_332], %broadcast_in_dim3A_15 masked %gt3A_264 {add = true} : memref<24080xf32, #tpu.memory_space<vmem>>[vector<16xi32>], vector<16xf32>, vector<16xi1>
      %max3A_333 = arith.maxsi %select_n3A, %min3A_307 : vector<16xi32>
      %select_n3A_334 = arith.select %lt3A_258, %max3A_333, %select_n3A : vector<16xi32>
      %add3A_335 = arith.constant 4 : i32
      %add3A_336 = arith.addi %add3A_239, %add3A_335 : i32
      %lt3A_337 = arith.constant 196 : i32
      %lt3A_338 = arith.cmpi slt, %add3A_336, %lt3A_337 : i32
      %convert_element_type3A_339 = arith.extui %lt3A_338 : i1 to i32
      %cond3A_340 = arith.constant 0 : i32
      %cond3A_341 = arith.cmpi ne, %convert_element_type3A_339, %cond3A_340 : i32
      scf.if %cond3A_341 {
        %mul3A_554 = arith.constant 16 : i32
        %mul3A_555 = arith.muli %add3A_336, %mul3A_554 : i32
        %add3A_556 = arith.addi %mul3A_9, %mul3A_555 : i32
        %min3A_557 = arith.constant 99984 : i32
        %min3A_558 = arith.minsi %add3A_556, %min3A_557 : i32
        %dma_start3A_559 = arith.constant 1 : i32
        %dma_start3A_560 = arith.constant 0 : i32
        %dma_start3A_561 = arith.constant 0 : i32
        %dma_start3A_562 = tpu.memref_slice %arg9[%dma_start3A_559, %dma_start3A_560, %dma_start3A_561] : memref<4x16x100xf32, #tpu.memory_space<vmem>> -> memref<1x16x100xf32, #tpu.memory_space<vmem>>
        %dma_start3A_563 = tpu.memref_squeeze %dma_start3A_562 : memref<1x16x100xf32, #tpu.memory_space<vmem>> -> memref<16x100xf32, #tpu.memory_space<vmem>>
        %dma_start3A_564 = arith.constant 0 : i32
        %dma_start3A_565 = tpu.memref_slice %arg2[%min3A_558, %dma_start3A_564] : memref<100000x100xf32, #tpu.memory_space<hbm>> -> memref<16x100xf32, #tpu.memory_space<hbm>>
        %dma_start3A_566 = arith.constant 0 : i32
        %dma_start3A_567 = arith.constant 0 : i32
        %dma_start3A_568 = tpu.memref_slice %arg9[%dma_start3A_559, %dma_start3A_566, %dma_start3A_567] : memref<4x16x100xf32, #tpu.memory_space<vmem>> -> memref<1x16x100xf32, #tpu.memory_space<vmem>>
        %dma_start3A_569 = tpu.memref_squeeze %dma_start3A_568 : memref<1x16x100xf32, #tpu.memory_space<vmem>> -> memref<16x100xf32, #tpu.memory_space<vmem>>
        %dma_start3A_570 = arith.constant 0 : i32
        %dma_start3A_571 = tpu.memref_slice %arg2[%min3A_558, %dma_start3A_570] : memref<100000x100xf32, #tpu.memory_space<hbm>> -> memref<16x100xf32, #tpu.memory_space<hbm>>
        tpu.enqueue_dma source(%dma_start3A_571 : memref<16x100xf32, #tpu.memory_space<hbm>>) target(%dma_start3A_569 : memref<16x100xf32, #tpu.memory_space<vmem>>) target_semaphore(%arg18 : memref<!tpu.dma_semaphore, #tpu.memory_space<semaphore_mem>>)
      } else {
      }
      %mul3A_342 = arith.constant 4 : i32
      %mul3A_343 = arith.muli %scan3A_139, %mul3A_342 : i32
      %add3A_344 = arith.constant 2 : i32
      %add3A_345 = arith.addi %mul3A_343, %add3A_344 : i32
      %mul3A_346 = arith.constant 16 : i32
      %mul3A_347 = arith.muli %add3A_345, %mul3A_346 : i32
      %add3A_348 = arith.addi %mul3A_9, %mul3A_347 : i32
      %min3A_349 = arith.constant 99984 : i32
      %min3A_350 = arith.minsi %add3A_348, %min3A_349 : i32
      %dma_wait3A_351 = arith.constant 2 : i32
      %dma_wait3A_352 = arith.constant 0 : i32
      %dma_wait3A_353 = arith.constant 0 : i32
      %dma_wait3A_354 = tpu.memref_slice %arg9[%dma_wait3A_351, %dma_wait3A_352, %dma_wait3A_353] : memref<4x16x100xf32, #tpu.memory_space<vmem>> -> memref<1x16x100xf32, #tpu.memory_space<vmem>>
      %dma_wait3A_355 = tpu.memref_squeeze %dma_wait3A_354 : memref<1x16x100xf32, #tpu.memory_space<vmem>> -> memref<16x100xf32, #tpu.memory_space<vmem>>
      %dma_wait3A_356 = arith.constant 0 : i32
      %dma_wait3A_357 = tpu.memref_slice %arg2[%min3A_350, %dma_wait3A_356] : memref<100000x100xf32, #tpu.memory_space<hbm>> -> memref<16x100xf32, #tpu.memory_space<hbm>>
      %dma_wait3A_358 = arith.constant 0 : i32
      %dma_wait3A_359 = arith.constant 0 : i32
      %dma_wait3A_360 = tpu.memref_slice %arg9[%dma_wait3A_351, %dma_wait3A_358, %dma_wait3A_359] : memref<4x16x100xf32, #tpu.memory_space<vmem>> -> memref<1x16x100xf32, #tpu.memory_space<vmem>>
      %dma_wait3A_361 = tpu.memref_squeeze %dma_wait3A_360 : memref<1x16x100xf32, #tpu.memory_space<vmem>> -> memref<16x100xf32, #tpu.memory_space<vmem>>
      %dma_wait3A_362 = arith.constant 0 : i32
      %dma_wait3A_363 = tpu.memref_slice %arg2[%min3A_350, %dma_wait3A_362] : memref<100000x100xf32, #tpu.memory_space<hbm>> -> memref<16x100xf32, #tpu.memory_space<hbm>>
      tpu.wait_dma2 semaphore(%arg19 : memref<!tpu.dma_semaphore, #tpu.memory_space<semaphore_mem>>) src(%dma_wait3A_363 : memref<16x100xf32, #tpu.memory_space<hbm>>) dst(%dma_wait3A_361 : memref<16x100xf32, #tpu.memory_space<vmem>>)
      %lt3A_364 = arith.cmpi slt, %add3A_345, %add3A_12 : i32
      %convert_element_type3A_365 = arith.extui %lt3A_364 : i1 to i32
      %add3A_366 = vector.broadcast %convert_element_type3A_365 : i32 to vector<16xi32>
      %add3A_367 = arith.addi %broadcast_in_dim3A_97, %add3A_366 : vector<16xi32>
      %gt3A_368 = arith.constant 0 : i32
      %gt3A_369 = vector.broadcast %gt3A_368 : i32 to vector<16xi32>
      %gt3A_370 = arith.cmpi sgt, %add3A_367, %gt3A_369 : vector<16xi32>
      %add3A_371 = arith.constant 1 : i32
      %add3A_372 = vector.broadcast %add3A_371 : i32 to vector<16xi32>
      %add3A_373 = arith.addi %broadcast_in_dim3A_97, %add3A_372 : vector<16xi32>
      %add3A_374 = arith.constant 2 : i32
      %add3A_375 = vector.broadcast %add3A_374 : i32 to vector<16xi32>
      %add3A_376 = arith.addi %broadcast_in_dim3A_97, %add3A_375 : vector<16xi32>
      %add3A_377 = arith.constant 3 : i32
      %add3A_378 = vector.broadcast %add3A_377 : i32 to vector<16xi32>
      %add3A_379 = arith.addi %broadcast_in_dim3A_97, %add3A_378 : vector<16xi32>
      %parallel_loop3A_380 = arith.constant 0 : i32
      %parallel_loop3A_381 = arith.constant 100 : i32
      %parallel_loop3A_382 = arith.constant 1 : i32
      %parallel_loop3A_383 = arith.constant 2 : i32
      %parallel_loop3A_384:8 = scf.for %parallel_loop3A_554 = %parallel_loop3A_380 to %parallel_loop3A_381 step %parallel_loop3A_382 iter_args(%parallel_loop3A_555 = %broadcast_in_dim3A_13, %parallel_loop3A_556 = %broadcast_in_dim3A_13, %parallel_loop3A_557 = %broadcast_in_dim3A_13, %parallel_loop3A_558 = %broadcast_in_dim3A_13, %parallel_loop3A_559 = %broadcast_in_dim3A_97, %parallel_loop3A_560 = %add3A_373, %parallel_loop3A_561 = %add3A_376, %parallel_loop3A_562 = %add3A_379) -> (vector<16xf32>, vector<16xf32>, vector<16xf32>, vector<16xf32>, vector<16xi32>, vector<16xi32>, vector<16xi32>, vector<16xi32>)  : i32 {
        %parallel_loop3A_563 = arith.constant 0 : i32
        %parallel_loop3A_564 = arith.constant 0 : i32
        %parallel_loop3A_565 = tpu.memref_slice %arg9[%parallel_loop3A_383, %parallel_loop3A_563, %parallel_loop3A_564] : memref<4x16x100xf32, #tpu.memory_space<vmem>> -> memref<1x16x100xf32, #tpu.memory_space<vmem>>
        %parallel_loop3A_566 = tpu.memref_squeeze %parallel_loop3A_565 : memref<1x16x100xf32, #tpu.memory_space<vmem>> -> memref<16x100xf32, #tpu.memory_space<vmem>>
        %parallel_loop3A_567 = tpu.vector_load_idx %parallel_loop3A_566[%iota3A, %parallel_loop3A_559] : memref<16x100xf32, #tpu.memory_space<vmem>>[vector<16xi32>, vector<16xi32>], vector<16xf32>,
        %parallel_loop3A_568 = math.exp %parallel_loop3A_567 : vector<16xf32>
        %parallel_loop3A_569 = arith.constant 16 : i32
        %parallel_loop3A_570 = arith.muli %parallel_loop3A_554, %parallel_loop3A_569 : i32
        %parallel_loop3A_571 = arith.index_cast %parallel_loop3A_570 : i32 to index
        %parallel_loop3A_572 = tpu.vector_load %arg10[%parallel_loop3A_571] {strides = array<i32>} : memref<1600xf32, #tpu.memory_space<vmem>>, vector<16xf32>,
        tpu.vector_store %arg10[%parallel_loop3A_571], %parallel_loop3A_568 {strides = array<i32>} : memref<1600xf32, #tpu.memory_space<vmem>>, vector<16xf32>,
        %parallel_loop3A_573 = arith.addf %parallel_loop3A_555, %parallel_loop3A_568 : vector<16xf32>
        %parallel_loop3A_574 = arith.constant 4 : i32
        %parallel_loop3A_575 = vector.broadcast %parallel_loop3A_574 : i32 to vector<16xi32>
        %parallel_loop3A_576 = arith.addi %parallel_loop3A_559, %parallel_loop3A_575 : vector<16xi32>
        scf.yield %parallel_loop3A_556, %parallel_loop3A_557, %parallel_loop3A_558, %parallel_loop3A_573, %parallel_loop3A_560, %parallel_loop3A_561, %parallel_loop3A_562, %parallel_loop3A_576 : vector<16xf32>, vector<16xf32>, vector<16xf32>, vector<16xf32>, vector<16xi32>, vector<16xi32>, vector<16xi32>, vector<16xi32>
      } {sc.loop_unroll_factor = 10 : i64, sc.parallel_access}
      %add3A_385 = arith.addf %parallel_loop3A_384#0, %parallel_loop3A_384#1 : vector<16xf32>
      %add3A_386 = arith.addf %parallel_loop3A_384#2, %parallel_loop3A_384#3 : vector<16xf32>
      %add3A_387 = arith.addf %add3A_385, %add3A_386 : vector<16xf32>
      %div3A_388 = arith.constant 1.000000e+00 : f32
      %div3A_389 = vector.broadcast %div3A_388 : f32 to vector<16xf32>
      %div3A_390 = arith.divf %div3A_389, %add3A_387 : vector<16xf32>
      %add3A_391 = arith.constant 15 : i32
      %add3A_392 = vector.broadcast %add3A_391 : i32 to vector<16xi32>
      %add3A_393 = arith.addi %mul3A_3, %add3A_392 : vector<16xi32>
      %add3A_394 = arith.constant 30 : i32
      %add3A_395 = vector.broadcast %add3A_394 : i32 to vector<16xi32>
      %add3A_396 = arith.addi %mul3A_3, %add3A_395 : vector<16xi32>
      %add3A_397 = arith.constant 45 : i32
      %add3A_398 = vector.broadcast %add3A_397 : i32 to vector<16xi32>
      %add3A_399 = arith.addi %mul3A_3, %add3A_398 : vector<16xi32>
      %parallel_loop3A_400 = arith.constant 0 : i32
      %parallel_loop3A_401 = arith.constant 100 : i32
      %parallel_loop3A_402 = arith.constant 1 : i32
      %parallel_loop3A_403:4 = scf.for %parallel_loop3A_554 = %parallel_loop3A_400 to %parallel_loop3A_401 step %parallel_loop3A_402 iter_args(%parallel_loop3A_555 = %mul3A_3, %parallel_loop3A_556 = %add3A_393, %parallel_loop3A_557 = %add3A_396, %parallel_loop3A_558 = %add3A_399) -> (vector<16xi32>, vector<16xi32>, vector<16xi32>, vector<16xi32>)  : i32 {
        %parallel_loop3A_559 = arith.constant 16 : i32
        %parallel_loop3A_560 = arith.muli %parallel_loop3A_554, %parallel_loop3A_559 : i32
        %parallel_loop3A_561 = arith.index_cast %parallel_loop3A_560 : i32 to index
        %parallel_loop3A_562 = tpu.vector_load %arg10[%parallel_loop3A_561] {strides = array<i32>} : memref<1600xf32, #tpu.memory_space<vmem>>, vector<16xf32>,
        %parallel_loop3A_563 = arith.mulf %parallel_loop3A_562, %div3A_390 : vector<16xf32>
        %parallel_loop3A_564 = arith.constant 1.500000e+01 : f32
        %parallel_loop3A_565 = vector.broadcast %parallel_loop3A_564 : f32 to vector<16xf32>
        %parallel_loop3A_566 = arith.mulf %parallel_loop3A_563, %parallel_loop3A_565 : vector<16xf32>
        %parallel_loop3A_567 = arith.fptosi %parallel_loop3A_566 : vector<16xf32> to vector<16xi32>
        %parallel_loop3A_568 = arith.sitofp %parallel_loop3A_567 : vector<16xi32> to vector<16xf32>
        %parallel_loop3A_569 = arith.cmpf oeq, %parallel_loop3A_566, %parallel_loop3A_568 : vector<16xf32>
        %parallel_loop3A_570 = arith.extui %parallel_loop3A_569 : vector<16xi1> to vector<16xi32>
        %parallel_loop3A_571 = arith.subi %parallel_loop3A_567, %parallel_loop3A_570 : vector<16xi32>
        %parallel_loop3A_572 = arith.constant 0 : i32
        %parallel_loop3A_573 = arith.constant 14 : i32
        %parallel_loop3A_574 = vector.broadcast %parallel_loop3A_572 : i32 to vector<16xi32>
        %parallel_loop3A_575 = arith.maxsi %parallel_loop3A_574, %parallel_loop3A_571 : vector<16xi32>
        %parallel_loop3A_576 = vector.broadcast %parallel_loop3A_573 : i32 to vector<16xi32>
        %parallel_loop3A_577 = arith.minsi %parallel_loop3A_576, %parallel_loop3A_575 : vector<16xi32>
        %parallel_loop3A_578 = arith.addi %parallel_loop3A_555, %parallel_loop3A_577 : vector<16xi32>
        tpu.vector_store_idx %arg11[%parallel_loop3A_578], %broadcast_in_dim3A_15 masked %gt3A_370 {add = true} : memref<24080xf32, #tpu.memory_space<vmem>>[vector<16xi32>], vector<16xf32>, vector<16xi1>
        tpu.vector_store_idx %arg12[%parallel_loop3A_578], %parallel_loop3A_563 masked %gt3A_370 {add = true} : memref<24080xf32, #tpu.memory_space<vmem>>[vector<16xi32>], vector<16xf32>, vector<16xi1>
        %parallel_loop3A_579 = arith.constant 60 : i32
        %parallel_loop3A_580 = vector.broadcast %parallel_loop3A_579 : i32 to vector<16xi32>
        %parallel_loop3A_581 = arith.addi %parallel_loop3A_555, %parallel_loop3A_580 : vector<16xi32>
        scf.yield %parallel_loop3A_556, %parallel_loop3A_557, %parallel_loop3A_558, %parallel_loop3A_581 : vector<16xi32>, vector<16xi32>, vector<16xi32>, vector<16xi32>
      } {sc.loop_unroll_factor = 10 : i64, sc.parallel_access}
      %mul3A_404 = arith.constant 16 : i32
      %mul3A_405 = arith.muli %add3A_345, %mul3A_404 : i32
      %get3A_406 = arith.index_cast %mul3A_405 : i32 to index
      %get3A_407 = tpu.vector_load %arg8[%get3A_406] {strides = array<i32>} : memref<3136xi32, #tpu.memory_space<vmem>>, vector<16xi32>,
      %jit3A_408 = arith.constant 0 : i32
      %jit3A_409 = arith.constant 99 : i32
      %max3A_410 = vector.broadcast %jit3A_408 : i32 to vector<16xi32>
      %max3A_411 = arith.maxsi %max3A_410, %get3A_407 : vector<16xi32>
      %min3A_412 = vector.broadcast %jit3A_409 : i32 to vector<16xi32>
      %min3A_413 = arith.minsi %min3A_412, %max3A_411 : vector<16xi32>
      %mul3A_414 = arith.constant 16 : i32
      %mul3A_415 = vector.broadcast %mul3A_414 : i32 to vector<16xi32>
      %mul3A_416 = arith.muli %min3A_413, %mul3A_415 : vector<16xi32>
      %add3A_417 = arith.addi %mul3A_416, %iota3A : vector<16xi32>
      %gather3A_418 = tpu.vector_load_idx %arg10[%add3A_417] : memref<1600xf32, #tpu.memory_space<vmem>>[vector<16xi32>], vector<16xf32>,
      %mul3A_419 = arith.mulf %gather3A_418, %div3A_390 : vector<16xf32>
      %mul3A_420 = arith.constant 1.500000e+01 : f32
      %mul3A_421 = vector.broadcast %mul3A_420 : f32 to vector<16xf32>
      %mul3A_422 = arith.mulf %mul3A_419, %mul3A_421 : vector<16xf32>
      %convert_element_type3A_423 = arith.fptosi %mul3A_422 : vector<16xf32> to vector<16xi32>
      %convert_element_type3A_424 = arith.sitofp %convert_element_type3A_423 : vector<16xi32> to vector<16xf32>
      %eq3A_425 = arith.cmpf oeq, %mul3A_422, %convert_element_type3A_424 : vector<16xf32>
      %convert_element_type3A_426 = arith.extui %eq3A_425 : vector<16xi1> to vector<16xi32>
      %sub3A_427 = arith.subi %convert_element_type3A_423, %convert_element_type3A_426 : vector<16xi32>
      %jit3A_428 = arith.constant 0 : i32
      %jit3A_429 = arith.constant 14 : i32
      %max3A_430 = vector.broadcast %jit3A_428 : i32 to vector<16xi32>
      %max3A_431 = arith.maxsi %max3A_430, %sub3A_427 : vector<16xi32>
      %min3A_432 = vector.broadcast %jit3A_429 : i32 to vector<16xi32>
      %min3A_433 = arith.minsi %min3A_432, %max3A_431 : vector<16xi32>
      %mul3A_434 = arith.constant 15 : i32
      %mul3A_435 = vector.broadcast %mul3A_434 : i32 to vector<16xi32>
      %mul3A_436 = arith.muli %min3A_413, %mul3A_435 : vector<16xi32>
      %add3A_437 = arith.addi %mul3A_436, %min3A_433 : vector<16xi32>
      %add3A_438 = arith.addi %mul3A_3, %add3A_437 : vector<16xi32>
      tpu.vector_store_idx %arg13[%add3A_438], %broadcast_in_dim3A_15 masked %gt3A_370 {add = true} : memref<24080xf32, #tpu.memory_space<vmem>>[vector<16xi32>], vector<16xf32>, vector<16xi1>
      %max3A_439 = arith.maxsi %select_n3A_334, %min3A_413 : vector<16xi32>
      %select_n3A_440 = arith.select %lt3A_364, %max3A_439, %select_n3A_334 : vector<16xi32>
      %add3A_441 = arith.constant 4 : i32
      %add3A_442 = arith.addi %add3A_345, %add3A_441 : i32
      %lt3A_443 = arith.constant 196 : i32
      %lt3A_444 = arith.cmpi slt, %add3A_442, %lt3A_443 : i32
      %convert_element_type3A_445 = arith.extui %lt3A_444 : i1 to i32
      %cond3A_446 = arith.constant 0 : i32
      %cond3A_447 = arith.cmpi ne, %convert_element_type3A_445, %cond3A_446 : i32
      scf.if %cond3A_447 {
        %mul3A_554 = arith.constant 16 : i32
        %mul3A_555 = arith.muli %add3A_442, %mul3A_554 : i32
        %add3A_556 = arith.addi %mul3A_9, %mul3A_555 : i32
        %min3A_557 = arith.constant 99984 : i32
        %min3A_558 = arith.minsi %add3A_556, %min3A_557 : i32
        %dma_start3A_559 = arith.constant 2 : i32
        %dma_start3A_560 = arith.constant 0 : i32
        %dma_start3A_561 = arith.constant 0 : i32
        %dma_start3A_562 = tpu.memref_slice %arg9[%dma_start3A_559, %dma_start3A_560, %dma_start3A_561] : memref<4x16x100xf32, #tpu.memory_space<vmem>> -> memref<1x16x100xf32, #tpu.memory_space<vmem>>
        %dma_start3A_563 = tpu.memref_squeeze %dma_start3A_562 : memref<1x16x100xf32, #tpu.memory_space<vmem>> -> memref<16x100xf32, #tpu.memory_space<vmem>>
        %dma_start3A_564 = arith.constant 0 : i32
        %dma_start3A_565 = tpu.memref_slice %arg2[%min3A_558, %dma_start3A_564] : memref<100000x100xf32, #tpu.memory_space<hbm>> -> memref<16x100xf32, #tpu.memory_space<hbm>>
        %dma_start3A_566 = arith.constant 0 : i32
        %dma_start3A_567 = arith.constant 0 : i32
        %dma_start3A_568 = tpu.memref_slice %arg9[%dma_start3A_559, %dma_start3A_566, %dma_start3A_567] : memref<4x16x100xf32, #tpu.memory_space<vmem>> -> memref<1x16x100xf32, #tpu.memory_space<vmem>>
        %dma_start3A_569 = tpu.memref_squeeze %dma_start3A_568 : memref<1x16x100xf32, #tpu.memory_space<vmem>> -> memref<16x100xf32, #tpu.memory_space<vmem>>
        %dma_start3A_570 = arith.constant 0 : i32
        %dma_start3A_571 = tpu.memref_slice %arg2[%min3A_558, %dma_start3A_570] : memref<100000x100xf32, #tpu.memory_space<hbm>> -> memref<16x100xf32, #tpu.memory_space<hbm>>
        tpu.enqueue_dma source(%dma_start3A_571 : memref<16x100xf32, #tpu.memory_space<hbm>>) target(%dma_start3A_569 : memref<16x100xf32, #tpu.memory_space<vmem>>) target_semaphore(%arg19 : memref<!tpu.dma_semaphore, #tpu.memory_space<semaphore_mem>>)
      } else {
      }
      %mul3A_448 = arith.constant 4 : i32
      %mul3A_449 = arith.muli %scan3A_139, %mul3A_448 : i32
      %add3A_450 = arith.constant 3 : i32
      %add3A_451 = arith.addi %mul3A_449, %add3A_450 : i32
      %mul3A_452 = arith.constant 16 : i32
      %mul3A_453 = arith.muli %add3A_451, %mul3A_452 : i32
      %add3A_454 = arith.addi %mul3A_9, %mul3A_453 : i32
      %min3A_455 = arith.constant 99984 : i32
      %min3A_456 = arith.minsi %add3A_454, %min3A_455 : i32
      %dma_wait3A_457 = arith.constant 3 : i32
      %dma_wait3A_458 = arith.constant 0 : i32
      %dma_wait3A_459 = arith.constant 0 : i32
      %dma_wait3A_460 = tpu.memref_slice %arg9[%dma_wait3A_457, %dma_wait3A_458, %dma_wait3A_459] : memref<4x16x100xf32, #tpu.memory_space<vmem>> -> memref<1x16x100xf32, #tpu.memory_space<vmem>>
      %dma_wait3A_461 = tpu.memref_squeeze %dma_wait3A_460 : memref<1x16x100xf32, #tpu.memory_space<vmem>> -> memref<16x100xf32, #tpu.memory_space<vmem>>
      %dma_wait3A_462 = arith.constant 0 : i32
      %dma_wait3A_463 = tpu.memref_slice %arg2[%min3A_456, %dma_wait3A_462] : memref<100000x100xf32, #tpu.memory_space<hbm>> -> memref<16x100xf32, #tpu.memory_space<hbm>>
      %dma_wait3A_464 = arith.constant 0 : i32
      %dma_wait3A_465 = arith.constant 0 : i32
      %dma_wait3A_466 = tpu.memref_slice %arg9[%dma_wait3A_457, %dma_wait3A_464, %dma_wait3A_465] : memref<4x16x100xf32, #tpu.memory_space<vmem>> -> memref<1x16x100xf32, #tpu.memory_space<vmem>>
      %dma_wait3A_467 = tpu.memref_squeeze %dma_wait3A_466 : memref<1x16x100xf32, #tpu.memory_space<vmem>> -> memref<16x100xf32, #tpu.memory_space<vmem>>
      %dma_wait3A_468 = arith.constant 0 : i32
      %dma_wait3A_469 = tpu.memref_slice %arg2[%min3A_456, %dma_wait3A_468] : memref<100000x100xf32, #tpu.memory_space<hbm>> -> memref<16x100xf32, #tpu.memory_space<hbm>>
      tpu.wait_dma2 semaphore(%arg20 : memref<!tpu.dma_semaphore, #tpu.memory_space<semaphore_mem>>) src(%dma_wait3A_469 : memref<16x100xf32, #tpu.memory_space<hbm>>) dst(%dma_wait3A_467 : memref<16x100xf32, #tpu.memory_space<vmem>>)
      %lt3A_470 = arith.cmpi slt, %add3A_451, %add3A_12 : i32
      %convert_element_type3A_471 = arith.extui %lt3A_470 : i1 to i32
      %add3A_472 = vector.broadcast %convert_element_type3A_471 : i32 to vector<16xi32>
      %add3A_473 = arith.addi %broadcast_in_dim3A_97, %add3A_472 : vector<16xi32>
      %gt3A_474 = arith.constant 0 : i32
      %gt3A_475 = vector.broadcast %gt3A_474 : i32 to vector<16xi32>
      %gt3A_476 = arith.cmpi sgt, %add3A_473, %gt3A_475 : vector<16xi32>
      %add3A_477 = arith.constant 1 : i32
      %add3A_478 = vector.broadcast %add3A_477 : i32 to vector<16xi32>
      %add3A_479 = arith.addi %broadcast_in_dim3A_97, %add3A_478 : vector<16xi32>
      %add3A_480 = arith.constant 2 : i32
      %add3A_481 = vector.broadcast %add3A_480 : i32 to vector<16xi32>
      %add3A_482 = arith.addi %broadcast_in_dim3A_97, %add3A_481 : vector<16xi32>
      %add3A_483 = arith.constant 3 : i32
      %add3A_484 = vector.broadcast %add3A_483 : i32 to vector<16xi32>
      %add3A_485 = arith.addi %broadcast_in_dim3A_97, %add3A_484 : vector<16xi32>
      %parallel_loop3A_486 = arith.constant 0 : i32
      %parallel_loop3A_487 = arith.constant 100 : i32
      %parallel_loop3A_488 = arith.constant 1 : i32
      %parallel_loop3A_489 = arith.constant 3 : i32
      %parallel_loop3A_490:8 = scf.for %parallel_loop3A_554 = %parallel_loop3A_486 to %parallel_loop3A_487 step %parallel_loop3A_488 iter_args(%parallel_loop3A_555 = %broadcast_in_dim3A_13, %parallel_loop3A_556 = %broadcast_in_dim3A_13, %parallel_loop3A_557 = %broadcast_in_dim3A_13, %parallel_loop3A_558 = %broadcast_in_dim3A_13, %parallel_loop3A_559 = %broadcast_in_dim3A_97, %parallel_loop3A_560 = %add3A_479, %parallel_loop3A_561 = %add3A_482, %parallel_loop3A_562 = %add3A_485) -> (vector<16xf32>, vector<16xf32>, vector<16xf32>, vector<16xf32>, vector<16xi32>, vector<16xi32>, vector<16xi32>, vector<16xi32>)  : i32 {
        %parallel_loop3A_563 = arith.constant 0 : i32
        %parallel_loop3A_564 = arith.constant 0 : i32
        %parallel_loop3A_565 = tpu.memref_slice %arg9[%parallel_loop3A_489, %parallel_loop3A_563, %parallel_loop3A_564] : memref<4x16x100xf32, #tpu.memory_space<vmem>> -> memref<1x16x100xf32, #tpu.memory_space<vmem>>
        %parallel_loop3A_566 = tpu.memref_squeeze %parallel_loop3A_565 : memref<1x16x100xf32, #tpu.memory_space<vmem>> -> memref<16x100xf32, #tpu.memory_space<vmem>>
        %parallel_loop3A_567 = tpu.vector_load_idx %parallel_loop3A_566[%iota3A, %parallel_loop3A_559] : memref<16x100xf32, #tpu.memory_space<vmem>>[vector<16xi32>, vector<16xi32>], vector<16xf32>,
        %parallel_loop3A_568 = math.exp %parallel_loop3A_567 : vector<16xf32>
        %parallel_loop3A_569 = arith.constant 16 : i32
        %parallel_loop3A_570 = arith.muli %parallel_loop3A_554, %parallel_loop3A_569 : i32
        %parallel_loop3A_571 = arith.index_cast %parallel_loop3A_570 : i32 to index
        %parallel_loop3A_572 = tpu.vector_load %arg10[%parallel_loop3A_571] {strides = array<i32>} : memref<1600xf32, #tpu.memory_space<vmem>>, vector<16xf32>,
        tpu.vector_store %arg10[%parallel_loop3A_571], %parallel_loop3A_568 {strides = array<i32>} : memref<1600xf32, #tpu.memory_space<vmem>>, vector<16xf32>,
        %parallel_loop3A_573 = arith.addf %parallel_loop3A_555, %parallel_loop3A_568 : vector<16xf32>
        %parallel_loop3A_574 = arith.constant 4 : i32
        %parallel_loop3A_575 = vector.broadcast %parallel_loop3A_574 : i32 to vector<16xi32>
        %parallel_loop3A_576 = arith.addi %parallel_loop3A_559, %parallel_loop3A_575 : vector<16xi32>
        scf.yield %parallel_loop3A_556, %parallel_loop3A_557, %parallel_loop3A_558, %parallel_loop3A_573, %parallel_loop3A_560, %parallel_loop3A_561, %parallel_loop3A_562, %parallel_loop3A_576 : vector<16xf32>, vector<16xf32>, vector<16xf32>, vector<16xf32>, vector<16xi32>, vector<16xi32>, vector<16xi32>, vector<16xi32>
      } {sc.loop_unroll_factor = 10 : i64, sc.parallel_access}
      %add3A_491 = arith.addf %parallel_loop3A_490#0, %parallel_loop3A_490#1 : vector<16xf32>
      %add3A_492 = arith.addf %parallel_loop3A_490#2, %parallel_loop3A_490#3 : vector<16xf32>
      %add3A_493 = arith.addf %add3A_491, %add3A_492 : vector<16xf32>
      %div3A_494 = arith.constant 1.000000e+00 : f32
      %div3A_495 = vector.broadcast %div3A_494 : f32 to vector<16xf32>
      %div3A_496 = arith.divf %div3A_495, %add3A_493 : vector<16xf32>
      %add3A_497 = arith.constant 15 : i32
      %add3A_498 = vector.broadcast %add3A_497 : i32 to vector<16xi32>
      %add3A_499 = arith.addi %mul3A_3, %add3A_498 : vector<16xi32>
      %add3A_500 = arith.constant 30 : i32
      %add3A_501 = vector.broadcast %add3A_500 : i32 to vector<16xi32>
      %add3A_502 = arith.addi %mul3A_3, %add3A_501 : vector<16xi32>
      %add3A_503 = arith.constant 45 : i32
      %add3A_504 = vector.broadcast %add3A_503 : i32 to vector<16xi32>
      %add3A_505 = arith.addi %mul3A_3, %add3A_504 : vector<16xi32>
      %parallel_loop3A_506 = arith.constant 0 : i32
      %parallel_loop3A_507 = arith.constant 100 : i32
      %parallel_loop3A_508 = arith.constant 1 : i32
      %parallel_loop3A_509:4 = scf.for %parallel_loop3A_554 = %parallel_loop3A_506 to %parallel_loop3A_507 step %parallel_loop3A_508 iter_args(%parallel_loop3A_555 = %mul3A_3, %parallel_loop3A_556 = %add3A_499, %parallel_loop3A_557 = %add3A_502, %parallel_loop3A_558 = %add3A_505) -> (vector<16xi32>, vector<16xi32>, vector<16xi32>, vector<16xi32>)  : i32 {
        %parallel_loop3A_559 = arith.constant 16 : i32
        %parallel_loop3A_560 = arith.muli %parallel_loop3A_554, %parallel_loop3A_559 : i32
        %parallel_loop3A_561 = arith.index_cast %parallel_loop3A_560 : i32 to index
        %parallel_loop3A_562 = tpu.vector_load %arg10[%parallel_loop3A_561] {strides = array<i32>} : memref<1600xf32, #tpu.memory_space<vmem>>, vector<16xf32>,
        %parallel_loop3A_563 = arith.mulf %parallel_loop3A_562, %div3A_496 : vector<16xf32>
        %parallel_loop3A_564 = arith.constant 1.500000e+01 : f32
        %parallel_loop3A_565 = vector.broadcast %parallel_loop3A_564 : f32 to vector<16xf32>
        %parallel_loop3A_566 = arith.mulf %parallel_loop3A_563, %parallel_loop3A_565 : vector<16xf32>
        %parallel_loop3A_567 = arith.fptosi %parallel_loop3A_566 : vector<16xf32> to vector<16xi32>
        %parallel_loop3A_568 = arith.sitofp %parallel_loop3A_567 : vector<16xi32> to vector<16xf32>
        %parallel_loop3A_569 = arith.cmpf oeq, %parallel_loop3A_566, %parallel_loop3A_568 : vector<16xf32>
        %parallel_loop3A_570 = arith.extui %parallel_loop3A_569 : vector<16xi1> to vector<16xi32>
        %parallel_loop3A_571 = arith.subi %parallel_loop3A_567, %parallel_loop3A_570 : vector<16xi32>
        %parallel_loop3A_572 = arith.constant 0 : i32
        %parallel_loop3A_573 = arith.constant 14 : i32
        %parallel_loop3A_574 = vector.broadcast %parallel_loop3A_572 : i32 to vector<16xi32>
        %parallel_loop3A_575 = arith.maxsi %parallel_loop3A_574, %parallel_loop3A_571 : vector<16xi32>
        %parallel_loop3A_576 = vector.broadcast %parallel_loop3A_573 : i32 to vector<16xi32>
        %parallel_loop3A_577 = arith.minsi %parallel_loop3A_576, %parallel_loop3A_575 : vector<16xi32>
        %parallel_loop3A_578 = arith.addi %parallel_loop3A_555, %parallel_loop3A_577 : vector<16xi32>
        tpu.vector_store_idx %arg11[%parallel_loop3A_578], %broadcast_in_dim3A_15 masked %gt3A_476 {add = true} : memref<24080xf32, #tpu.memory_space<vmem>>[vector<16xi32>], vector<16xf32>, vector<16xi1>
        tpu.vector_store_idx %arg12[%parallel_loop3A_578], %parallel_loop3A_563 masked %gt3A_476 {add = true} : memref<24080xf32, #tpu.memory_space<vmem>>[vector<16xi32>], vector<16xf32>, vector<16xi1>
        %parallel_loop3A_579 = arith.constant 60 : i32
        %parallel_loop3A_580 = vector.broadcast %parallel_loop3A_579 : i32 to vector<16xi32>
        %parallel_loop3A_581 = arith.addi %parallel_loop3A_555, %parallel_loop3A_580 : vector<16xi32>
        scf.yield %parallel_loop3A_556, %parallel_loop3A_557, %parallel_loop3A_558, %parallel_loop3A_581 : vector<16xi32>, vector<16xi32>, vector<16xi32>, vector<16xi32>
      } {sc.loop_unroll_factor = 10 : i64, sc.parallel_access}
      %mul3A_510 = arith.constant 16 : i32
      %mul3A_511 = arith.muli %add3A_451, %mul3A_510 : i32
      %get3A_512 = arith.index_cast %mul3A_511 : i32 to index
      %get3A_513 = tpu.vector_load %arg8[%get3A_512] {strides = array<i32>} : memref<3136xi32, #tpu.memory_space<vmem>>, vector<16xi32>,
      %jit3A_514 = arith.constant 0 : i32
      %jit3A_515 = arith.constant 99 : i32
      %max3A_516 = vector.broadcast %jit3A_514 : i32 to vector<16xi32>
      %max3A_517 = arith.maxsi %max3A_516, %get3A_513 : vector<16xi32>
      %min3A_518 = vector.broadcast %jit3A_515 : i32 to vector<16xi32>
      %min3A_519 = arith.minsi %min3A_518, %max3A_517 : vector<16xi32>
      %mul3A_520 = arith.constant 16 : i32
      %mul3A_521 = vector.broadcast %mul3A_520 : i32 to vector<16xi32>
      %mul3A_522 = arith.muli %min3A_519, %mul3A_521 : vector<16xi32>
      %add3A_523 = arith.addi %mul3A_522, %iota3A : vector<16xi32>
      %gather3A_524 = tpu.vector_load_idx %arg10[%add3A_523] : memref<1600xf32, #tpu.memory_space<vmem>>[vector<16xi32>], vector<16xf32>,
      %mul3A_525 = arith.mulf %gather3A_524, %div3A_496 : vector<16xf32>
      %mul3A_526 = arith.constant 1.500000e+01 : f32
      %mul3A_527 = vector.broadcast %mul3A_526 : f32 to vector<16xf32>
      %mul3A_528 = arith.mulf %mul3A_525, %mul3A_527 : vector<16xf32>
      %convert_element_type3A_529 = arith.fptosi %mul3A_528 : vector<16xf32> to vector<16xi32>
      %convert_element_type3A_530 = arith.sitofp %convert_element_type3A_529 : vector<16xi32> to vector<16xf32>
      %eq3A_531 = arith.cmpf oeq, %mul3A_528, %convert_element_type3A_530 : vector<16xf32>
      %convert_element_type3A_532 = arith.extui %eq3A_531 : vector<16xi1> to vector<16xi32>
      %sub3A_533 = arith.subi %convert_element_type3A_529, %convert_element_type3A_532 : vector<16xi32>
      %jit3A_534 = arith.constant 0 : i32
      %jit3A_535 = arith.constant 14 : i32
      %max3A_536 = vector.broadcast %jit3A_534 : i32 to vector<16xi32>
      %max3A_537 = arith.maxsi %max3A_536, %sub3A_533 : vector<16xi32>
      %min3A_538 = vector.broadcast %jit3A_535 : i32 to vector<16xi32>
      %min3A_539 = arith.minsi %min3A_538, %max3A_537 : vector<16xi32>
      %mul3A_540 = arith.constant 15 : i32
      %mul3A_541 = vector.broadcast %mul3A_540 : i32 to vector<16xi32>
      %mul3A_542 = arith.muli %min3A_519, %mul3A_541 : vector<16xi32>
      %add3A_543 = arith.addi %mul3A_542, %min3A_539 : vector<16xi32>
      %add3A_544 = arith.addi %mul3A_3, %add3A_543 : vector<16xi32>
      tpu.vector_store_idx %arg13[%add3A_544], %broadcast_in_dim3A_15 masked %gt3A_476 {add = true} : memref<24080xf32, #tpu.memory_space<vmem>>[vector<16xi32>], vector<16xf32>, vector<16xi1>
      %max3A_545 = arith.maxsi %select_n3A_440, %min3A_519 : vector<16xi32>
      %select_n3A_546 = arith.select %lt3A_470, %max3A_545, %select_n3A_440 : vector<16xi32>
      %add3A_547 = arith.constant 4 : i32
      %add3A_548 = arith.addi %add3A_451, %add3A_547 : i32
      %lt3A_549 = arith.constant 196 : i32
      %lt3A_550 = arith.cmpi slt, %add3A_548, %lt3A_549 : i32
      %convert_element_type3A_551 = arith.extui %lt3A_550 : i1 to i32
      %cond3A_552 = arith.constant 0 : i32
      %cond3A_553 = arith.cmpi ne, %convert_element_type3A_551, %cond3A_552 : i32
      scf.if %cond3A_553 {
        %mul3A_554 = arith.constant 16 : i32
        %mul3A_555 = arith.muli %add3A_548, %mul3A_554 : i32
        %add3A_556 = arith.addi %mul3A_9, %mul3A_555 : i32
        %min3A_557 = arith.constant 99984 : i32
        %min3A_558 = arith.minsi %add3A_556, %min3A_557 : i32
        %dma_start3A_559 = arith.constant 3 : i32
        %dma_start3A_560 = arith.constant 0 : i32
        %dma_start3A_561 = arith.constant 0 : i32
        %dma_start3A_562 = tpu.memref_slice %arg9[%dma_start3A_559, %dma_start3A_560, %dma_start3A_561] : memref<4x16x100xf32, #tpu.memory_space<vmem>> -> memref<1x16x100xf32, #tpu.memory_space<vmem>>
        %dma_start3A_563 = tpu.memref_squeeze %dma_start3A_562 : memref<1x16x100xf32, #tpu.memory_space<vmem>> -> memref<16x100xf32, #tpu.memory_space<vmem>>
        %dma_start3A_564 = arith.constant 0 : i32
        %dma_start3A_565 = tpu.memref_slice %arg2[%min3A_558, %dma_start3A_564] : memref<100000x100xf32, #tpu.memory_space<hbm>> -> memref<16x100xf32, #tpu.memory_space<hbm>>
        %dma_start3A_566 = arith.constant 0 : i32
        %dma_start3A_567 = arith.constant 0 : i32
        %dma_start3A_568 = tpu.memref_slice %arg9[%dma_start3A_559, %dma_start3A_566, %dma_start3A_567] : memref<4x16x100xf32, #tpu.memory_space<vmem>> -> memref<1x16x100xf32, #tpu.memory_space<vmem>>
        %dma_start3A_569 = tpu.memref_squeeze %dma_start3A_568 : memref<1x16x100xf32, #tpu.memory_space<vmem>> -> memref<16x100xf32, #tpu.memory_space<vmem>>
        %dma_start3A_570 = arith.constant 0 : i32
        %dma_start3A_571 = tpu.memref_slice %arg2[%min3A_558, %dma_start3A_570] : memref<100000x100xf32, #tpu.memory_space<hbm>> -> memref<16x100xf32, #tpu.memory_space<hbm>>
        tpu.enqueue_dma source(%dma_start3A_571 : memref<16x100xf32, #tpu.memory_space<hbm>>) target(%dma_start3A_569 : memref<16x100xf32, #tpu.memory_space<vmem>>) target_semaphore(%arg20 : memref<!tpu.dma_semaphore, #tpu.memory_space<semaphore_mem>>)
      } else {
      }
      scf.yield %select_n3A_546 : vector<16xi32>
    }
    %scan3A_105 = arith.constant 49 : i32
    %swap3A = arith.constant 0 : index
    %swap3A_106 = tpu.vector_load %arg15[%swap3A] {strides = array<i32>} : memref<16xi32, #tpu.memory_space<vmem>>, vector<16xi32>,
    tpu.vector_store %arg15[%swap3A], %scan3A_104 {strides = array<i32>} : memref<16xi32, #tpu.memory_space<vmem>>, vector<16xi32>,
    %mul3A_107 = arith.constant 16 : i32
    %mul3A_108 = arith.muli %add3A, %mul3A_107 : i32
    "tpu.region"() ({
      %run_scoped3A = tpu.sem_alloc : memref<!tpu.dma_semaphore, #tpu.memory_space<semaphore_mem>>
      %dma_start3A_139 = tpu.memref_slice %arg7[%mul3A_108] : memref<512xi32, #tpu.memory_space<hbm>> -> memref<16xi32, #tpu.memory_space<hbm>>
      %dma_start3A_140 = tpu.memref_slice %arg7[%mul3A_108] : memref<512xi32, #tpu.memory_space<hbm>> -> memref<16xi32, #tpu.memory_space<hbm>>
      tpu.enqueue_dma source(%arg15 : memref<16xi32, #tpu.memory_space<vmem>>) target(%dma_start3A_140 : memref<16xi32, #tpu.memory_space<hbm>>) target_semaphore(%run_scoped3A : memref<!tpu.dma_semaphore, #tpu.memory_space<semaphore_mem>>)
      %dma_wait3A = tpu.memref_slice %arg7[%mul3A_108] : memref<512xi32, #tpu.memory_space<hbm>> -> memref<16xi32, #tpu.memory_space<hbm>>
      %dma_wait3A_141 = tpu.memref_slice %arg7[%mul3A_108] : memref<512xi32, #tpu.memory_space<hbm>> -> memref<16xi32, #tpu.memory_space<hbm>>
      tpu.wait_dma2 semaphore(%run_scoped3A : memref<!tpu.dma_semaphore, #tpu.memory_space<semaphore_mem>>) src(%arg15 : memref<16xi32, #tpu.memory_space<vmem>>) dst(%dma_wait3A_141 : memref<16xi32, #tpu.memory_space<hbm>>)
      tpu.yield
    }) : () -> ()
    %scan3A_109 = arith.constant 0 : i32
    %scan3A_110 = arith.constant 0 : i32
    %scan3A_111 = arith.constant 128 : i32
    %scan3A_112 = arith.addi %scan3A_110, %scan3A_111 : i32
    %scan3A_113 = arith.constant 1 : i32
    scf.for %scan3A_139 = %scan3A_110 to %scan3A_112 step %scan3A_113  : i32 {
      %mul3A_140 = arith.constant 16 : i32
      %mul3A_141 = arith.muli %scan3A_139, %mul3A_140 : i32
      %swap3A_142 = arith.index_cast %mul3A_141 : i32 to index
      %swap3A_143 = tpu.vector_load %arg14[%swap3A_142] {strides = array<i32>} : memref<2048xf32, #tpu.memory_space<vmem>>, vector<16xf32>,
      tpu.vector_store %arg14[%swap3A_142], %broadcast_in_dim3A_13 {strides = array<i32>} : memref<2048xf32, #tpu.memory_space<vmem>>, vector<16xf32>,
    }
    %scan3A_114 = arith.constant 128 : i32
    %scan3A_115 = arith.constant 0 : i32
    %scan3A_116 = arith.constant 0 : i32
    %scan3A_117 = arith.constant 94 : i32
    %scan3A_118 = arith.addi %scan3A_116, %scan3A_117 : i32
    %scan3A_119 = arith.constant 1 : i32
    scf.for %scan3A_139 = %scan3A_116 to %scan3A_118 step %scan3A_119  : i32 {
      %mul3A_140 = arith.constant 16 : i32
      %mul3A_141 = arith.muli %scan3A_139, %mul3A_140 : i32
      %add3A_142 = arith.constant 0 : i32
      %add3A_143 = arith.addi %add3A_142, %mul3A_141 : i32
      %add3A_144 = vector.broadcast %add3A_143 : i32 to vector<16xi32>
      %add3A_145 = arith.addi %add3A_144, %iota3A : vector<16xi32>
      %gather3A = tpu.vector_load_idx %arg11[%add3A_145] : memref<24080xf32, #tpu.memory_space<vmem>>[vector<16xi32>], vector<16xf32>,
      %add3A_146 = arith.addf %broadcast_in_dim3A_13, %gather3A : vector<16xf32>
      %mul3A_147 = arith.constant 16 : i32
      %mul3A_148 = arith.muli %scan3A_139, %mul3A_147 : i32
      %add3A_149 = arith.constant 1505 : i32
      %add3A_150 = arith.addi %add3A_149, %mul3A_148 : i32
      %add3A_151 = vector.broadcast %add3A_150 : i32 to vector<16xi32>
      %add3A_152 = arith.addi %add3A_151, %iota3A : vector<16xi32>
      %gather3A_153 = tpu.vector_load_idx %arg11[%add3A_152] : memref<24080xf32, #tpu.memory_space<vmem>>[vector<16xi32>], vector<16xf32>,
      %add3A_154 = arith.addf %add3A_146, %gather3A_153 : vector<16xf32>
      %mul3A_155 = arith.constant 16 : i32
      %mul3A_156 = arith.muli %scan3A_139, %mul3A_155 : i32
      %add3A_157 = arith.constant 3010 : i32
      %add3A_158 = arith.addi %add3A_157, %mul3A_156 : i32
      %add3A_159 = vector.broadcast %add3A_158 : i32 to vector<16xi32>
      %add3A_160 = arith.addi %add3A_159, %iota3A : vector<16xi32>
      %gather3A_161 = tpu.vector_load_idx %arg11[%add3A_160] : memref<24080xf32, #tpu.memory_space<vmem>>[vector<16xi32>], vector<16xf32>,
      %add3A_162 = arith.addf %add3A_154, %gather3A_161 : vector<16xf32>
      %mul3A_163 = arith.constant 16 : i32
      %mul3A_164 = arith.muli %scan3A_139, %mul3A_163 : i32
      %add3A_165 = arith.constant 4515 : i32
      %add3A_166 = arith.addi %add3A_165, %mul3A_164 : i32
      %add3A_167 = vector.broadcast %add3A_166 : i32 to vector<16xi32>
      %add3A_168 = arith.addi %add3A_167, %iota3A : vector<16xi32>
      %gather3A_169 = tpu.vector_load_idx %arg11[%add3A_168] : memref<24080xf32, #tpu.memory_space<vmem>>[vector<16xi32>], vector<16xf32>,
      %add3A_170 = arith.addf %add3A_162, %gather3A_169 : vector<16xf32>
      %mul3A_171 = arith.constant 16 : i32
      %mul3A_172 = arith.muli %scan3A_139, %mul3A_171 : i32
      %add3A_173 = arith.constant 6020 : i32
      %add3A_174 = arith.addi %add3A_173, %mul3A_172 : i32
      %add3A_175 = vector.broadcast %add3A_174 : i32 to vector<16xi32>
      %add3A_176 = arith.addi %add3A_175, %iota3A : vector<16xi32>
      %gather3A_177 = tpu.vector_load_idx %arg11[%add3A_176] : memref<24080xf32, #tpu.memory_space<vmem>>[vector<16xi32>], vector<16xf32>,
      %add3A_178 = arith.addf %add3A_170, %gather3A_177 : vector<16xf32>
      %mul3A_179 = arith.constant 16 : i32
      %mul3A_180 = arith.muli %scan3A_139, %mul3A_179 : i32
      %add3A_181 = arith.constant 7525 : i32
      %add3A_182 = arith.addi %add3A_181, %mul3A_180 : i32
      %add3A_183 = vector.broadcast %add3A_182 : i32 to vector<16xi32>
      %add3A_184 = arith.addi %add3A_183, %iota3A : vector<16xi32>
      %gather3A_185 = tpu.vector_load_idx %arg11[%add3A_184] : memref<24080xf32, #tpu.memory_space<vmem>>[vector<16xi32>], vector<16xf32>,
      %add3A_186 = arith.addf %add3A_178, %gather3A_185 : vector<16xf32>
      %mul3A_187 = arith.constant 16 : i32
      %mul3A_188 = arith.muli %scan3A_139, %mul3A_187 : i32
      %add3A_189 = arith.constant 9030 : i32
      %add3A_190 = arith.addi %add3A_189, %mul3A_188 : i32
      %add3A_191 = vector.broadcast %add3A_190 : i32 to vector<16xi32>
      %add3A_192 = arith.addi %add3A_191, %iota3A : vector<16xi32>
      %gather3A_193 = tpu.vector_load_idx %arg11[%add3A_192] : memref<24080xf32, #tpu.memory_space<vmem>>[vector<16xi32>], vector<16xf32>,
      %add3A_194 = arith.addf %add3A_186, %gather3A_193 : vector<16xf32>
      %mul3A_195 = arith.constant 16 : i32
      %mul3A_196 = arith.muli %scan3A_139, %mul3A_195 : i32
      %add3A_197 = arith.constant 10535 : i32
      %add3A_198 = arith.addi %add3A_197, %mul3A_196 : i32
      %add3A_199 = vector.broadcast %add3A_198 : i32 to vector<16xi32>
      %add3A_200 = arith.addi %add3A_199, %iota3A : vector<16xi32>
      %gather3A_201 = tpu.vector_load_idx %arg11[%add3A_200] : memref<24080xf32, #tpu.memory_space<vmem>>[vector<16xi32>], vector<16xf32>,
      %add3A_202 = arith.addf %add3A_194, %gather3A_201 : vector<16xf32>
      %mul3A_203 = arith.constant 16 : i32
      %mul3A_204 = arith.muli %scan3A_139, %mul3A_203 : i32
      %add3A_205 = arith.constant 12040 : i32
      %add3A_206 = arith.addi %add3A_205, %mul3A_204 : i32
      %add3A_207 = vector.broadcast %add3A_206 : i32 to vector<16xi32>
      %add3A_208 = arith.addi %add3A_207, %iota3A : vector<16xi32>
      %gather3A_209 = tpu.vector_load_idx %arg11[%add3A_208] : memref<24080xf32, #tpu.memory_space<vmem>>[vector<16xi32>], vector<16xf32>,
      %add3A_210 = arith.addf %add3A_202, %gather3A_209 : vector<16xf32>
      %mul3A_211 = arith.constant 16 : i32
      %mul3A_212 = arith.muli %scan3A_139, %mul3A_211 : i32
      %add3A_213 = arith.constant 13545 : i32
      %add3A_214 = arith.addi %add3A_213, %mul3A_212 : i32
      %add3A_215 = vector.broadcast %add3A_214 : i32 to vector<16xi32>
      %add3A_216 = arith.addi %add3A_215, %iota3A : vector<16xi32>
      %gather3A_217 = tpu.vector_load_idx %arg11[%add3A_216] : memref<24080xf32, #tpu.memory_space<vmem>>[vector<16xi32>], vector<16xf32>,
      %add3A_218 = arith.addf %add3A_210, %gather3A_217 : vector<16xf32>
      %mul3A_219 = arith.constant 16 : i32
      %mul3A_220 = arith.muli %scan3A_139, %mul3A_219 : i32
      %add3A_221 = arith.constant 15050 : i32
      %add3A_222 = arith.addi %add3A_221, %mul3A_220 : i32
      %add3A_223 = vector.broadcast %add3A_222 : i32 to vector<16xi32>
      %add3A_224 = arith.addi %add3A_223, %iota3A : vector<16xi32>
      %gather3A_225 = tpu.vector_load_idx %arg11[%add3A_224] : memref<24080xf32, #tpu.memory_space<vmem>>[vector<16xi32>], vector<16xf32>,
      %add3A_226 = arith.addf %add3A_218, %gather3A_225 : vector<16xf32>
      %mul3A_227 = arith.constant 16 : i32
      %mul3A_228 = arith.muli %scan3A_139, %mul3A_227 : i32
      %add3A_229 = arith.constant 16555 : i32
      %add3A_230 = arith.addi %add3A_229, %mul3A_228 : i32
      %add3A_231 = vector.broadcast %add3A_230 : i32 to vector<16xi32>
      %add3A_232 = arith.addi %add3A_231, %iota3A : vector<16xi32>
      %gather3A_233 = tpu.vector_load_idx %arg11[%add3A_232] : memref<24080xf32, #tpu.memory_space<vmem>>[vector<16xi32>], vector<16xf32>,
      %add3A_234 = arith.addf %add3A_226, %gather3A_233 : vector<16xf32>
      %mul3A_235 = arith.constant 16 : i32
      %mul3A_236 = arith.muli %scan3A_139, %mul3A_235 : i32
      %add3A_237 = arith.constant 18060 : i32
      %add3A_238 = arith.addi %add3A_237, %mul3A_236 : i32
      %add3A_239 = vector.broadcast %add3A_238 : i32 to vector<16xi32>
      %add3A_240 = arith.addi %add3A_239, %iota3A : vector<16xi32>
      %gather3A_241 = tpu.vector_load_idx %arg11[%add3A_240] : memref<24080xf32, #tpu.memory_space<vmem>>[vector<16xi32>], vector<16xf32>,
      %add3A_242 = arith.addf %add3A_234, %gather3A_241 : vector<16xf32>
      %mul3A_243 = arith.constant 16 : i32
      %mul3A_244 = arith.muli %scan3A_139, %mul3A_243 : i32
      %add3A_245 = arith.constant 19565 : i32
      %add3A_246 = arith.addi %add3A_245, %mul3A_244 : i32
      %add3A_247 = vector.broadcast %add3A_246 : i32 to vector<16xi32>
      %add3A_248 = arith.addi %add3A_247, %iota3A : vector<16xi32>
      %gather3A_249 = tpu.vector_load_idx %arg11[%add3A_248] : memref<24080xf32, #tpu.memory_space<vmem>>[vector<16xi32>], vector<16xf32>,
      %add3A_250 = arith.addf %add3A_242, %gather3A_249 : vector<16xf32>
      %mul3A_251 = arith.constant 16 : i32
      %mul3A_252 = arith.muli %scan3A_139, %mul3A_251 : i32
      %add3A_253 = arith.constant 21070 : i32
      %add3A_254 = arith.addi %add3A_253, %mul3A_252 : i32
      %add3A_255 = vector.broadcast %add3A_254 : i32 to vector<16xi32>
      %add3A_256 = arith.addi %add3A_255, %iota3A : vector<16xi32>
      %gather3A_257 = tpu.vector_load_idx %arg11[%add3A_256] : memref<24080xf32, #tpu.memory_space<vmem>>[vector<16xi32>], vector<16xf32>,
      %add3A_258 = arith.addf %add3A_250, %gather3A_257 : vector<16xf32>
      %mul3A_259 = arith.constant 16 : i32
      %mul3A_260 = arith.muli %scan3A_139, %mul3A_259 : i32
      %add3A_261 = arith.constant 22575 : i32
      %add3A_262 = arith.addi %add3A_261, %mul3A_260 : i32
      %add3A_263 = vector.broadcast %add3A_262 : i32 to vector<16xi32>
      %add3A_264 = arith.addi %add3A_263, %iota3A : vector<16xi32>
      %gather3A_265 = tpu.vector_load_idx %arg11[%add3A_264] : memref<24080xf32, #tpu.memory_space<vmem>>[vector<16xi32>], vector<16xf32>,
      %add3A_266 = arith.addf %add3A_258, %gather3A_265 : vector<16xf32>
      %mul3A_267 = arith.constant 16 : i32
      %mul3A_268 = arith.muli %scan3A_139, %mul3A_267 : i32
      %swap3A_269 = arith.index_cast %mul3A_268 : i32 to index
      %swap3A_270 = tpu.vector_load %arg14[%swap3A_269] {strides = array<i32>} : memref<2048xf32, #tpu.memory_space<vmem>>, vector<16xf32>,
      tpu.vector_store %arg14[%swap3A_269], %add3A_266 {strides = array<i32>} : memref<2048xf32, #tpu.memory_space<vmem>>, vector<16xf32>,
    }
    %scan3A_120 = arith.constant 94 : i32
    %mul3A_121 = arith.constant 2048 : i32
    %mul3A_122 = arith.muli %add3A, %mul3A_121 : i32
    "tpu.region"() ({
      %run_scoped3A = tpu.sem_alloc : memref<!tpu.dma_semaphore, #tpu.memory_space<semaphore_mem>>
      %dma_start3A_139 = tpu.memref_slice %arg4[%mul3A_122] : memref<65536xf32, #tpu.memory_space<hbm>> -> memref<2048xf32, #tpu.memory_space<hbm>>
      %dma_start3A_140 = tpu.memref_slice %arg4[%mul3A_122] : memref<65536xf32, #tpu.memory_space<hbm>> -> memref<2048xf32, #tpu.memory_space<hbm>>
      tpu.enqueue_dma source(%arg14 : memref<2048xf32, #tpu.memory_space<vmem>>) target(%dma_start3A_140 : memref<2048xf32, #tpu.memory_space<hbm>>) target_semaphore(%run_scoped3A : memref<!tpu.dma_semaphore, #tpu.memory_space<semaphore_mem>>)
      %dma_wait3A = tpu.memref_slice %arg4[%mul3A_122] : memref<65536xf32, #tpu.memory_space<hbm>> -> memref<2048xf32, #tpu.memory_space<hbm>>
      %dma_wait3A_141 = tpu.memref_slice %arg4[%mul3A_122] : memref<65536xf32, #tpu.memory_space<hbm>> -> memref<2048xf32, #tpu.memory_space<hbm>>
      tpu.wait_dma2 semaphore(%run_scoped3A : memref<!tpu.dma_semaphore, #tpu.memory_space<semaphore_mem>>) src(%arg14 : memref<2048xf32, #tpu.memory_space<vmem>>) dst(%dma_wait3A_141 : memref<2048xf32, #tpu.memory_space<hbm>>)
      tpu.yield
    }) : () -> ()
    %scan3A_123 = arith.constant 0 : i32
    %scan3A_124 = arith.constant 0 : i32
    %scan3A_125 = arith.constant 94 : i32
    %scan3A_126 = arith.addi %scan3A_124, %scan3A_125 : i32
    %scan3A_127 = arith.constant 1 : i32
    scf.for %scan3A_139 = %scan3A_124 to %scan3A_126 step %scan3A_127  : i32 {
      %mul3A_140 = arith.constant 16 : i32
      %mul3A_141 = arith.muli %scan3A_139, %mul3A_140 : i32
      %add3A_142 = arith.constant 0 : i32
      %add3A_143 = arith.addi %add3A_142, %mul3A_141 : i32
      %add3A_144 = vector.broadcast %add3A_143 : i32 to vector<16xi32>
      %add3A_145 = arith.addi %add3A_144, %iota3A : vector<16xi32>
      %gather3A = tpu.vector_load_idx %arg12[%add3A_145] : memref<24080xf32, #tpu.memory_space<vmem>>[vector<16xi32>], vector<16xf32>,
      %add3A_146 = arith.addf %broadcast_in_dim3A_13, %gather3A : vector<16xf32>
      %mul3A_147 = arith.constant 16 : i32
      %mul3A_148 = arith.muli %scan3A_139, %mul3A_147 : i32
      %add3A_149 = arith.constant 1505 : i32
      %add3A_150 = arith.addi %add3A_149, %mul3A_148 : i32
      %add3A_151 = vector.broadcast %add3A_150 : i32 to vector<16xi32>
      %add3A_152 = arith.addi %add3A_151, %iota3A : vector<16xi32>
      %gather3A_153 = tpu.vector_load_idx %arg12[%add3A_152] : memref<24080xf32, #tpu.memory_space<vmem>>[vector<16xi32>], vector<16xf32>,
      %add3A_154 = arith.addf %add3A_146, %gather3A_153 : vector<16xf32>
      %mul3A_155 = arith.constant 16 : i32
      %mul3A_156 = arith.muli %scan3A_139, %mul3A_155 : i32
      %add3A_157 = arith.constant 3010 : i32
      %add3A_158 = arith.addi %add3A_157, %mul3A_156 : i32
      %add3A_159 = vector.broadcast %add3A_158 : i32 to vector<16xi32>
      %add3A_160 = arith.addi %add3A_159, %iota3A : vector<16xi32>
      %gather3A_161 = tpu.vector_load_idx %arg12[%add3A_160] : memref<24080xf32, #tpu.memory_space<vmem>>[vector<16xi32>], vector<16xf32>,
      %add3A_162 = arith.addf %add3A_154, %gather3A_161 : vector<16xf32>
      %mul3A_163 = arith.constant 16 : i32
      %mul3A_164 = arith.muli %scan3A_139, %mul3A_163 : i32
      %add3A_165 = arith.constant 4515 : i32
      %add3A_166 = arith.addi %add3A_165, %mul3A_164 : i32
      %add3A_167 = vector.broadcast %add3A_166 : i32 to vector<16xi32>
      %add3A_168 = arith.addi %add3A_167, %iota3A : vector<16xi32>
      %gather3A_169 = tpu.vector_load_idx %arg12[%add3A_168] : memref<24080xf32, #tpu.memory_space<vmem>>[vector<16xi32>], vector<16xf32>,
      %add3A_170 = arith.addf %add3A_162, %gather3A_169 : vector<16xf32>
      %mul3A_171 = arith.constant 16 : i32
      %mul3A_172 = arith.muli %scan3A_139, %mul3A_171 : i32
      %add3A_173 = arith.constant 6020 : i32
      %add3A_174 = arith.addi %add3A_173, %mul3A_172 : i32
      %add3A_175 = vector.broadcast %add3A_174 : i32 to vector<16xi32>
      %add3A_176 = arith.addi %add3A_175, %iota3A : vector<16xi32>
      %gather3A_177 = tpu.vector_load_idx %arg12[%add3A_176] : memref<24080xf32, #tpu.memory_space<vmem>>[vector<16xi32>], vector<16xf32>,
      %add3A_178 = arith.addf %add3A_170, %gather3A_177 : vector<16xf32>
      %mul3A_179 = arith.constant 16 : i32
      %mul3A_180 = arith.muli %scan3A_139, %mul3A_179 : i32
      %add3A_181 = arith.constant 7525 : i32
      %add3A_182 = arith.addi %add3A_181, %mul3A_180 : i32
      %add3A_183 = vector.broadcast %add3A_182 : i32 to vector<16xi32>
      %add3A_184 = arith.addi %add3A_183, %iota3A : vector<16xi32>
      %gather3A_185 = tpu.vector_load_idx %arg12[%add3A_184] : memref<24080xf32, #tpu.memory_space<vmem>>[vector<16xi32>], vector<16xf32>,
      %add3A_186 = arith.addf %add3A_178, %gather3A_185 : vector<16xf32>
      %mul3A_187 = arith.constant 16 : i32
      %mul3A_188 = arith.muli %scan3A_139, %mul3A_187 : i32
      %add3A_189 = arith.constant 9030 : i32
      %add3A_190 = arith.addi %add3A_189, %mul3A_188 : i32
      %add3A_191 = vector.broadcast %add3A_190 : i32 to vector<16xi32>
      %add3A_192 = arith.addi %add3A_191, %iota3A : vector<16xi32>
      %gather3A_193 = tpu.vector_load_idx %arg12[%add3A_192] : memref<24080xf32, #tpu.memory_space<vmem>>[vector<16xi32>], vector<16xf32>,
      %add3A_194 = arith.addf %add3A_186, %gather3A_193 : vector<16xf32>
      %mul3A_195 = arith.constant 16 : i32
      %mul3A_196 = arith.muli %scan3A_139, %mul3A_195 : i32
      %add3A_197 = arith.constant 10535 : i32
      %add3A_198 = arith.addi %add3A_197, %mul3A_196 : i32
      %add3A_199 = vector.broadcast %add3A_198 : i32 to vector<16xi32>
      %add3A_200 = arith.addi %add3A_199, %iota3A : vector<16xi32>
      %gather3A_201 = tpu.vector_load_idx %arg12[%add3A_200] : memref<24080xf32, #tpu.memory_space<vmem>>[vector<16xi32>], vector<16xf32>,
      %add3A_202 = arith.addf %add3A_194, %gather3A_201 : vector<16xf32>
      %mul3A_203 = arith.constant 16 : i32
      %mul3A_204 = arith.muli %scan3A_139, %mul3A_203 : i32
      %add3A_205 = arith.constant 12040 : i32
      %add3A_206 = arith.addi %add3A_205, %mul3A_204 : i32
      %add3A_207 = vector.broadcast %add3A_206 : i32 to vector<16xi32>
      %add3A_208 = arith.addi %add3A_207, %iota3A : vector<16xi32>
      %gather3A_209 = tpu.vector_load_idx %arg12[%add3A_208] : memref<24080xf32, #tpu.memory_space<vmem>>[vector<16xi32>], vector<16xf32>,
      %add3A_210 = arith.addf %add3A_202, %gather3A_209 : vector<16xf32>
      %mul3A_211 = arith.constant 16 : i32
      %mul3A_212 = arith.muli %scan3A_139, %mul3A_211 : i32
      %add3A_213 = arith.constant 13545 : i32
      %add3A_214 = arith.addi %add3A_213, %mul3A_212 : i32
      %add3A_215 = vector.broadcast %add3A_214 : i32 to vector<16xi32>
      %add3A_216 = arith.addi %add3A_215, %iota3A : vector<16xi32>
      %gather3A_217 = tpu.vector_load_idx %arg12[%add3A_216] : memref<24080xf32, #tpu.memory_space<vmem>>[vector<16xi32>], vector<16xf32>,
      %add3A_218 = arith.addf %add3A_210, %gather3A_217 : vector<16xf32>
      %mul3A_219 = arith.constant 16 : i32
      %mul3A_220 = arith.muli %scan3A_139, %mul3A_219 : i32
      %add3A_221 = arith.constant 15050 : i32
      %add3A_222 = arith.addi %add3A_221, %mul3A_220 : i32
      %add3A_223 = vector.broadcast %add3A_222 : i32 to vector<16xi32>
      %add3A_224 = arith.addi %add3A_223, %iota3A : vector<16xi32>
      %gather3A_225 = tpu.vector_load_idx %arg12[%add3A_224] : memref<24080xf32, #tpu.memory_space<vmem>>[vector<16xi32>], vector<16xf32>,
      %add3A_226 = arith.addf %add3A_218, %gather3A_225 : vector<16xf32>
      %mul3A_227 = arith.constant 16 : i32
      %mul3A_228 = arith.muli %scan3A_139, %mul3A_227 : i32
      %add3A_229 = arith.constant 16555 : i32
      %add3A_230 = arith.addi %add3A_229, %mul3A_228 : i32
      %add3A_231 = vector.broadcast %add3A_230 : i32 to vector<16xi32>
      %add3A_232 = arith.addi %add3A_231, %iota3A : vector<16xi32>
      %gather3A_233 = tpu.vector_load_idx %arg12[%add3A_232] : memref<24080xf32, #tpu.memory_space<vmem>>[vector<16xi32>], vector<16xf32>,
      %add3A_234 = arith.addf %add3A_226, %gather3A_233 : vector<16xf32>
      %mul3A_235 = arith.constant 16 : i32
      %mul3A_236 = arith.muli %scan3A_139, %mul3A_235 : i32
      %add3A_237 = arith.constant 18060 : i32
      %add3A_238 = arith.addi %add3A_237, %mul3A_236 : i32
      %add3A_239 = vector.broadcast %add3A_238 : i32 to vector<16xi32>
      %add3A_240 = arith.addi %add3A_239, %iota3A : vector<16xi32>
      %gather3A_241 = tpu.vector_load_idx %arg12[%add3A_240] : memref<24080xf32, #tpu.memory_space<vmem>>[vector<16xi32>], vector<16xf32>,
      %add3A_242 = arith.addf %add3A_234, %gather3A_241 : vector<16xf32>
      %mul3A_243 = arith.constant 16 : i32
      %mul3A_244 = arith.muli %scan3A_139, %mul3A_243 : i32
      %add3A_245 = arith.constant 19565 : i32
      %add3A_246 = arith.addi %add3A_245, %mul3A_244 : i32
      %add3A_247 = vector.broadcast %add3A_246 : i32 to vector<16xi32>
      %add3A_248 = arith.addi %add3A_247, %iota3A : vector<16xi32>
      %gather3A_249 = tpu.vector_load_idx %arg12[%add3A_248] : memref<24080xf32, #tpu.memory_space<vmem>>[vector<16xi32>], vector<16xf32>,
      %add3A_250 = arith.addf %add3A_242, %gather3A_249 : vector<16xf32>
      %mul3A_251 = arith.constant 16 : i32
      %mul3A_252 = arith.muli %scan3A_139, %mul3A_251 : i32
      %add3A_253 = arith.constant 21070 : i32
      %add3A_254 = arith.addi %add3A_253, %mul3A_252 : i32
      %add3A_255 = vector.broadcast %add3A_254 : i32 to vector<16xi32>
      %add3A_256 = arith.addi %add3A_255, %iota3A : vector<16xi32>
      %gather3A_257 = tpu.vector_load_idx %arg12[%add3A_256] : memref<24080xf32, #tpu.memory_space<vmem>>[vector<16xi32>], vector<16xf32>,
      %add3A_258 = arith.addf %add3A_250, %gather3A_257 : vector<16xf32>
      %mul3A_259 = arith.constant 16 : i32
      %mul3A_260 = arith.muli %scan3A_139, %mul3A_259 : i32
      %add3A_261 = arith.constant 22575 : i32
      %add3A_262 = arith.addi %add3A_261, %mul3A_260 : i32
      %add3A_263 = vector.broadcast %add3A_262 : i32 to vector<16xi32>
      %add3A_264 = arith.addi %add3A_263, %iota3A : vector<16xi32>
      %gather3A_265 = tpu.vector_load_idx %arg12[%add3A_264] : memref<24080xf32, #tpu.memory_space<vmem>>[vector<16xi32>], vector<16xf32>,
      %add3A_266 = arith.addf %add3A_258, %gather3A_265 : vector<16xf32>
      %mul3A_267 = arith.constant 16 : i32
      %mul3A_268 = arith.muli %scan3A_139, %mul3A_267 : i32
      %swap3A_269 = arith.index_cast %mul3A_268 : i32 to index
      %swap3A_270 = tpu.vector_load %arg14[%swap3A_269] {strides = array<i32>} : memref<2048xf32, #tpu.memory_space<vmem>>, vector<16xf32>,
      tpu.vector_store %arg14[%swap3A_269], %add3A_266 {strides = array<i32>} : memref<2048xf32, #tpu.memory_space<vmem>>, vector<16xf32>,
    }
    %scan3A_128 = arith.constant 94 : i32
    %mul3A_129 = arith.constant 2048 : i32
    %mul3A_130 = arith.muli %add3A, %mul3A_129 : i32
    "tpu.region"() ({
      %run_scoped3A = tpu.sem_alloc : memref<!tpu.dma_semaphore, #tpu.memory_space<semaphore_mem>>
      %dma_start3A_139 = tpu.memref_slice %arg5[%mul3A_130] : memref<65536xf32, #tpu.memory_space<hbm>> -> memref<2048xf32, #tpu.memory_space<hbm>>
      %dma_start3A_140 = tpu.memref_slice %arg5[%mul3A_130] : memref<65536xf32, #tpu.memory_space<hbm>> -> memref<2048xf32, #tpu.memory_space<hbm>>
      tpu.enqueue_dma source(%arg14 : memref<2048xf32, #tpu.memory_space<vmem>>) target(%dma_start3A_140 : memref<2048xf32, #tpu.memory_space<hbm>>) target_semaphore(%run_scoped3A : memref<!tpu.dma_semaphore, #tpu.memory_space<semaphore_mem>>)
      %dma_wait3A = tpu.memref_slice %arg5[%mul3A_130] : memref<65536xf32, #tpu.memory_space<hbm>> -> memref<2048xf32, #tpu.memory_space<hbm>>
      %dma_wait3A_141 = tpu.memref_slice %arg5[%mul3A_130] : memref<65536xf32, #tpu.memory_space<hbm>> -> memref<2048xf32, #tpu.memory_space<hbm>>
      tpu.wait_dma2 semaphore(%run_scoped3A : memref<!tpu.dma_semaphore, #tpu.memory_space<semaphore_mem>>) src(%arg14 : memref<2048xf32, #tpu.memory_space<vmem>>) dst(%dma_wait3A_141 : memref<2048xf32, #tpu.memory_space<hbm>>)
      tpu.yield
    }) : () -> ()
    %scan3A_131 = arith.constant 0 : i32
    %scan3A_132 = arith.constant 0 : i32
    %scan3A_133 = arith.constant 94 : i32
    %scan3A_134 = arith.addi %scan3A_132, %scan3A_133 : i32
    %scan3A_135 = arith.constant 1 : i32
    scf.for %scan3A_139 = %scan3A_132 to %scan3A_134 step %scan3A_135  : i32 {
      %mul3A_140 = arith.constant 16 : i32
      %mul3A_141 = arith.muli %scan3A_139, %mul3A_140 : i32
      %add3A_142 = arith.constant 0 : i32
      %add3A_143 = arith.addi %add3A_142, %mul3A_141 : i32
      %add3A_144 = vector.broadcast %add3A_143 : i32 to vector<16xi32>
      %add3A_145 = arith.addi %add3A_144, %iota3A : vector<16xi32>
      %gather3A = tpu.vector_load_idx %arg13[%add3A_145] : memref<24080xf32, #tpu.memory_space<vmem>>[vector<16xi32>], vector<16xf32>,
      %add3A_146 = arith.addf %broadcast_in_dim3A_13, %gather3A : vector<16xf32>
      %mul3A_147 = arith.constant 16 : i32
      %mul3A_148 = arith.muli %scan3A_139, %mul3A_147 : i32
      %add3A_149 = arith.constant 1505 : i32
      %add3A_150 = arith.addi %add3A_149, %mul3A_148 : i32
      %add3A_151 = vector.broadcast %add3A_150 : i32 to vector<16xi32>
      %add3A_152 = arith.addi %add3A_151, %iota3A : vector<16xi32>
      %gather3A_153 = tpu.vector_load_idx %arg13[%add3A_152] : memref<24080xf32, #tpu.memory_space<vmem>>[vector<16xi32>], vector<16xf32>,
      %add3A_154 = arith.addf %add3A_146, %gather3A_153 : vector<16xf32>
      %mul3A_155 = arith.constant 16 : i32
      %mul3A_156 = arith.muli %scan3A_139, %mul3A_155 : i32
      %add3A_157 = arith.constant 3010 : i32
      %add3A_158 = arith.addi %add3A_157, %mul3A_156 : i32
      %add3A_159 = vector.broadcast %add3A_158 : i32 to vector<16xi32>
      %add3A_160 = arith.addi %add3A_159, %iota3A : vector<16xi32>
      %gather3A_161 = tpu.vector_load_idx %arg13[%add3A_160] : memref<24080xf32, #tpu.memory_space<vmem>>[vector<16xi32>], vector<16xf32>,
      %add3A_162 = arith.addf %add3A_154, %gather3A_161 : vector<16xf32>
      %mul3A_163 = arith.constant 16 : i32
      %mul3A_164 = arith.muli %scan3A_139, %mul3A_163 : i32
      %add3A_165 = arith.constant 4515 : i32
      %add3A_166 = arith.addi %add3A_165, %mul3A_164 : i32
      %add3A_167 = vector.broadcast %add3A_166 : i32 to vector<16xi32>
      %add3A_168 = arith.addi %add3A_167, %iota3A : vector<16xi32>
      %gather3A_169 = tpu.vector_load_idx %arg13[%add3A_168] : memref<24080xf32, #tpu.memory_space<vmem>>[vector<16xi32>], vector<16xf32>,
      %add3A_170 = arith.addf %add3A_162, %gather3A_169 : vector<16xf32>
      %mul3A_171 = arith.constant 16 : i32
      %mul3A_172 = arith.muli %scan3A_139, %mul3A_171 : i32
      %add3A_173 = arith.constant 6020 : i32
      %add3A_174 = arith.addi %add3A_173, %mul3A_172 : i32
      %add3A_175 = vector.broadcast %add3A_174 : i32 to vector<16xi32>
      %add3A_176 = arith.addi %add3A_175, %iota3A : vector<16xi32>
      %gather3A_177 = tpu.vector_load_idx %arg13[%add3A_176] : memref<24080xf32, #tpu.memory_space<vmem>>[vector<16xi32>], vector<16xf32>,
      %add3A_178 = arith.addf %add3A_170, %gather3A_177 : vector<16xf32>
      %mul3A_179 = arith.constant 16 : i32
      %mul3A_180 = arith.muli %scan3A_139, %mul3A_179 : i32
      %add3A_181 = arith.constant 7525 : i32
      %add3A_182 = arith.addi %add3A_181, %mul3A_180 : i32
      %add3A_183 = vector.broadcast %add3A_182 : i32 to vector<16xi32>
      %add3A_184 = arith.addi %add3A_183, %iota3A : vector<16xi32>
      %gather3A_185 = tpu.vector_load_idx %arg13[%add3A_184] : memref<24080xf32, #tpu.memory_space<vmem>>[vector<16xi32>], vector<16xf32>,
      %add3A_186 = arith.addf %add3A_178, %gather3A_185 : vector<16xf32>
      %mul3A_187 = arith.constant 16 : i32
      %mul3A_188 = arith.muli %scan3A_139, %mul3A_187 : i32
      %add3A_189 = arith.constant 9030 : i32
      %add3A_190 = arith.addi %add3A_189, %mul3A_188 : i32
      %add3A_191 = vector.broadcast %add3A_190 : i32 to vector<16xi32>
      %add3A_192 = arith.addi %add3A_191, %iota3A : vector<16xi32>
      %gather3A_193 = tpu.vector_load_idx %arg13[%add3A_192] : memref<24080xf32, #tpu.memory_space<vmem>>[vector<16xi32>], vector<16xf32>,
      %add3A_194 = arith.addf %add3A_186, %gather3A_193 : vector<16xf32>
      %mul3A_195 = arith.constant 16 : i32
      %mul3A_196 = arith.muli %scan3A_139, %mul3A_195 : i32
      %add3A_197 = arith.constant 10535 : i32
      %add3A_198 = arith.addi %add3A_197, %mul3A_196 : i32
      %add3A_199 = vector.broadcast %add3A_198 : i32 to vector<16xi32>
      %add3A_200 = arith.addi %add3A_199, %iota3A : vector<16xi32>
      %gather3A_201 = tpu.vector_load_idx %arg13[%add3A_200] : memref<24080xf32, #tpu.memory_space<vmem>>[vector<16xi32>], vector<16xf32>,
      %add3A_202 = arith.addf %add3A_194, %gather3A_201 : vector<16xf32>
      %mul3A_203 = arith.constant 16 : i32
      %mul3A_204 = arith.muli %scan3A_139, %mul3A_203 : i32
      %add3A_205 = arith.constant 12040 : i32
      %add3A_206 = arith.addi %add3A_205, %mul3A_204 : i32
      %add3A_207 = vector.broadcast %add3A_206 : i32 to vector<16xi32>
      %add3A_208 = arith.addi %add3A_207, %iota3A : vector<16xi32>
      %gather3A_209 = tpu.vector_load_idx %arg13[%add3A_208] : memref<24080xf32, #tpu.memory_space<vmem>>[vector<16xi32>], vector<16xf32>,
      %add3A_210 = arith.addf %add3A_202, %gather3A_209 : vector<16xf32>
      %mul3A_211 = arith.constant 16 : i32
      %mul3A_212 = arith.muli %scan3A_139, %mul3A_211 : i32
      %add3A_213 = arith.constant 13545 : i32
      %add3A_214 = arith.addi %add3A_213, %mul3A_212 : i32
      %add3A_215 = vector.broadcast %add3A_214 : i32 to vector<16xi32>
      %add3A_216 = arith.addi %add3A_215, %iota3A : vector<16xi32>
      %gather3A_217 = tpu.vector_load_idx %arg13[%add3A_216] : memref<24080xf32, #tpu.memory_space<vmem>>[vector<16xi32>], vector<16xf32>,
      %add3A_218 = arith.addf %add3A_210, %gather3A_217 : vector<16xf32>
      %mul3A_219 = arith.constant 16 : i32
      %mul3A_220 = arith.muli %scan3A_139, %mul3A_219 : i32
      %add3A_221 = arith.constant 15050 : i32
      %add3A_222 = arith.addi %add3A_221, %mul3A_220 : i32
      %add3A_223 = vector.broadcast %add3A_222 : i32 to vector<16xi32>
      %add3A_224 = arith.addi %add3A_223, %iota3A : vector<16xi32>
      %gather3A_225 = tpu.vector_load_idx %arg13[%add3A_224] : memref<24080xf32, #tpu.memory_space<vmem>>[vector<16xi32>], vector<16xf32>,
      %add3A_226 = arith.addf %add3A_218, %gather3A_225 : vector<16xf32>
      %mul3A_227 = arith.constant 16 : i32
      %mul3A_228 = arith.muli %scan3A_139, %mul3A_227 : i32
      %add3A_229 = arith.constant 16555 : i32
      %add3A_230 = arith.addi %add3A_229, %mul3A_228 : i32
      %add3A_231 = vector.broadcast %add3A_230 : i32 to vector<16xi32>
      %add3A_232 = arith.addi %add3A_231, %iota3A : vector<16xi32>
      %gather3A_233 = tpu.vector_load_idx %arg13[%add3A_232] : memref<24080xf32, #tpu.memory_space<vmem>>[vector<16xi32>], vector<16xf32>,
      %add3A_234 = arith.addf %add3A_226, %gather3A_233 : vector<16xf32>
      %mul3A_235 = arith.constant 16 : i32
      %mul3A_236 = arith.muli %scan3A_139, %mul3A_235 : i32
      %add3A_237 = arith.constant 18060 : i32
      %add3A_238 = arith.addi %add3A_237, %mul3A_236 : i32
      %add3A_239 = vector.broadcast %add3A_238 : i32 to vector<16xi32>
      %add3A_240 = arith.addi %add3A_239, %iota3A : vector<16xi32>
      %gather3A_241 = tpu.vector_load_idx %arg13[%add3A_240] : memref<24080xf32, #tpu.memory_space<vmem>>[vector<16xi32>], vector<16xf32>,
      %add3A_242 = arith.addf %add3A_234, %gather3A_241 : vector<16xf32>
      %mul3A_243 = arith.constant 16 : i32
      %mul3A_244 = arith.muli %scan3A_139, %mul3A_243 : i32
      %add3A_245 = arith.constant 19565 : i32
      %add3A_246 = arith.addi %add3A_245, %mul3A_244 : i32
      %add3A_247 = vector.broadcast %add3A_246 : i32 to vector<16xi32>
      %add3A_248 = arith.addi %add3A_247, %iota3A : vector<16xi32>
      %gather3A_249 = tpu.vector_load_idx %arg13[%add3A_248] : memref<24080xf32, #tpu.memory_space<vmem>>[vector<16xi32>], vector<16xf32>,
      %add3A_250 = arith.addf %add3A_242, %gather3A_249 : vector<16xf32>
      %mul3A_251 = arith.constant 16 : i32
      %mul3A_252 = arith.muli %scan3A_139, %mul3A_251 : i32
      %add3A_253 = arith.constant 21070 : i32
      %add3A_254 = arith.addi %add3A_253, %mul3A_252 : i32
      %add3A_255 = vector.broadcast %add3A_254 : i32 to vector<16xi32>
      %add3A_256 = arith.addi %add3A_255, %iota3A : vector<16xi32>
      %gather3A_257 = tpu.vector_load_idx %arg13[%add3A_256] : memref<24080xf32, #tpu.memory_space<vmem>>[vector<16xi32>], vector<16xf32>,
      %add3A_258 = arith.addf %add3A_250, %gather3A_257 : vector<16xf32>
      %mul3A_259 = arith.constant 16 : i32
      %mul3A_260 = arith.muli %scan3A_139, %mul3A_259 : i32
      %add3A_261 = arith.constant 22575 : i32
      %add3A_262 = arith.addi %add3A_261, %mul3A_260 : i32
      %add3A_263 = vector.broadcast %add3A_262 : i32 to vector<16xi32>
      %add3A_264 = arith.addi %add3A_263, %iota3A : vector<16xi32>
      %gather3A_265 = tpu.vector_load_idx %arg13[%add3A_264] : memref<24080xf32, #tpu.memory_space<vmem>>[vector<16xi32>], vector<16xf32>,
      %add3A_266 = arith.addf %add3A_258, %gather3A_265 : vector<16xf32>
      %mul3A_267 = arith.constant 16 : i32
      %mul3A_268 = arith.muli %scan3A_139, %mul3A_267 : i32
      %swap3A_269 = arith.index_cast %mul3A_268 : i32 to index
      %swap3A_270 = tpu.vector_load %arg14[%swap3A_269] {strides = array<i32>} : memref<2048xf32, #tpu.memory_space<vmem>>, vector<16xf32>,
      tpu.vector_store %arg14[%swap3A_269], %add3A_266 {strides = array<i32>} : memref<2048xf32, #tpu.memory_space<vmem>>, vector<16xf32>,
    }
    %scan3A_136 = arith.constant 94 : i32
    %mul3A_137 = arith.constant 2048 : i32
    %mul3A_138 = arith.muli %add3A, %mul3A_137 : i32
    "tpu.region"() ({
      %run_scoped3A = tpu.sem_alloc : memref<!tpu.dma_semaphore, #tpu.memory_space<semaphore_mem>>
      %dma_start3A_139 = tpu.memref_slice %arg6[%mul3A_138] : memref<65536xf32, #tpu.memory_space<hbm>> -> memref<2048xf32, #tpu.memory_space<hbm>>
      %dma_start3A_140 = tpu.memref_slice %arg6[%mul3A_138] : memref<65536xf32, #tpu.memory_space<hbm>> -> memref<2048xf32, #tpu.memory_space<hbm>>
      tpu.enqueue_dma source(%arg14 : memref<2048xf32, #tpu.memory_space<vmem>>) target(%dma_start3A_140 : memref<2048xf32, #tpu.memory_space<hbm>>) target_semaphore(%run_scoped3A : memref<!tpu.dma_semaphore, #tpu.memory_space<semaphore_mem>>)
      %dma_wait3A = tpu.memref_slice %arg6[%mul3A_138] : memref<65536xf32, #tpu.memory_space<hbm>> -> memref<2048xf32, #tpu.memory_space<hbm>>
      %dma_wait3A_141 = tpu.memref_slice %arg6[%mul3A_138] : memref<65536xf32, #tpu.memory_space<hbm>> -> memref<2048xf32, #tpu.memory_space<hbm>>
      tpu.wait_dma2 semaphore(%run_scoped3A : memref<!tpu.dma_semaphore, #tpu.memory_space<semaphore_mem>>) src(%arg14 : memref<2048xf32, #tpu.memory_space<vmem>>) dst(%dma_wait3A_141 : memref<2048xf32, #tpu.memory_space<hbm>>)
      tpu.yield
    }) : () -> ()
    return
  }
}

module attributes {stable_mosaic.version = 14 : i64} {
  func.func @_final_body(%arg0: i32, %arg1: memref<2048xf32, #tpu.memory_space<vmem>>, %arg2: memref<2048xf32, #tpu.memory_space<vmem>>, %arg3: memref<2048xf32, #tpu.memory_space<vmem>>, %arg4: memref<512xi32, #tpu.memory_space<vmem>>, %arg5: memref<1x1xf32, #tpu.memory_space<vmem>>, %arg6: memref<2048xf32, #tpu.memory_space<vmem>>, %arg7: memref<2048xf32, #tpu.memory_space<vmem>>, %arg8: memref<2048xf32, #tpu.memory_space<vmem>>) attributes {dimension_semantics = [#tpu.dimension_semantics<arbitrary>], iteration_bounds = array<i64: 32>, scalar_prefetch = 0 : i64, scratch_operands = 3 : i64, tpu.core_type = #tpu.core_type<tc>, window_params = [{transform_indices = @transform_0, window_bounds = array<i64: 2048>}, {transform_indices = @transform_1, window_bounds = array<i64: 2048>}, {transform_indices = @transform_2, window_bounds = array<i64: 2048>}, {pipeline_mode = #tpu.pipeline_mode<synchronous>, transform_indices = @transform_3, window_bounds = array<i64: 512>}, {pipeline_mode = #tpu.pipeline_mode<synchronous>, transform_indices = @transform_4, window_bounds = array<i64: 1, 1>}]} {
    %eq3A = arith.constant 0 : i32
    %eq3A_0 = arith.cmpi eq, %arg0, %eq3A : i32
    %convert_element_type3A = arith.extui %eq3A_0 : i1 to i32
    %cond3A = arith.constant 0 : i32
    %cond3A_1 = arith.cmpi ne, %convert_element_type3A, %cond3A : i32
    scf.if %cond3A_1 {
      %broadcast_in_dim3A = arith.constant 0.000000e+00 : f32
      %broadcast_in_dim3A_25 = vector.broadcast %broadcast_in_dim3A : f32 to vector<2048xf32>
      %swap3A_26 = arith.constant 0 : index
      %swap3A_27 = vector.load %arg6[%swap3A_26] : memref<2048xf32, #tpu.memory_space<vmem>>, vector<2048xf32>
      tpu.vector_store %arg6[%swap3A_26], %broadcast_in_dim3A_25 {strides = array<i32>} : memref<2048xf32, #tpu.memory_space<vmem>>, vector<2048xf32>,
      %broadcast_in_dim3A_28 = arith.constant 0.000000e+00 : f32
      %broadcast_in_dim3A_29 = vector.broadcast %broadcast_in_dim3A_28 : f32 to vector<2048xf32>
      %swap3A_30 = arith.constant 0 : index
      %swap3A_31 = vector.load %arg7[%swap3A_30] : memref<2048xf32, #tpu.memory_space<vmem>>, vector<2048xf32>
      tpu.vector_store %arg7[%swap3A_30], %broadcast_in_dim3A_29 {strides = array<i32>} : memref<2048xf32, #tpu.memory_space<vmem>>, vector<2048xf32>,
      %broadcast_in_dim3A_32 = arith.constant 0.000000e+00 : f32
      %broadcast_in_dim3A_33 = vector.broadcast %broadcast_in_dim3A_32 : f32 to vector<2048xf32>
      %swap3A_34 = arith.constant 0 : index
      %swap3A_35 = vector.load %arg8[%swap3A_34] : memref<2048xf32, #tpu.memory_space<vmem>>, vector<2048xf32>
      tpu.vector_store %arg8[%swap3A_34], %broadcast_in_dim3A_33 {strides = array<i32>} : memref<2048xf32, #tpu.memory_space<vmem>>, vector<2048xf32>,
    } else {
    }
    %get3A = arith.constant 0 : index
    %get3A_2 = vector.load %arg6[%get3A] : memref<2048xf32, #tpu.memory_space<vmem>>, vector<2048xf32>
    %get3A_3 = arith.constant 0 : index
    %get3A_4 = vector.load %arg1[%get3A_3] : memref<2048xf32, #tpu.memory_space<vmem>>, vector<2048xf32>
    %add3A = arith.addf %get3A_2, %get3A_4 : vector<2048xf32>
    %swap3A = arith.constant 0 : index
    %swap3A_5 = vector.load %arg6[%swap3A] : memref<2048xf32, #tpu.memory_space<vmem>>, vector<2048xf32>
    tpu.vector_store %arg6[%swap3A], %add3A {strides = array<i32>} : memref<2048xf32, #tpu.memory_space<vmem>>, vector<2048xf32>,
    %get3A_6 = arith.constant 0 : index
    %get3A_7 = vector.load %arg7[%get3A_6] : memref<2048xf32, #tpu.memory_space<vmem>>, vector<2048xf32>
    %get3A_8 = arith.constant 0 : index
    %get3A_9 = vector.load %arg2[%get3A_8] : memref<2048xf32, #tpu.memory_space<vmem>>, vector<2048xf32>
    %add3A_10 = arith.addf %get3A_7, %get3A_9 : vector<2048xf32>
    %swap3A_11 = arith.constant 0 : index
    %swap3A_12 = vector.load %arg7[%swap3A_11] : memref<2048xf32, #tpu.memory_space<vmem>>, vector<2048xf32>
    tpu.vector_store %arg7[%swap3A_11], %add3A_10 {strides = array<i32>} : memref<2048xf32, #tpu.memory_space<vmem>>, vector<2048xf32>,
    %get3A_13 = arith.constant 0 : index
    %get3A_14 = vector.load %arg8[%get3A_13] : memref<2048xf32, #tpu.memory_space<vmem>>, vector<2048xf32>
    %get3A_15 = arith.constant 0 : index
    %get3A_16 = vector.load %arg3[%get3A_15] : memref<2048xf32, #tpu.memory_space<vmem>>, vector<2048xf32>
    %add3A_17 = arith.addf %get3A_14, %get3A_16 : vector<2048xf32>
    %swap3A_18 = arith.constant 0 : index
    %swap3A_19 = vector.load %arg8[%swap3A_18] : memref<2048xf32, #tpu.memory_space<vmem>>, vector<2048xf32>
    tpu.vector_store %arg8[%swap3A_18], %add3A_17 {strides = array<i32>} : memref<2048xf32, #tpu.memory_space<vmem>>, vector<2048xf32>,
    %eq3A_20 = arith.constant 31 : i32
    %eq3A_21 = arith.cmpi eq, %arg0, %eq3A_20 : i32
    %convert_element_type3A_22 = arith.extui %eq3A_21 : i1 to i32
    %cond3A_23 = arith.constant 0 : i32
    %cond3A_24 = arith.cmpi ne, %convert_element_type3A_22, %cond3A_23 : i32
    scf.if %cond3A_24 {
      %get3A_25 = arith.constant 0 : index
      %get3A_26 = vector.load %arg4[%get3A_25] : memref<512xi32, #tpu.memory_space<vmem>>, vector<512xi32>
      %reduce_max3A = vector.shape_cast %get3A_26 : vector<512xi32> to vector<1x512xi32>
      %reduce_max3A_27 = arith.constant dense<-2147483648> : vector<1xi32>
      %reduce_max3A_28 = vector.multi_reduction <maxsi>, %reduce_max3A, %reduce_max3A_27 [1] : vector<1x512xi32> to vector<1xi32>
      %reduce_max3A_29 = vector.shape_cast %reduce_max3A_28 : vector<1xi32> to vector<1x1xi32>
      %reduce_max3A_30 = vector.extract %reduce_max3A_29[0, 0] : i32 from vector<1x1xi32>
      %add3A_31 = arith.constant 1 : i32
      %add3A_32 = arith.addi %reduce_max3A_30, %add3A_31 : i32
      %get3A_33 = arith.constant 0 : index
      %get3A_34 = vector.load %arg6[%get3A_33] : memref<2048xf32, #tpu.memory_space<vmem>>, vector<2048xf32>
      %gt3A = arith.constant 0.000000e+00 : f32
      %gt3A_35 = vector.broadcast %gt3A : f32 to vector<2048xf32>
      %gt3A_36 = arith.cmpf ogt, %get3A_34, %gt3A_35 : vector<2048xf32>
      %max3A = arith.constant 1.000000e+00 : f32
      %max3A_37 = vector.broadcast %max3A : f32 to vector<2048xf32>
      %max3A_38 = arith.maximumf %get3A_34, %max3A_37 : vector<2048xf32>
      %get3A_39 = arith.constant 0 : index
      %get3A_40 = vector.load %arg7[%get3A_39] : memref<2048xf32, #tpu.memory_space<vmem>>, vector<2048xf32>
      %div3A = arith.divf %get3A_40, %max3A_38 : vector<2048xf32>
      %jit3A = arith.constant 0.000000e+00 : f32
      %broadcast_in_dim3A = vector.broadcast %jit3A : f32 to vector<2048xf32>
      %select_n3A = arith.select %gt3A_36, %div3A, %broadcast_in_dim3A : vector<2048xi1>, vector<2048xf32>
      %get3A_41 = arith.constant 0 : index
      %get3A_42 = vector.load %arg8[%get3A_41] : memref<2048xf32, #tpu.memory_space<vmem>>, vector<2048xf32>
      %div3A_43 = arith.divf %get3A_42, %max3A_38 : vector<2048xf32>
      %jit3A_44 = arith.constant 0.000000e+00 : f32
      %broadcast_in_dim3A_45 = vector.broadcast %jit3A_44 : f32 to vector<2048xf32>
      %select_n3A_46 = arith.select %gt3A_36, %div3A_43, %broadcast_in_dim3A_45 : vector<2048xi1>, vector<2048xf32>
      %div3A_47 = arith.constant 1.000000e+05 : f32
      %div3A_48 = vector.broadcast %div3A_47 : f32 to vector<2048xf32>
      %div3A_49 = arith.divf %get3A_34, %div3A_48 : vector<2048xf32>
      %iota3A = tpu.iota {dimensions = array<i32: 1>} : vector<1x2048xi32>
      %iota3A_50 = vector.shape_cast %iota3A : vector<1x2048xi32> to vector<2048xi32>
      %mul3A = arith.constant 15 : i32
      %mul3A_51 = arith.muli %add3A_32, %mul3A : i32
      %lt3A = vector.broadcast %mul3A_51 : i32 to vector<2048xi32>
      %lt3A_52 = arith.cmpi slt, %iota3A_50, %lt3A : vector<2048xi32>
      %and3A = arith.andi %gt3A_36, %lt3A_52 : vector<2048xi1>
      %sub3A = arith.subf %select_n3A, %select_n3A_46 : vector<2048xf32>
      %abs3A = math.absf %sub3A : vector<2048xf32>
      %mul3A_53 = arith.mulf %abs3A, %div3A_49 : vector<2048xf32>
      %jit3A_54 = arith.constant 0.000000e+00 : f32
      %broadcast_in_dim3A_55 = vector.broadcast %jit3A_54 : f32 to vector<2048xf32>
      %select_n3A_56 = arith.select %and3A, %mul3A_53, %broadcast_in_dim3A_55 : vector<2048xi1>, vector<2048xf32>
      %reduce_sum3A = vector.shape_cast %select_n3A_56 : vector<2048xf32> to vector<1x2048xf32>
      %reduce_sum3A_57 = arith.constant dense<0.000000e+00> : vector<1xf32>
      %reduce_sum3A_58 = vector.multi_reduction <add>, %reduce_sum3A, %reduce_sum3A_57 [1] : vector<1x2048xf32> to vector<1xf32>
      %reduce_sum3A_59 = vector.shape_cast %reduce_sum3A_58 : vector<1xf32> to vector<1x1xf32>
      %reduce_sum3A_60 = vector.extract %reduce_sum3A_59[0, 0] : f32 from vector<1x1xf32>
      %broadcast_in_dim3A_61 = vector.broadcast %reduce_sum3A_60 : f32 to vector<1xf32>
      %convert_element_type3A_62 = arith.sitofp %add3A_32 : i32 to f32
      %div3A_63 = vector.broadcast %convert_element_type3A_62 : f32 to vector<1xf32>
      %div3A_64 = arith.divf %broadcast_in_dim3A_61, %div3A_63 : vector<1xf32>
      %reshape3A = vector.shape_cast %div3A_64 : vector<1xf32> to vector<1x1xf32>
      %swap3A_65 = arith.constant 0 : index
      %swap3A_66 = arith.constant 0 : index
      %swap3A_67 = vector.load %arg5[%swap3A_65, %swap3A_66] : memref<1x1xf32, #tpu.memory_space<vmem>>, vector<1x1xf32>
      tpu.vector_store %arg5[%swap3A_65, %swap3A_66], %reshape3A {strides = array<i32>} : memref<1x1xf32, #tpu.memory_space<vmem>>, vector<1x1xf32>,
    } else {
    }
    return
  }
  func.func @transform_0(%arg0: i32) -> i32 {
    %c0_i32 = arith.constant 0 : i32
    return %arg0 : i32
  }
  func.func @transform_1(%arg0: i32) -> i32 {
    %c0_i32 = arith.constant 0 : i32
    return %arg0 : i32
  }
  func.func @transform_2(%arg0: i32) -> i32 {
    %c0_i32 = arith.constant 0 : i32
    return %arg0 : i32
  }
  func.func @transform_3(%arg0: i32) -> i32 {
    %c0_i32 = arith.constant 0 : i32
    %c0_i32_0 = arith.constant 0 : i32
    return %c0_i32 : i32
  }
  func.func @transform_4(%arg0: i32) -> (i32, i32) {
    %c0_i32 = arith.constant 0 : i32
    %c0_i32_0 = arith.constant 0 : i32
    %c0_i32_1 = arith.constant 0 : i32
    return %c0_i32, %c0_i32_0 : i32, i32
  }
}

</mosaic_0001>

<sc_bundles>
// kernel: kernel.4.cloned.1.call-start
scs
__scs_entry_jumppad:
0x0: {  	(pc) =	sbr.rel $0x88, $3  }
0x1: {  	(tag) =	ssettag $0x0;
	lr =	simm.s32 $0x1  }
0x2: {  	[smem:$0x3F9F] =	sst lr;
	_ =	strace $0xD0000000  }
0x3: {  	_ = 	snop  }
0x4: {  	_ = 	snop  }
0x5: {  	_ = 	snop  }
0x6: {  	_ = 	snop  }
0x7: {  	_ = 	snop  }
__scs_overlays_trampoline_lowered:
0x8: {  	[smem:$0x3FAE] =	sst s0  }
0x9: {  	[smem:$0x3FAF] =	sst s1  }
0xa: {  	[smem:$0x3FB0] =	sst s2  }
0xb: {  	[smem:$0x3FB1] =	sst s3  }
0xc: {  	[smem:$0x3FB2] =	sst s4  }
0xd: {  	[smem:$0x3FB3] =	sst s5  }
0xe: {  	[smem:$0x3FB4] =	sst s6  }
0xf: {  	[smem:$0x3FB5] =	sst s7  }
0x10: {  	[smem:$0x3FB6] =	sst s8  }
0x11: {  	[smem:$0x3FB7] =	sst s9;
	s0 =	simm.s32 @!p0 $0x0  }
0x12: {  	s1 =	sld [smem:$0x3F9D];
	s0 =	simm.s32 @p0 $0x1  }
0x13: {  	[smem:$0x3FB8] =	sst s0;
	s0 =	simm.s32 @!p1 $0x0  }
0x14: {  	s2 =	sld [smem:$0x3F9C];
	s0 =	simm.s32 @p1 $0x1  }
0x15: {  	[smem:$0x3FB9] =	sst s0;
	s0 =	simm.s32 @!p2 $0x0  }
0x16: {  	s3 =	sld [smem:$0x3FDB];
	s0 =	simm.s32 @p2 $0x1  }
0x17: {  	s4 =	simm.s32 $0x1BF5;
	[smem:$0x3FBB] =	sst s0  }
0x18: {  	s0 =	sld [smem:$0x3F9E];
	_ =	swait.ge [sflag:s4], $0x0  }
0x19: {  	s7 =	sld [smem:$0x3F9F]  }
0x1a: {  	s8 =	sadd.s32 $0xFFFFE003, lr  }
0x1b: {  	s9 =	sadd.s32 $0xFFFFFEF7, lr;
	s5 =	simm.s32 $0xFFFFFFFF;
	p2 =	slt.u32 s8, $0xFFFFF086  }
0x1c: {  	p1 =	slt.u32 s9, $0xF7A;
	s5 =	simm.s32 @!p2 $0x0  }
0x1d: {  	s5 =	simm.s32 @p1 $0x1;
	p0 =	seq.s32 s7, s2  }
0x1e: {  	s7 =	smul.u32 @!p0 $0xF7A, s2;
	p2 =	seq.s32 @!p0 s5, $0x0  }
0x1f: {  	s9 =	smul.u32 $0xF7A, s1;
	s8 =	simm.s32 @!p0 $0x1BF5;
	p2 =	por !p2, p0  }
0x20: {  	[sflag:s8] =	ssyncset.s32 @!p0 $0xFFFFF086;
	s6 =	sadd.s32 @!p0 s3, s7;
	s7 =	simm.s32 @!p0 $0x108  }
0x21: {  	s3 =	sadd.s32 s3, s9;
	s6 =	sadd.s32 @!p0 $0x88, s6;
	s7 =	simm.s32 @p2 $0x1082  }
0x22: {  	[simem:s7], [sflag:s8] =	dma.local @!p0 [hbm:s6], $0xF7A  }
0x23: {  	s9 =	sor.u32 $0xD0000000, s2;
	s6 =	simm.s32 $0x108;
	_ =	swait.ge @!p0 [sflag:s8], $0x0  }
0x24: {  	s3 =	sadd.s32 $0x88, s3;
	s6 =	simm.s32 @!p1 $0x1082;
	[sflag:s4] =	ssyncset.s32 $0xFFFFF086  }
0x25: {  	[simem:s6], [sflag:s4] =	dma.local [hbm:s3], $0xF7A  }
0x26: {  	[smem:$0x3F9F] =	sst s1;
	(tag) =	ssettag s2;
	_ =	strace s9  }
0x27: {  	s1 =	sld [smem:$0x3FAF]  }
0x28: {  	s2 =	sld [smem:$0x3FB0]  }
0x29: {  	s4 =	sld [smem:$0x3FB2]  }
0x2a: {  	p0 =	seq.s32 s5, $0x0;
	s5 =	sld [smem:$0x3FB3]  }
0x2b: {  	s6 =	sld [smem:$0x3FB4]  }
0x2c: {  	s7 =	sld [smem:$0x3FB5]  }
0x2d: {  	s3 =	simm.s32 $0x108;
	s8 =	sld [smem:$0x3FB6]  }
0x2e: {  	s3 =	simm.s32 @!p0 $0x1082;
	s9 =	sld [smem:$0x3FB7]  }
0x2f: {  	lr =	sadd.s32 s0, s3;
	s0 =	sld [smem:$0x3FAE]  }
0x30: {  	s3 =	sld [smem:$0x3FB1]  }
0x31: {  	[smem:$0x3FBA] =	sst s10  }
0x32: {  	s10 =	sld [smem:$0x3FB8];
	_ =	sdelay $0x3  }
0x33: {  	p0 =	seq.s32 s10, $0x1;
	s10 =	sld [smem:$0x3FBA];
	_ =	sdelay $0x3  }
0x34: {  	[smem:$0x3FBA] =	sst s10  }
0x35: {  	s10 =	sld [smem:$0x3FB9];
	_ =	sdelay $0x3  }
0x36: {  	p1 =	seq.s32 s10, $0x1;
	s10 =	sld [smem:$0x3FBA];
	_ =	sdelay $0x3  }
0x37: {  	[smem:$0x3FBA] =	sst s10  }
0x38: {  	s10 =	sld [smem:$0x3FBB]  }
0x39: {  	_ = 	snop;
	(pc) =	sbr.ind lr, $3  }
0x3a: {  	_ = 	snop  }
0x3b: {  	_ = 	snop  }
0x3c: {  	p2 =	seq.s32 s10, $0x1;
	s10 =	sld [smem:$0x3FBA]  }
0x3d: {  	_ =	shalt  }
0x3e: {  	_ =	shalt  }
0x3f: {  	_ =	shalt  }
0x40: {  	_ =	shalt  }
0x41: {  	_ =	shalt  }
0x42: {  	_ =	shalt  }
0x43: {  	_ =	shalt  }
0x44: {  	_ =	shalt  }
0x45: {  	_ =	shalt  }
0x46: {  	_ =	shalt  }
0x47: {  	_ =	shalt  }
0x48: {  	_ =	shalt  }
0x49: {  	_ =	shalt  }
0x4a: {  	_ =	shalt  }
0x4b: {  	_ =	shalt  }
0x4c: {  	_ =	shalt  }
0x4d: {  	_ =	shalt  }
0x4e: {  	_ =	shalt  }
0x4f: {  	_ =	shalt  }
0x50: {  	_ =	shalt  }
0x51: {  	_ =	shalt  }
0x52: {  	_ =	shalt  }
0x53: {  	_ =	shalt  }
0x54: {  	_ =	shalt  }
0x55: {  	_ =	shalt  }
0x56: {  	_ =	shalt  }
0x57: {  	_ =	shalt  }
0x58: {  	_ =	shalt  }
0x59: {  	_ =	shalt  }
0x5a: {  	_ =	shalt  }
0x5b: {  	_ =	shalt  }
0x5c: {  	_ =	shalt  }
0x5d: {  	_ =	shalt  }
0x5e: {  	_ =	shalt  }
0x5f: {  	_ =	shalt  }
0x60: {  	_ =	shalt  }
0x61: {  	_ =	shalt  }
0x62: {  	_ =	shalt  }
0x63: {  	_ =	shalt  }
0x64: {  	_ =	shalt  }
0x65: {  	_ =	shalt  }
0x66: {  	_ =	shalt  }
0x67: {  	_ =	shalt  }
0x68: {  	_ =	shalt  }
0x69: {  	_ =	shalt  }
0x6a: {  	_ =	shalt  }
0x6b: {  	_ =	shalt  }
0x6c: {  	_ =	shalt  }
0x6d: {  	_ =	shalt  }
0x6e: {  	_ =	shalt  }
0x6f: {  	_ =	shalt  }
0x70: {  	_ =	shalt  }
0x71: {  	_ =	shalt  }
0x72: {  	_ =	shalt  }
0x73: {  	_ =	shalt  }
0x74: {  	_ =	shalt  }
0x75: {  	_ =	shalt  }
0x76: {  	_ =	shalt  }
0x77: {  	_ =	shalt  }
0x78: {  	_ =	shalt  }
0x79: {  	_ =	shalt  }
0x7a: {  	_ =	shalt  }
0x7b: {  	_ =	shalt  }
0x7c: {  	_ =	shalt  }
0x7d: {  	_ =	shalt  }
0x7e: {  	_ =	shalt  }
0x7f: {  	_ =	shalt  }
0x80: {  	_ =	shalt  }
0x81: {  	_ =	shalt  }
0x82: {  	_ =	shalt  }
0x83: {  	_ =	shalt  }
0x84: {  	_ =	shalt  }
0x85: {  	_ =	shalt  }
0x86: {  	_ =	shalt  }
0x87: {  	_ =	shalt  }
.Lfunc_end0:
.L_simem_size_0:
called_computation_lowered:
.L_overlay_start_0:
0x88: {  	s2 =	sld [smem:$0x3FD9]  }
0x89: {  	s3 =	sld [smem:$0x3FFE];
	_ =	sdelay $0x1  }
0x8a: {  	s1 =	srdreg.scid  }
0x8b: {  	s0 =	sand.u32 $0x1, s1  }
0x8c: {  	s17 =	sshll.u32 s0, $0xA;
	s2 =	sadd.s32 s3, s2  }
0x8d: {  	s2 =	sadd.s32 s2, s17  }
0x8e: {  	[smem:$0x3FC6] =	sst s2  }
0x8f: {  	_ = 	snop  }
0x90: {  	s2 =	sld [smem:$0x3FC8];
	(tm) =	ssettm $0x1  }
0x91: {  	s18 =	sld [smem:$0x3FFB];
	_ =	sdelay $0x3  }
0x92: {  	_ =	strace s18  }
0x93: {  	s3 =	sld [smem:$0x3FFC];
	_ =	sdelay $0x3  }
0x94: {  	_ =	strace s3  }
0x95: {  	s3 =	sld [smem:$0x3FFD];
	_ =	sdelay $0x3  }
0x96: {  	_ =	strace s3  }
0x97: {  	_ =	strace $0x8FFFFFFF  }
0x98: {  	s19 =	sld [smem:$0x3FDB];
	_ =	sdelay $0x1  }
0x99: {  	s4 =	simm.s32 $_scs_section_size  }
0x9a: {  	s5 =	simm.s32 $_size__tile_overlayer_lowered;
	s6 =	simm.s32 $_tile_overlayer_lowered  }
0x9b: {  	s22 =	simm.s32 $0x1BFF;
	s21 =	sshll.u32 s6, $0x1;
	s3 =	sadd.s32 s4, s19  }
0x9c: {  	s7 =	simm.s32 $0x0;
	s20 =	sshll.u32 s5, $0x1;
	s5 =	sadd.s32 s21, s3  }
0x9d: {  	[timem:s7], [sflag:s22] =	dma.local [hbm:s5], s20  }
0x9e: {  	_ =	swait.ge [sflag:s22], s20  }
0x9f: {  	s4 =	ssub.s32 $0x0, s20;
	[sflag:s22] =	ssyncset.done $0x0  }
0xa0: {  	[sflag:s22] =	ssyncadd.s32 s4;
	_ =	sdelay $0x1  }
0xa1: {  	s23 =	simm.s32 $0x1B8B  }
0xa2: {  	_ =	swait.ge [sflag:s23], $0x1  }
0xa3: {  	[sflag:s23] =	ssyncset.done $0x0  }
0xa4: {  	s25 =	simm.s32 $0x1B8E;
	s24 =	sld [smem:$0x3FFE];
	[sflag:s23] =	ssyncadd.s32 $0xFFFFFFFF  }
0xa5: {  	s26 =	simm.s32 $execute0_lowered;
	[smem:$0x3FD2] =	sst s25  }
0xa6: {  	s5 =	sshll.u32 s26, $0x1;
	_ =	strace $0x80000046;
	[dreg:$0x1] =	wrdreg $0xFFFFFFFF  }
0xa7: {  	s28 =	simm.s32 $_size_execute0_lowered;
	s3 =	sadd.s32 s3, s5;
	[dreg:$0x0] =	wrdreg $0x0  }
0xa8: {  	s5 =	sshll.u32 s28, $0x1;
	[dreg:$0x2] =	wrdreg s3  }
0xa9: {  	[dreg:$0x3] =	wrdreg s5  }
0xaa: {  	[dreg:$0x4] =	wrdreg $0xC0  }
0xab: {  	_ =	task [dreg:s7], $0x5FFFF  }
0xac: {  	[dreg:$0x1] =	wrdreg $0xFFFFFFFF  }
0xad: {  	[dreg:$0x0] =	wrdreg $0x60  }
0xae: {  	[dreg:$0x2] =	wrdreg s24  }
0xaf: {  	[dreg:$0x3] =	wrdreg s2  }
0xb0: {  	[dreg:$0x4] =	wrdreg $0x9  }
0xb1: {  	_ =	task.clear_ibuf [dreg:s7], $0x5FFFF;
	_ =	strace $0x90000046  }
0xb2: {  	s29 =	simm.s32 $0x9;
	_ =	strace $0x80000048  }
0xb3: {  	_ =	swait.ge [sflag:s29], $0x1  }
0xb4: {  	[sflag:s29] =	ssyncadd.s32 $0xFFFFFFFF  }
0xb5: {  	_ =	strace $0x90000048  }
0xb6: {  	_ =	sfence  }
0xb7: {  	s30 =	sld [smem:$0x0];
	_ =	sdelay $0x2  }
0xb8: {  	s31 =	sshll.u32 s1, $0xD;
	s1 =	sshrl.u32 s1, $0x2  }
0xb9: {  	s3 =	sand.u32 $0x4000, s31;
	s1 =	sadd.s32 s1, s30  }
0xba: {  	s0 =	sor.u32 s3, s0;
	s1 =	sshll.u32 s1, $0x11  }
0xbb: {  	s0 =	sor.u32 s1, s0  }
0xbc: {  	s0 =	sadd.s32 $0x8F2B, s0  }
0xbd: {  	[sflag:s0] =	ssyncadd.remote.s32 $0x1  }
0xbe: {  	_ =	sfence.sel $0xFFFF  }
0xbf: {  	[dreg:$0x0] =	wrdreg $0xFFFFFFFF;
	(pc) =	sbr.abs _section_cstart, $3  }
0xc0: {  	[dreg:$0x1] =	wrdreg $0xFFFFFFFF  }
0xc1: {  	_ =	task.clear_ibuf [dreg:s7], $0x2FFFF;
	_ =	strace $0x9FFFFFFF  }
0xc2: {  	(tm) =	ssettm $0x7FFFFFFF  }
0xc3: {  	_ =	shalt  }
tec
execute0_lowered:
.L_overlay_start_1:
0x0: {  	(tag) =	ssettag $0x1  }
0x1: {  	s0 =	rddreg [dreg:$0x0]  }
0x2: {  	s1 =	rddreg [dreg:$0x1];
	s3 =	srdreg.scid  }
0x3: {  	s13 =	stileid.u32;
	s2 =	simm.s32 $0x0;
	s28 =	simm.s32 $0xF000  }
0x4: {  	s29 =	simm.s32 $0x2;
	s30 =	simm.s32 $0x3;
	s31 =	simm.s32 $0x4  }
0x5: {  	s4 =	sand.u32 $0x1, s3;
	s16 =	sshll.u32 s13, $0x1;
	[smem:$0x7FF] =	sst s2  }
0x6: {  	s3 =	sadd.s32 $0x1000, s0;
	p0 =	slt.u32 s13, $0x5;
	s5 =	sor.u32 s4, s16  }
0x7: {  	_ =	strace $0x80000047;
	s4 =	ssub.s32 $0x2, s4;
	s6 =	sshll.u32 s5, $0x8  }
0x8: {  	s17 =	smul.u32 $0xC3, s5;
	s8 =	sshll.u32 s5, $0x1;
	s9 =	sshrl.u32 s4, $0x1  }
0x9: {  	s5 =	smin.u32 s5, $0xA;
	s18 =	ssub.s32 s4, s9;
	s4 =	simm.s32 $0xC4  }
0xa: {  	s7 =	sadd.s32 s6, s0;
	s0 =	sadd.s32 s8, s0;
	s4 =	simm.s32 @!p0 $0xC3  }
0xb: {  	s19 =	sadd.s32 s5, s17;
	s0 =	sadd.s32 $0x18DA00, s0;
	s23 =	sadd.s32 $0x187A00, s7  }
0xc: {  	s24 =	sadd.s32 $0x189A00, s7;
	s25 =	sadd.s32 $0x18BA00, s7;
	[dreg:$0x6] =	wrdreg s0  }
0xd: {  	s26 =	smax.u32 s18, $0x1;
	p0 =	sgt.u32 s13, $0x4;
	[dreg:$0x7] =	wrdreg s23  }
0xe: {  	s5 =	sshll.u32 s19, $0x8;
	s6 =	sshll.u32 s19, $0x1;
	[dreg:$0x8] =	wrdreg s24  }
0xf: {  	s10 =	sadd.s32 $0x4, s19;
	s11 =	sadd.s32 $0x5, s19;
	[dreg:$0x9] =	wrdreg s25  }
0x10: {  	s12 =	sadd.s32 $0x6, s19;
	s15 =	sadd.s32 $0x7, s19;
	[dreg:$0xa] =	wrdreg s26  }
0x11: {  	s19 =	simm.s32 $0xC80;
	s23 =	simm.s32 $0x1;
	s5 =	sadd.s32 s3, s5  }
0x12: {  	v0 =	vlaneseq.u32;
	s24 =	simm.s32 $0x3300;
	s25 =	simm.s32 $0x9180;
	s20 =	sadd.s32 $0x100, s5  }
0x13: {  	v3 =	vimm.f32 $0.0e+00;
	v1 =	vmul.u32 $0x80, v0;
	s26 =	simm.s32 $0x2C80;
	s21 =	sadd.s32 $0x200, s5;
	[dreg:$0x3] =	wrdreg s20  }
0x14: {  	vm0 =	vmxor vm0, vm0;
	v9 =	vimm.s32 $0x0;
	v2 =	vmul.u32 $0x5E1, v0;
	s0 =	simm.s32 $0x0;
	s22 =	sadd.s32 $0x300, s5;
	[dreg:$0x4] =	wrdreg s21  }
0x15: {  	v10 =	vimm.f32 $1.000000000e+00;
	v4 =	vor.u32 $0x4, v1;
	v5 =	vor.u32 $0x8, v1;
	s6 =	sadd.s32 s1, s6;
	s1 =	simm.s32 $0x5;
	[dreg:$0x5] =	wrdreg s22  }
0x16: {  	v6 =	vadd.s32 $0xF, v2;
	v7 =	vadd.s32 $0x1E, v2;
	v8 =	vadd.s32 $0x2D, v2;
	s20 =	simm.s32 $0x1480;
	s21 =	simm.s32 $0x1C80;
	s22 =	simm.s32 $0x2480  }
.LBB2_1:
0x17: {  	s7 =	simm.s32 $0x40;
	s8 =	simm.s32 $0x0  }
.LBB2_2:
0x18: {  	p1 =	sne.s32 s7, $0x17800;
	[tilespmem:s8+$0xF000] =	vst v3;
	s9 =	smov.u32 s7;
	s7 =	sadd.s32 $0x40, s7  }
.Ltmp0:
0x19: {  	[tilespmem:s8+$0x3300] =	vst v3;
	(pc) =	sbr.rel @p1 .LBB2_2-.Ltmp0, $2  }
0x1a: {  	[tilespmem:s8+$0x9180] =	vst v3;
	_ =	sdelay $0x2  }
0x1b: {  	s8 =	sshra.s32 s9, $0x2  }
0x1c: {  	[tilespmem:s8+$0xF000] =	vst v3  }
0x1d: {  	[tilespmem:s8+$0x3300] =	vst v3  }
0x1e: {  	[tilespmem:s8+$0x9180] =	vst v3;
	s7 =	simm.s32 @p0 $0x0  }
0x1f: {  	[tilespmem:s7], [sflag:$0x5] =	stream.linear.gather @p0 [hbm4b:s6+s7], $0xC30, $0x38;
	[tilespmem:$0x15700] =	vst v63  }
0x20: {  	s7 =	simm.s32 @p0 $0x5  }
0x21: {  	_ =	swait.ge @p0 [sflag:s7], $0xC30  }
0x22: {  	[sflag:s7] =	ssyncset.done @p0 $0x0  }
0x23: {  	[sflag:s7] =	ssyncadd.s32 @p0 $0xFFFFF3D0;
	s7 =	simm.s32 @!p0 $0x0  }
0x24: {  	[tilespmem:s7], [sflag:$0x5] =	stream.linear.gather @!p0 [hbm4b:s6+s7], $0xC40, $0x38;
	[tilespmem:$0x15700] =	vst v63  }
0x25: {  	s7 =	simm.s32 @!p0 $0x5  }
0x26: {  	_ =	swait.ge @!p0 [sflag:s7], $0xC40  }
0x27: {  	[sflag:s7] =	ssyncset.done @!p0 $0x0  }
0x28: {  	[sflag:s7] =	ssyncadd.s32 @!p0 $0xFFFFF3C0;
	s7 =	simm.s32 $0x0  }
0x29: {  	[tilespmem:s19], [sflag:$0x1] =	stream.linear.gather [hbm4b:s5+s7], $0x800, $0x38;
	[tilespmem:$0x15700] =	vst v63  }
0x2a: {  	s16 =	rddreg [dreg:$0x3]  }
0x2b: {  	[tilespmem:s20], [sflag:$0x2] =	stream.linear.gather [hbm4b:s16+s7], $0x800, $0x38;
	[tilespmem:$0x15700] =	vst v63  }
0x2c: {  	s17 =	rddreg [dreg:$0x4]  }
0x2d: {  	[tilespmem:s21], [sflag:$0x3] =	stream.linear.gather [hbm4b:s17+s7], $0x800, $0x38;
	[tilespmem:$0x15700] =	vst v63  }
0x2e: {  	s8 =	simm.s32 $0x0;
	s18 =	rddreg [dreg:$0x5]  }
0x2f: {  	v11 =	vimm.s32 $0x0;
	v12 =	vimm.s32 $0x0;
	[tilespmem:s22], [sflag:$0x4] =	stream.linear.gather [hbm4b:s18+s7], $0x800, $0x38;
	[tilespmem:$0x15700] =	vst v63  }
.LBB2_4:
0x30: {  	v15 =	vimm.s32 $0x1;
	v13 =	vadd.s32 v1, v11  }
0x31: {  	v14 =	vadd.s32 v1, v15  }
0x32: {  	_ =	swait.ge [sflag:s23], $0x800;
	v16 =	vimm.s32 $0x2;
	v18 =	vadd.s32 v4, v11  }
0x33: {  	[sflag:s23] =	ssyncset.done $0x0;
	v17 =	vadd.s32 v1, v16  }
0x34: {  	v19 =	vimm.s32 $0x3;
	v20 =	vadd.s32 v4, v15;
	[sflag:s23] =	ssyncadd.s32 $0xFFFFF800  }
0x35: {  	v21 =	vadd.s32 v1, v19;
	v13 =	vld.idx.msk [tilespmem:v13+s19+$0x0], $0xffff  }
0x36: {  	v22 =	vadd.s32 v4, v16;
	v14 =	vld.idx.msk [tilespmem:v14+s19+$0x0], $0xffff  }
0x37: {  	v25 =	vadd.s32 v5, v15;
	v18 =	vld.idx.msk [tilespmem:v18+s19+$0x0], $0xffff  }
0x38: {  	v27 =	vadd.s32 $0x8, v16;
	v17 =	vld.idx.msk [tilespmem:v17+s19+$0x0], $0xffff  }
0x39: {  	v26 =	vadd.s32 v1, v27;
	v20 =	vld.idx.msk [tilespmem:v20+s19+$0x0], $0xffff  }
0x3a: {  	v23 =	vadd.s32 v4, v19;
	v21 =	vld.idx.msk [tilespmem:v21+s19+$0x0], $0xffff;
	v13 =	vmul.f32 $1.442695020e+00, v13  }
0x3b: {  	v24 =	vadd.s32 v5, v11;
	v22 =	vld.idx.msk [tilespmem:v22+s19+$0x0], $0xffff;
	v14 =	vmul.f32 $1.442695020e+00, v14  }
0x3c: {  	v25 =	vld.idx.msk [tilespmem:v25+s19+$0x0], $0xffff;
	(erf) = vpow2.f32 v13  }
0x3d: {  	v15 =	vadd.s32 $0xC, v15;
	v31 =	vadd.s32 $0x8, v19;
	(erf) = vpow2.f32 v14  }
0x3e: {  	v29 =	vadd.s32 v4, v31;
	v26 =	vld.idx.msk [tilespmem:v26+s19+$0x0], $0xffff;
	v16 =	vmul.f32 $1.442695020e+00, v18;
	v17 =	vmul.f32 $1.442695020e+00, v17  }
0x3f: {  	v19 =	vld.idx.msk [tilespmem:v23+s19+$0x0], $0xffff;
	v18 =	vmul.f32 $1.442695020e+00, v20;
	v20 =	vadd.s32 v1, v31;
	v14 =	vadd.s32 $0xC, v11  }
0x40: {  	v23 =	vld.idx.msk [tilespmem:v24+s19+$0x0], $0xffff;
	v21 =	vmul.f32 $1.442695020e+00, v21;
	v22 =	vmul.f32 $1.442695020e+00, v22;
	v28 =	vadd.s32 v1, v14  }
0x41: {  	v32 =	vadd.s32 v4, v27;
	v25 =	vmul.f32 $1.442695020e+00, v25;
	(erf) = vpow2.f32 v16  }
0x42: {  	v13 =	vimm.f32 $0.0e+00;
	(erf) = vpow2.f32 v17;
	v17 =	vadd.s32 v1, v15  }
0x43: {  	v30 =	vmul.f32 $1.442695020e+00, v26;
	v16 =	vadd.s32 $0xC, v27;
	(erf) = vpow2.f32 v21  }
0x44: {  	v27 =	vadd.s32 v5, v27;
	v21 =	vmul.f32 $1.442695020e+00, v19;
	v24 =	vld.idx.msk [tilespmem:v20+s19+$0x0], $0xffff;
	(erf) = vpow2.f32 v18  }
0x45: {  	v20 =	vadd.s32 $0xC, v31;
	v18 =	vmul.f32 $1.442695020e+00, v23;
	v23 =	vpop (erf);
	(erf) = vpow2.f32 v22;
	v22 =	vld.idx.msk [tilespmem:v28+s19+$0x0], $0xffff  }
0x46: {  	s9 =	simm.s32 $0x2CD0;
	v28 =	vadd.s32 v4, v14;
	v19 =	vadd.f32 v23, v13;
	v33 =	vpop (erf);
	(erf) = vpow2.f32 v21;
	v21 =	vld.idx.msk [tilespmem:v29+s19+$0x0], $0xffff  }
0x47: {  	s17 =	simm.s32 $0xA;
	[tilespmem:s9+$0xFFFFFFB0] =	vst v23;
	v23 =	vld.idx.msk [tilespmem:v17+s19+$0x0], $0xffff;
	v29 =	vadd.s32 v4, v15;
	v17 =	vimm.f32 $0.0e+00;
	(erf) = vpow2.f32 v18  }
0x48: {  	s16 =	sand.u32 $0x7E0, s7;
	s13 =	simm.s32 $0x0;
	s14 =	simm.s32 $0x2CD0;
	v26 =	vld.idx.msk [tilespmem:v32+s19+$0x0], $0xffff;
	v18 =	vadd.f32 v33, v13;
	[tilespmem:s9+$0xFFFFFFC0] =	vst v33;
	(erf) = vpow2.f32 v25;
	v25 =	vadd.s32 v5, v31  }
.LBB2_5:
0x49: {  	v35 =	vmul.f32 $1.442695020e+00, v24;
	v31 =	vadd.s32 $0x8, v14  }
0x4a: {  	s17 =	sadd.s32 $0xA, s17;
	v32 =	vadd.s32 $0x8, v15;
	s13 =	sadd.s32 $0xA0, s13;
	s9 =	sadd.s32 $0xA0, s9;
	v33 =	vpop (erf);
	v14 =	vmov v16;
	v15 =	vmov v20  }
0x4b: {  	v22 =	vmul.f32 $1.442695020e+00, v22;
	p1 =	slt.u32 s17, $0x5A;
	(erf) = vpow2.f32 v30;
	[tilespmem:s14+$0xFFFFFFF0] =	vst v33;
	v19 =	vadd.f32 v33, v19;
	v16 =	vpop (erf)  }
0x4c: {  	v21 =	vmul.f32 $1.442695020e+00, v21;
	v28 =	vld.idx.msk [tilespmem:v28+s19+$0x0], $0xffff;
	(erf) = vpow2.f32 v35;
	[tilespmem:s14+$0xFFFFFFD0] =	vst v16;
	v13 =	vadd.f32 v16, v13;
	v24 =	vpop (erf)  }
0x4d: {  	v30 =	vadd.s32 v1, v31;
	v33 =	vadd.s32 v1, v32;
	v16 =	vadd.s32 $0xC, v31;
	v29 =	vld.idx.msk [tilespmem:v29+s19+$0x0], $0xffff;
	[tilespmem:s14+$0xFFFFFFE0] =	vst v24;
	v34 =	vpop (erf)  }
0x4e: {  	v23 =	vmul.f32 $1.442695020e+00, v23;
	v26 =	vmul.f32 $1.442695020e+00, v26;
	v27 =	vld.idx.msk [tilespmem:v27+s19+$0x0], $0xffff;
	[tilespmem:s14+$0x0] =	vst v34;
	v18 =	vadd.f32 v34, v18;
	v34 =	vpop (erf)  }
0x4f: {  	v36 =	vadd.s32 v1, v20;
	v35 =	vadd.s32 v1, v14;
	v24 =	vadd.f32 v24, v17;
	v25 =	vld.idx.msk [tilespmem:v25+s19+$0x0], $0xffff;
	v20 =	vpop (erf)  }
0x50: {  	v37 =	vadd.s32 v4, v32;
	(erf) = vpow2.f32 v26;
	v26 =	vadd.f32 v34, v13;
	[tilespmem:s14+$0x20] =	vst v20;
	v13 =	vpop (erf)  }
0x51: {  	v38 =	vadd.f32 v20, v24;
	(erf) = vpow2.f32 v22;
	[tilespmem:s16+$0x2D00] =	vst v13;
	v13 =	vadd.f32 v13, v19;
	v17 =	vpop (erf)  }
0x52: {  	v39 =	vadd.s32 v4, v31;
	v19 =	vmul.f32 $1.442695020e+00, v28;
	v30 =	vld.idx.msk [tilespmem:v30+s19+$0x0], $0xffff;
	(erf) = vpow2.f32 v23;
	[tilespmem:s14+$0x40] =	vst v17  }
0x53: {  	v23 =	vmul.f32 $1.442695020e+00, v29;
	v17 =	vadd.f32 v17, v18;
	v24 =	vld.idx.msk [tilespmem:v33+s19+$0x0], $0xffff;
	(erf) = vpow2.f32 v21;
	[tilespmem:s14+$0x10] =	vst v34;
	s14 =	smov.u32 s9  }
.Ltmp1:
0x54: {  	v20 =	vadd.s32 $0xC, v32;
	v27 =	vmul.f32 $1.442695020e+00, v27;
	v22 =	vld.idx.msk [tilespmem:v35+s19+$0x0], $0xffff;
	v18 =	vpop (erf);
	(erf) = vpow2.f32 v19;
	(pc) =	sbr.rel @p1 .LBB2_5-.Ltmp1, $4  }
0x55: {  	v25 =	vmul.f32 $1.442695020e+00, v25;
	v21 =	vld.idx.msk [tilespmem:v37+s19+$0x0], $0xffff;
	[tilespmem:s9+$0xFFFFFFB0] =	vst v18;
	v19 =	vadd.f32 v18, v26;
	v18 =	vpop (erf);
	(erf) = vpow2.f32 v23  }
0x56: {  	v28 =	vadd.s32 v4, v14;
	v23 =	vld.idx.msk [tilespmem:v36+s19+$0x0], $0xffff;
	[tilespmem:s9+$0xFFFFFFC0] =	vst v18;
	v18 =	vadd.f32 v18, v38;
	(erf) = vpow2.f32 v27  }
0x57: {  	v29 =	vadd.s32 v4, v15;
	v26 =	vld.idx.msk [tilespmem:v39+s19+$0x0], $0xffff;
	(erf) = vpow2.f32 v25  }
0x58: {  	s16 =	sand.u32 $0x7E0, s13;
	v27 =	vadd.s32 v5, v31;
	v30 =	vmul.f32 $1.442695020e+00, v30;
	v25 =	vadd.s32 v5, v32  }
0x59: {  	_ =	sdelay $0x3  }
0x5a: {  	v14 =	vmul.f32 $1.442695020e+00, v24;
	v15 =	vld.idx.msk [tilespmem:v28+s19+$0x0], $0xffff  }
0x5b: {  	v16 =	vld.idx.msk [tilespmem:v29+s19+$0x0], $0xffff;
	v22 =	vmul.f32 $1.442695020e+00, v22;
	(erf) = vpow2.f32 v30  }
0x5c: {  	v24 =	vpop (erf);
	(erf) = vpow2.f32 v14;
	v14 =	vld.idx.msk [tilespmem:v27+s19+$0x0], $0xffff;
	v20 =	vmul.f32 $1.442695020e+00, v26  }
0x5d: {  	v25 =	vld.idx.msk [tilespmem:v25+s19+$0x0], $0xffff;
	v23 =	vmul.f32 $1.442695020e+00, v23  }
0x5e: {  	v26 =	vpop (erf);
	(erf) = vpow2.f32 v20;
	v20 =	vmul.f32 $1.442695020e+00, v21  }
0x5f: {  	v21 =	vpop (erf);
	v15 =	vmul.f32 $1.442695020e+00, v15;
	(erf) = vpow2.f32 v22  }
0x60: {  	v16 =	vmul.f32 $1.442695020e+00, v16;
	v22 =	vpop (erf);
	(erf) = vpow2.f32 v23  }
0x61: {  	v23 =	vpop (erf);
	v14 =	vmul.f32 $1.442695020e+00, v14;
	(erf) = vpow2.f32 v20  }
0x62: {  	v25 =	vmul.f32 $1.442695020e+00, v25;
	v20 =	vpop (erf);
	(erf) = vpow2.f32 v15  }
0x63: {  	v15 =	vpop (erf);
	(erf) = vpow2.f32 v16  }
0x64: {  	v16 =	vpop (erf);
	(erf) = vpow2.f32 v14  }
0x65: {  	[tilespmem:s14+$0xFFFFFFF0] =	vst v24;
	v17 =	vadd.f32 v21, v17;
	v14 =	vpop (erf);
	(erf) = vpow2.f32 v25  }
0x66: {  	v19 =	vadd.f32 v24, v19;
	[tilespmem:s14+$0xFFFFFFD0] =	vst v26;
	v25 =	vpop (erf)  }
0x67: {  	v13 =	vadd.f32 v26, v13;
	[tilespmem:s14+$0xFFFFFFE0] =	vst v21;
	v17 =	vadd.f32 v20, v17;
	v27 =	vpop (erf)  }
0x68: {  	v18 =	vadd.f32 v22, v18;
	[tilespmem:s14+$0x0] =	vst v22;
	v19 =	vadd.f32 v15, v19;
	v24 =	vpop (erf)  }
0x69: {  	v13 =	vadd.f32 v23, v13;
	[tilespmem:s14+$0x10] =	vst v23;
	v17 =	vadd.f32 v25, v17;
	v21 =	vpop (erf)  }
0x6a: {  	[tilespmem:s14+$0x20] =	vst v20;
	v18 =	vadd.f32 v16, v18;
	v22 =	vpop (erf)  }
0x6b: {  	[tilespmem:s16+$0x2D00] =	vst v15;
	v13 =	vadd.f32 v14, v13;
	v20 =	vpop (erf)  }
0x6c: {  	s9 =	sadd.s32 $0xA0, s9;
	[tilespmem:s14+$0x40] =	vst v16;
	v15 =	vadd.f32 v24, v19;
	v18 =	vadd.f32 v21, v18;
	v19 =	vpop (erf)  }
0x6d: {  	[tilespmem:s9+$0xFFFFFFB0] =	vst v14;
	v13 =	vadd.f32 v27, v13;
	v16 =	vadd.f32 v22, v17;
	v17 =	vpop (erf)  }
0x6e: {  	[tilespmem:s9+$0xFFFFFFC0] =	vst v25;
	v15 =	vadd.f32 v20, v15;
	v18 =	vadd.f32 v19, v18;
	v23 =	vpop (erf)  }
0x6f: {  	[tilespmem:s9+$0xFFFFFFF0] =	vst v27;
	v13 =	vadd.f32 v17, v13;
	v14 =	vadd.f32 v23, v16  }
0x70: {  	[tilespmem:s9+$0xFFFFFFD0] =	vst v24  }
0x71: {  	[tilespmem:s9+$0xFFFFFFE0] =	vst v21;
	v15 =	vadd.f32 v18, v15;
	v13 =	vadd.f32 v14, v13  }
0x72: {  	[tilespmem:s9+$0x0] =	vst v22  }
0x73: {  	s13 =	sadd.s32 $0xA0, s13;
	[tilespmem:s9+$0x10] =	vst v20;
	v13 =	vadd.f32 v13, v15  }
0x74: {  	s13 =	sand.u32 $0x7E0, s13;
	[tilespmem:s9+$0x20] =	vst v19  }
0x75: {  	[tilespmem:s13+$0x2D00] =	vst v17;
	(erf) = vrcp.f32 v13  }
0x76: {  	s17 =	simm.s32 $0x2CD0;
	[tilespmem:s9+$0x40] =	vst v23  }
0x77: {  	v16 =	vld [tilespmem:s17+$0x20]  }
0x78: {  	v17 =	vld [tilespmem:s17+$0xFFFFFFF0]  }
0x79: {  	v14 =	vld [tilespmem:s17+$0xFFFFFFB0]  }
0x7a: {  	v15 =	vld [tilespmem:s17+$0xFFFFFFE0]  }
0x7b: {  	v18 =	vld [tilespmem:s17+$0x0]  }
0x7c: {  	v21 =	vld [tilespmem:s17+$0xFFFFFFD0];
	_ =	sdelay $0x1  }
0x7d: {  	v13 =	vpop (erf)  }
0x7e: {  	v14 =	vmul.f32 v14, v13;
	v19 =	vmul.f32 v15, v13  }
0x7f: {  	v15 =	vld [tilespmem:s17+$0x40];
	v22 =	vmul.f32 v16, v13;
	v20 =	vmul.f32 v18, v13  }
0x80: {  	v25 =	vld [tilespmem:s17+$0xFFFFFFC0];
	v23 =	vmul.f32 v17, v13;
	v17 =	vmul.f32 v21, v13  }
0x81: {  	vm1 =	vmmov vm0;
	s13 =	simm.s32 $0x0;
	v16 =	vmul.f32 $1.500000000e+01, v14;
	v26 =	vmul.f32 $1.500000000e+01, v19  }
0x82: {  	v40 =	vadd.s32 $0xB4, v6;
	s9 =	sshll.u32 s8, $0x2;
	s18 =	sand.u32 $0x7E0, s13;
	v27 =	vld [tilespmem:s17+$0x10];
	v34 =	vmul.f32 $1.500000000e+01, v20;
	v32 =	vmul.f32 $1.500000000e+01, v22  }
0x83: {  	v24 =	vadd.s32 $0xB4, v2;
	p2 =	slt.u32 s9, s4;
	v21 =	vld [tilespmem:s18+$0x2D00];
	v18 =	vtrunc.f32 v16;
	v28 =	vtrunc.f32 v26  }
0x84: {  	vm1 =	vmneg @p2 vm1;
	v15 =	vmul.f32 v15, v13;
	v29 =	vcvt.f32.s32 v18  }
0x85: {  	vm2 =	veq.f32 v16, v18;
	v16 =	vmul.f32 v25, v13;
	v25 =	vmul.f32 $1.500000000e+01, v17  }
0x86: {  	v18 =	vcvt.f32.s32 v28;
	vm3 =	veq.f32 v26, v28;
	v28 =	vmul.f32 $1.500000000e+01, v23  }
0x87: {  	v26 =	vsel vm3, $0xFFFFFFFF, v9;
	v30 =	vsel vm2, $0xFFFFFFFF, v9;
	v31 =	vtrunc.f32 v25  }
0x88: {  	v33 =	vadd.s32 v18, v26;
	v18 =	vmul.f32 v21, v13;
	v21 =	vmul.f32 v27, v13  }
0x89: {  	v30 =	vadd.s32 v29, v30;
	v26 =	vtrunc.f32 v32;
	v27 =	vmul.f32 $1.500000000e+01, v15  }
0x8a: {  	v38 =	vtrunc.f32 v28;
	v37 =	vcvt.f32.s32 v26;
	vm3 =	veq.f32 v32, v26  }
0x8b: {  	v26 =	vcvt.f32.s32 v38;
	v39 =	vcvt.f32.s32 v31;
	vm4 =	veq.f32 v25, v31  }
0x8c: {  	v36 =	vmul.f32 $1.500000000e+01, v21;
	v35 =	vtrunc.f32 v27;
	v32 =	vsel vm3, $0xFFFFFFFF, v9  }
0x8d: {  	v29 =	vmul.f32 $1.500000000e+01, v18;
	vm3 =	veq.f32 v28, v38;
	v31 =	vadd.s32 v37, v32  }
0x8e: {  	v63 =	vsel vm3, $0xFFFFFFFF, v9;
	v28 =	vtrunc.f32 v36;
	vm5 =	vgt.s32 v31, $0x0  }
0x8f: {  	v26 =	vadd.s32 v26, v63;
	v25 =	vcvt.f32.s32 v28;
	vm3 =	veq.f32 v36, v28  }
0x90: {  	v31 =	vnsel vm5, $0x0, v31;
	v28 =	vsel vm3, $0xFFFFFFFF, v9;
	vm3 =	vgt.s32 v26, $0x0  }
0x91: {  	v25 =	vadd.s32 v25, v28;
	v28 =	vmin.u32 v31, $0xE;
	v26 =	vnsel vm3, $0x0, v26  }
0x92: {  	vm5 =	vgt.s32 v25, $0x0;
	v28 =	vadd.s32 v28, v8;
	v26 =	vmin.u32 v26, $0xE  }
0x93: {  	v25 =	vnsel vm5, $0x0, v25;
	v38 =	vadd.s32 $0x3C, v28;
	v28 =	vsel vm4, $0xFFFFFFFF, v9  }
0x94: {  	v26 =	vadd.s32 v26, v2;
	v25 =	vmin.u32 v25, $0xE;
	v28 =	vadd.s32 v39, v28  }
0x95: {  	vm2 =	vgt.s32 v30, $0x0;
	v37 =	vtrunc.f32 v29;
	vm3 =	veq.f32 v27, v35  }
0x96: {  	v31 =	vadd.s32 $0x78, v8;
	v27 =	vmovc v7;
	v39 =	vadd.s32 $0x3C, v26;
	vm4 =	vgt.s32 v28, $0x0  }
0x97: {  	s16 =	simm.s32 $0x2D70;
	s14 =	simm.s32 $0x0;
	v36 =	vadd.s32 v25, v7;
	v32 =	vnsel vm4, $0x0, v28;
	v26 =	vmovc v6;
	v28 =	vmovc v8;
	v25 =	vmov v2  }
.LBB2_7:
0x98: {  	v41 =	vld [tilespmem:s16+$0xFFFFFFF0];
	s14 =	sadd.s32 $0xA, s14;
	v42 =	vmin.u32 v32, $0xE;
	v43 =	vtrunc.f32 v34;
	v32 =	vadd.s32 $0x78, v27;
	s13 =	sadd.s32 $0xA0, s13  }
0x99: {  	v44 =	vld [tilespmem:s16+$0x20];
	s17 =	sand.u32 $0x7E0, s13;
	p1 =	slt.u32 s14, $0x5A;
	v42 =	vadd.s32 v27, v42;
	v45 =	vcvt.f32.s32 v43;
	vm4 =	veq.f32 v34, v43;
	v27 =	vmovc v24  }
0x9a: {  	v24 =	vadd.s32 $0xB4, v32;
	v34 =	vmul.f32 $1.500000000e+01, v16;
	v43 =	vsel vm4, $0xFFFFFFFF, v9;
	[tilespmem:v38+s24+$0x0] =	vst.idx.add.f32.msk vm1, v10  }
0x9b: {  	v30 =	vnsel vm2, $0x0, v30;
	vm2 =	vgt.s32 v33, $0x0;
	[tilespmem:v39+s24+$0x0] =	vst.idx.add.f32.msk vm1, v10;
	v43 =	vadd.s32 v45, v43  }
0x9c: {  	v33 =	vnsel vm2, $0x0, v33;
	v46 =	vtrunc.f32 v34;
	v45 =	vld [tilespmem:s16+$0xFFFFFFC0];
	vm2 =	vgt.s32 v43, $0x0  }
0x9d: {  	v33 =	vmin.u32 v33, $0xE;
	vm4 =	veq.f32 v34, v46;
	v47 =	vld [tilespmem:s16+$0xFFFFFFB0];
	v34 =	vnsel vm2, $0x0, v43  }
0x9e: {  	v35 =	vcvt.f32.s32 v35;
	v33 =	vadd.s32 v28, v33;
	v28 =	vmovc v40;
	v43 =	vld [tilespmem:s16+$0xFFFFFFE0];
	v34 =	vmin.u32 v34, $0xE  }
0x9f: {  	v48 =	vsel vm3, $0xFFFFFFFF, v9;
	v46 =	vcvt.f32.s32 v46;
	v40 =	vld [tilespmem:s16+$0x0];
	v34 =	vadd.s32 v34, v26  }
0xa0: {  	v49 =	vsel vm4, $0xFFFFFFFF, v9;
	v34 =	vadd.s32 $0x3C, v34;
	[tilespmem:v38+s25+$0x0] =	vst.idx.add.f32.msk vm1, v22;
	v22 =	vadd.s32 v35, v48  }
0xa1: {  	v30 =	vmin.u32 v30, $0xE;
	v35 =	vadd.s32 v46, v49;
	vm2 =	vgt.s32 v22, $0x0  }
0xa2: {  	vm3 =	vgt.s32 v35, $0x0;
	v38 =	vmul.f32 v47, v13;
	[tilespmem:v39+s25+$0x0] =	vst.idx.add.f32.msk vm1, v23;
	v22 =	vnsel vm2, $0x0, v22  }
0xa3: {  	v23 =	vnsel vm3, $0x0, v35;
	v39 =	vld [tilespmem:s16+$0xFFFFFFD0];
	v43 =	vmul.f32 v43, v13;
	v35 =	vmin.u32 v22, $0xE  }
0xa4: {  	v46 =	vadd.s32 v25, v30;
	v22 =	vmul.f32 v44, v13;
	v23 =	vmin.u32 v23, $0xE;
	v44 =	vld [tilespmem:s16+$0x40]  }
0xa5: {  	v48 =	vcvt.f32.s32 v37;
	v30 =	vmul.f32 $1.500000000e+01, v38;
	v47 =	vadd.s32 v26, v23;
	[tilespmem:v33+s24+$0x0] =	vst.idx.add.f32.msk vm1, v10  }
0xa6: {  	vm2 =	veq.f32 v29, v37;
	v40 =	vmul.f32 v40, v13;
	v49 =	vmul.f32 $1.500000000e+01, v43;
	[tilespmem:v33+s25+$0x0] =	vst.idx.add.f32.msk vm1, v19  }
0xa7: {  	v23 =	vmul.f32 v41, v13;
	v35 =	vadd.s32 v35, v26;
	v26 =	vmovc v31;
	v33 =	vsel vm2, $0xFFFFFFFF, v9;
	v19 =	vmovc v43;
	v29 =	vld [tilespmem:s16+$0x10]  }
0xa8: {  	v36 =	vadd.s32 $0x3C, v36;
	v37 =	vtrunc.f32 v30;
	v41 =	vtrunc.f32 v49;
	[tilespmem:v34+s24+$0x0] =	vst.idx.add.f32.msk vm1, v10  }
0xa9: {  	v35 =	vadd.s32 $0x78, v35;
	v39 =	vmul.f32 v39, v13;
	v43 =	vmul.f32 v44, v13;
	[tilespmem:v34+s25+$0x0] =	vst.idx.add.f32.msk vm1, v20  }
0xaa: {  	vm2 =	veq.f32 v30, v37;
	v44 =	vcvt.f32.s32 v37;
	v37 =	vmul.f32 v45, v13;
	v20 =	vmovc v40;
	v30 =	vld [tilespmem:s17+$0x2D00]  }
0xab: {  	vm3 =	veq.f32 v49, v41;
	v40 =	vcvt.f32.s32 v41;
	v41 =	vadd.s32 v48, v33;
	[tilespmem:v47+s24+$0x0] =	vst.idx.add.f32.msk vm1, v10  }
0xac: {  	v33 =	vsel vm3, $0xFFFFFFFF, v9;
	v45 =	vmul.f32 $1.500000000e+01, v39;
	vm3 =	vgt.s32 v41, $0x0;
	[tilespmem:v42+s24+$0x0] =	vst.idx.add.f32.msk vm1, v10  }
0xad: {  	v49 =	vmul.f32 $1.500000000e+01, v23;
	v48 =	vsel vm2, $0xFFFFFFFF, v9;
	v34 =	vmul.f32 $1.500000000e+01, v20;
	[tilespmem:v36+s24+$0x0] =	vst.idx.add.f32.msk vm1, v10  }
0xae: {  	v33 =	vadd.s32 v40, v33;
	v50 =	vtrunc.f32 v45;
	[tilespmem:v36+s25+$0x0] =	vst.idx.add.f32.msk vm1, v21;
	v21 =	vnsel vm3, $0x0, v41  }
0xaf: {  	v36 =	vmul.f32 $1.500000000e+01, v22;
	v40 =	vmul.f32 v30, v13;
	[tilespmem:v42+s25+$0x0] =	vst.idx.add.f32.msk vm1, v17;
	v41 =	vmin.u32 v21, $0xE;
	v17 =	vmovc v39  }
0xb0: {  	v30 =	vadd.s32 v44, v48;
	v21 =	vmul.f32 v29, v13;
	v29 =	vadd.s32 v41, v25;
	v25 =	vmovc v32  }
0xb1: {  	vm2 =	vgt.s32 v30, $0x0;
	v39 =	vtrunc.f32 v36;
	v41 =	vmul.f32 $1.500000000e+01, v43;
	[tilespmem:v35+s24+$0x0] =	vst.idx.add.f32.msk vm1, v10  }
0xb2: {  	v42 =	vmul.f32 $1.500000000e+01, v21;
	v44 =	vcvt.f32.s32 v39;
	v48 =	vadd.s32 $0x78, v29;
	[tilespmem:v35+s25+$0x0] =	vst.idx.add.f32.msk vm1, v15;
	v15 =	vmovc v43  }
0xb3: {  	vm3 =	veq.f32 v36, v39;
	v43 =	vtrunc.f32 v49;
	v35 =	vtrunc.f32 v41;
	[tilespmem:v47+s25+$0x0] =	vst.idx.add.f32.msk vm1, v16;
	v16 =	vmovc v37  }
0xb4: {  	v29 =	vmul.f32 $1.500000000e+01, v40;
	v36 =	vcvt.f32.s32 v43;
	v37 =	vsel vm3, $0xFFFFFFFF, v9;
	[tilespmem:v46+s24+$0x0] =	vst.idx.add.f32.msk vm1, v10  }
0xb5: {  	v39 =	vcvt.f32.s32 v50;
	vm3 =	veq.f32 v49, v43;
	v43 =	vtrunc.f32 v42;
	[tilespmem:v46+s25+$0x0] =	vst.idx.add.f32.msk vm1, v14;
	v14 =	vmovc v38  }
0xb6: {  	vm4 =	veq.f32 v45, v50;
	v37 =	vadd.s32 v44, v37;
	v38 =	vcvt.f32.s32 v43  }
0xb7: {  	v44 =	vsel vm3, $0xFFFFFFFF, v9;
	vm3 =	veq.f32 v42, v43;
	vm5 =	vgt.s32 v37, $0x0;
	[tilespmem:v48+s24+$0x0] =	vst.idx.add.f32.msk vm1, v10  }
0xb8: {  	v36 =	vadd.s32 v36, v44;
	v42 =	vsel vm3, $0xFFFFFFFF, v9;
	v37 =	vnsel vm5, $0x0, v37;
	[tilespmem:v48+s25+$0x0] =	vst.idx.add.f32.msk vm1, v18;
	v18 =	vmovc v40  }
0xb9: {  	v38 =	vadd.s32 v38, v42;
	v37 =	vmin.u32 v37, $0xE;
	v40 =	vadd.s32 $0xB4, v31  }
0xba: {  	vm3 =	vgt.s32 v36, $0x0;
	vm5 =	vgt.s32 v38, $0x0;
	v31 =	vadd.s32 v37, v28  }
.Ltmp2:
0xbb: {  	v36 =	vnsel vm3, $0x0, v36;
	v37 =	vnsel vm5, $0x0, v38;
	v38 =	vadd.s32 $0x3C, v31;
	(pc) =	sbr.rel @p1 .LBB2_7-.Ltmp2, $4  }
0xbc: {  	v36 =	vmin.u32 v36, $0xE;
	v31 =	vsel vm4, $0xFFFFFFFF, v9;
	v37 =	vmin.u32 v37, $0xE  }
0xbd: {  	v32 =	vadd.s32 v36, v32;
	v31 =	vadd.s32 v39, v31;
	v36 =	vadd.s32 v37, v27  }
0xbe: {  	vm3 =	veq.f32 v41, v35;
	v39 =	vadd.s32 $0x3C, v32;
	vm4 =	vgt.s32 v31, $0x0  }
0xbf: {  	s16 =	sadd.s32 $0xA0, s16;
	v37 =	vtrunc.f32 v29;
	v32 =	vnsel vm4, $0x0, v31;
	v31 =	vadd.s32 $0x78, v28  }
0xc0: {  	v24 =	vtrunc.f32 v34  }
0xc1: {  	vm13 =	vgt.s32 v33, $0x0;
	v31 =	vcvt.f32.s32 v24;
	vm4 =	veq.f32 v34, v24  }
0xc2: {  	v24 =	vmul.f32 $1.500000000e+01, v16;
	v33 =	vnsel vm13, $0x0, v33;
	v34 =	vsel vm4, $0xFFFFFFFF, v9  }
0xc3: {  	v33 =	vmin.u32 v33, $0xE;
	v31 =	vadd.s32 v31, v34  }
0xc4: {  	v57 =	vtrunc.f32 v24;
	v28 =	vadd.s32 v28, v33;
	vm14 =	vgt.s32 v31, $0x0  }
0xc5: {  	vm5 =	veq.f32 v24, v57;
	v24 =	vcvt.f32.s32 v57;
	v31 =	vnsel vm14, $0x0, v31  }
0xc6: {  	v58 =	vsel vm5, $0xFFFFFFFF, v9;
	v31 =	vmin.u32 v31, $0xE  }
0xc7: {  	[tilespmem:v38+s24+$0x0] =	vst.idx.add.f32.msk vm1, v10;
	v24 =	vadd.s32 v24, v58;
	v31 =	vadd.s32 v31, v26  }
0xc8: {  	v59 =	vcvt.f32.s32 v35;
	[tilespmem:v38+s25+$0x0] =	vst.idx.add.f32.msk vm1, v22;
	vm15 =	vgt.s32 v24, $0x0;
	v31 =	vadd.s32 $0x3C, v31  }
0xc9: {  	v60 =	vsel vm3, $0xFFFFFFFF, v9;
	v24 =	vnsel vm15, $0x0, v24;
	[tilespmem:v28+s24+$0x0] =	vst.idx.add.f32.msk vm1, v10  }
0xca: {  	v61 =	vadd.s32 v59, v60;
	v22 =	vmin.u32 v24, $0xE;
	[tilespmem:v28+s25+$0x0] =	vst.idx.add.f32.msk vm1, v19;
	v19 =	vadd.s32 $0x3C, v36  }
0xcb: {  	[tilespmem:v39+s24+$0x0] =	vst.idx.add.f32.msk vm1, v10;
	vm3 =	vgt.s32 v61, $0x0;
	v24 =	vmin.u32 v32, $0xE;
	v22 =	vadd.s32 v26, v22  }
0xcc: {  	[tilespmem:v39+s25+$0x0] =	vst.idx.add.f32.msk vm1, v23;
	v23 =	vadd.s32 v27, v24;
	v24 =	vnsel vm3, $0x0, v61  }
0xcd: {  	v27 =	vcvt.f32.s32 v37;
	vm3 =	veq.f32 v29, v37;
	v24 =	vmin.u32 v24, $0xE;
	[tilespmem:v31+s24+$0x0] =	vst.idx.add.f32.msk vm1, v10  }
0xce: {  	v28 =	vsel vm3, $0xFFFFFFFF, v9;
	v24 =	vadd.s32 v24, v26;
	[tilespmem:v31+s25+$0x0] =	vst.idx.add.f32.msk vm1, v20  }
0xcf: {  	v26 =	vnsel vm2, $0x0, v30;
	v20 =	vadd.s32 $0x78, v24;
	v24 =	vadd.s32 v27, v28;
	[tilespmem:v19+s24+$0x0] =	vst.idx.add.f32.msk vm1, v10  }
0xd0: {  	v26 =	vmin.u32 v26, $0xE;
	[tilespmem:v22+s24+$0x0] =	vst.idx.add.f32.msk vm1, v10;
	vm2 =	vgt.s32 v24, $0x0  }
0xd1: {  	v26 =	vadd.s32 v25, v26;
	[tilespmem:v23+s24+$0x0] =	vst.idx.add.f32.msk vm1, v10;
	v24 =	vnsel vm2, $0x0, v24  }
0xd2: {  	[tilespmem:v19+s25+$0x0] =	vst.idx.add.f32.msk vm1, v21;
	v19 =	vmin.u32 v24, $0xE  }
0xd3: {  	[tilespmem:v23+s25+$0x0] =	vst.idx.add.f32.msk vm1, v17;
	v17 =	vadd.s32 v19, v25  }
0xd4: {  	[tilespmem:v22+s25+$0x0] =	vst.idx.add.f32.msk vm1, v16;
	v17 =	vadd.s32 $0x78, v17  }
0xd5: {  	[tilespmem:v20+s24+$0x0] =	vst.idx.add.f32.msk vm1, v10  }
0xd6: {  	[tilespmem:v26+s24+$0x0] =	vst.idx.add.f32.msk vm1, v10  }
0xd7: {  	[tilespmem:v20+s25+$0x0] =	vst.idx.add.f32.msk vm1, v15  }
0xd8: {  	[tilespmem:v26+s25+$0x0] =	vst.idx.add.f32.msk vm1, v14  }
0xd9: {  	s13 =	sshll.u32 s8, $0x6;
	[tilespmem:v17+s24+$0x0] =	vst.idx.add.f32.msk vm1, v10  }
0xda: {  	s13 =	sand.u32 $0x3FFFFFC0, s13;
	[tilespmem:v17+s25+$0x0] =	vst.idx.add.f32.msk vm1, v18  }
0xdb: {  	v14 =	vld [tilespmem:s13+$0x0];
	_ =	sdelay $0x4  }
0xdc: {  	vm2 =	vgt.s32 v14, $0x0  }
0xdd: {  	v14 =	vnsel vm2, $0x0, v14  }
0xde: {  	v14 =	vmin.u32 v14, $0x63  }
0xdf: {  	v15 =	vshll.u32 v14, $0x4  }
0xe0: {  	v15 =	vor.u32 v0, v15;
	_ =	sdelay $0x4  }
0xe1: {  	v15 =	vld.idx.msk [tilespmem:v15+s26+$0x0], $0xffff;
	_ =	sdelay $0x4  }
0xe2: {  	v13 =	vmul.f32 v15, v13;
	_ =	sdelay $0x1  }
0xe3: {  	v13 =	vmul.f32 $1.500000000e+01, v13;
	_ =	sdelay $0x1  }
0xe4: {  	v15 =	vtrunc.f32 v13  }
0xe5: {  	v16 =	vcvt.f32.s32 v15;
	vm2 =	veq.f32 v13, v15  }
0xe6: {  	v13 =	vsel vm2, $0xFFFFFFFF, v9  }
0xe7: {  	v13 =	vadd.s32 v16, v13  }
0xe8: {  	vm2 =	vgt.s32 v13, $0x0  }
0xe9: {  	v15 =	vmul.u32 $0xF, v14;
	v13 =	vnsel vm2, $0x0, v13  }
0xea: {  	v13 =	vmin.u32 v13, $0xE  }
0xeb: {  	v13 =	vadd.s32 v13, v15  }
0xec: {  	p1 =	seq.s32 s8, $0x30;
	v13 =	vadd.s32 v2, v13  }
0xed: {  	s13 =	sadd.s32 @!p1 s9, s10  }
0xee: {  	s13 =	sshll.u32 @!p1 s13, $0x4  }
0xef: {  	s13 =	smin.u32 @!p1 s13, $0x18690  }
0xf0: {  	s13 =	sshll.u32 @!p1 s13, $0x4;
	v15 =	vimm.s32 $0x0  }
0xf1: {  	s14 =	simm.s32 @!p1 $0x0;
	s16 =	simm.s32 @!p1 $0xC80;
	s13 =	sadd.s32 @!p1 s3, s13;
	v16 =	vimm.s32 $0x1;
	[tilespmem:v13+s28+$0x0] =	vst.idx.add.f32.msk vm1, v10;
	v13 =	vadd.s32 v1, v15  }
0xf2: {  	v17 =	vadd.s32 v1, v16;
	[tilespmem:s16], [sflag:$0x1] =	stream.linear.gather @!p1 [hbm4b:s13+s14], $0x800, $0x38;
	[tilespmem:$0x15700] =	vst v63  }
0xf3: {  	v18 =	vimm.s32 $0x2;
	_ =	swait.ge [sflag:s29], $0x800  }
0xf4: {  	v19 =	vadd.s32 v1, v18;
	[sflag:s29] =	ssyncset.done $0x0  }
0xf5: {  	v20 =	vadd.s32 v4, v15;
	[sflag:s29] =	ssyncadd.s32 $0xFFFFF800  }
0xf6: {  	v21 =	vimm.s32 $0x3;
	v22 =	vadd.s32 v4, v16;
	v13 =	vld.idx.msk [tilespmem:v13+s20+$0x0], $0xffff  }
0xf7: {  	v23 =	vadd.s32 v1, v21;
	v17 =	vld.idx.msk [tilespmem:v17+s20+$0x0], $0xffff  }
0xf8: {  	v25 =	vadd.s32 v4, v21  }
0xf9: {  	v19 =	vld.idx.msk [tilespmem:v19+s20+$0x0], $0xffff  }
0xfa: {  	v31 =	vadd.s32 $0x8, v21;
	v24 =	vadd.s32 v4, v18;
	v20 =	vld.idx.msk [tilespmem:v20+s20+$0x0], $0xffff  }
0xfb: {  	v29 =	vadd.s32 v4, v31;
	v26 =	vadd.s32 v5, v15;
	v22 =	vld.idx.msk [tilespmem:v22+s20+$0x0], $0xffff;
	v13 =	vmul.f32 $1.442695020e+00, v13  }
0xfc: {  	v28 =	vadd.s32 $0x8, v18;
	v27 =	vadd.s32 v5, v16;
	v23 =	vld.idx.msk [tilespmem:v23+s20+$0x0], $0xffff;
	v17 =	vmul.f32 $1.442695020e+00, v17  }
0xfd: {  	v18 =	vadd.s32 v1, v28;
	vm1 =	vgt.s32 v12, v14;
	v21 =	vld.idx.msk [tilespmem:v25+s20+$0x0], $0xffff;
	(erf) = vpow2.f32 v13  }
0xfe: {  	v63 =	vadd.s32 v4, v28;
	v14 =	vsel vm1, v12, v14;
	(erf) = vpow2.f32 v17  }
0xff: {  	v12 =	vpsel p2, v14, v12;
	v14 =	vadd.s32 $0xC, v15;
	v15 =	vadd.s32 $0xC, v16;
	v17 =	vld.idx.msk [tilespmem:v24+s20+$0x0], $0xffff  }
0x100: {  	v25 =	vld.idx.msk [tilespmem:v26+s20+$0x0], $0xffff;
	v16 =	vmul.f32 $1.442695020e+00, v20;
	v20 =	vmul.f32 $1.442695020e+00, v22;
	v22 =	vadd.s32 v1, v31  }
0x101: {  	v30 =	vadd.s32 v1, v15;
	v27 =	vld.idx.msk [tilespmem:v27+s20+$0x0], $0xffff;
	v19 =	vmul.f32 $1.442695020e+00, v19;
	v23 =	vmul.f32 $1.442695020e+00, v23  }
0x102: {  	v26 =	vadd.s32 v1, v14;
	v62 =	vld.idx.msk [tilespmem:v18+s20+$0x0], $0xffff;
	v18 =	vmul.f32 $1.442695020e+00, v21;
	(erf) = vpow2.f32 v16  }
0x103: {  	v21 =	vld.idx.msk [tilespmem:v29+s20+$0x0], $0xffff;
	v29 =	vadd.s32 v4, v15;
	v13 =	vimm.f32 $0.0e+00;
	(erf) = vpow2.f32 v19  }
0x104: {  	v16 =	vadd.s32 $0xC, v28;
	(erf) = vpow2.f32 v23;
	v17 =	vmul.f32 $1.442695020e+00, v17  }
0x105: {  	v28 =	vadd.s32 v5, v28;
	v24 =	vld.idx.msk [tilespmem:v22+s20+$0x0], $0xffff;
	v23 =	vmul.f32 $1.442695020e+00, v25;
	(erf) = vpow2.f32 v20  }
0x106: {  	v20 =	vadd.s32 $0xC, v31;
	v25 =	vpop (erf);
	(erf) = vpow2.f32 v17;
	v17 =	vmul.f32 $1.442695020e+00, v27  }
0x107: {  	s14 =	simm.s32 $0x2CD0;
	v22 =	vld.idx.msk [tilespmem:v26+s20+$0x0], $0xffff;
	v27 =	vadd.s32 v4, v14;
	v19 =	vadd.f32 v25, v13;
	v26 =	vpop (erf);
	(erf) = vpow2.f32 v18  }
0x108: {  	s18 =	simm.s32 $0xA;
	s13 =	simm.s32 $0x0;
	[tilespmem:s14+$0xFFFFFFB0] =	vst v25;
	v25 =	vadd.s32 v5, v31;
	v18 =	vadd.f32 v26, v13;
	(erf) = vpow2.f32 v23;
	v23 =	vld.idx.msk [tilespmem:v30+s20+$0x0], $0xffff  }
0x109: {  	s16 =	simm.s32 $0x2CD0;
	s17 =	sand.u32 $0x7E0, s13;
	v30 =	vmul.f32 $1.442695020e+00, v62;
	[tilespmem:s14+$0xFFFFFFC0] =	vst v26;
	v26 =	vld.idx.msk [tilespmem:v63+s20+$0x0], $0xffff;
	(erf) = vpow2.f32 v17;
	v17 =	vimm.f32 $0.0e+00  }
.LBB2_9:
0x10a: {  	v35 =	vmul.f32 $1.442695020e+00, v24;
	v31 =	vadd.s32 $0x8, v14  }
0x10b: {  	s18 =	sadd.s32 $0xA, s18;
	v32 =	vadd.s32 $0x8, v15;
	s13 =	sadd.s32 $0xA0, s13;
	s14 =	sadd.s32 $0xA0, s14;
	v33 =	vpop (erf);
	v14 =	vmov v16;
	v15 =	vmov v20  }
0x10c: {  	v22 =	vmul.f32 $1.442695020e+00, v22;
	p2 =	slt.u32 s18, $0x5A;
	(erf) = vpow2.f32 v30;
	[tilespmem:s16+$0xFFFFFFF0] =	vst v33;
	v19 =	vadd.f32 v33, v19;
	v16 =	vpop (erf)  }
0x10d: {  	v21 =	vmul.f32 $1.442695020e+00, v21;
	v27 =	vld.idx.msk [tilespmem:v27+s20+$0x0], $0xffff;
	(erf) = vpow2.f32 v35;
	[tilespmem:s16+$0xFFFFFFD0] =	vst v16;
	v13 =	vadd.f32 v16, v13;
	v24 =	vpop (erf)  }
0x10e: {  	v30 =	vadd.s32 v1, v31;
	v33 =	vadd.s32 v1, v32;
	v16 =	vadd.s32 $0xC, v31;
	v29 =	vld.idx.msk [tilespmem:v29+s20+$0x0], $0xffff;
	[tilespmem:s16+$0xFFFFFFE0] =	vst v24;
	v34 =	vpop (erf)  }
0x10f: {  	v23 =	vmul.f32 $1.442695020e+00, v23;
	v26 =	vmul.f32 $1.442695020e+00, v26;
	v28 =	vld.idx.msk [tilespmem:v28+s20+$0x0], $0xffff;
	[tilespmem:s16+$0x0] =	vst v34;
	v18 =	vadd.f32 v34, v18;
	v34 =	vpop (erf)  }
0x110: {  	v36 =	vadd.s32 v1, v20;
	v35 =	vadd.s32 v1, v14;
	v24 =	vadd.f32 v24, v17;
	v25 =	vld.idx.msk [tilespmem:v25+s20+$0x0], $0xffff;
	v20 =	vpop (erf)  }
0x111: {  	v37 =	vadd.s32 v4, v32;
	(erf) = vpow2.f32 v26;
	v26 =	vadd.f32 v34, v13;
	[tilespmem:s16+$0x20] =	vst v20;
	v13 =	vpop (erf)  }
0x112: {  	v38 =	vadd.f32 v20, v24;
	(erf) = vpow2.f32 v22;
	[tilespmem:s17+$0x2D00] =	vst v13;
	v13 =	vadd.f32 v13, v19;
	v17 =	vpop (erf)  }
0x113: {  	v39 =	vadd.s32 v4, v31;
	v19 =	vmul.f32 $1.442695020e+00, v27;
	v30 =	vld.idx.msk [tilespmem:v30+s20+$0x0], $0xffff;
	(erf) = vpow2.f32 v23;
	[tilespmem:s16+$0x40] =	vst v17  }
0x114: {  	v23 =	vmul.f32 $1.442695020e+00, v29;
	v17 =	vadd.f32 v17, v18;
	v24 =	vld.idx.msk [tilespmem:v33+s20+$0x0], $0xffff;
	(erf) = vpow2.f32 v21;
	[tilespmem:s16+$0x10] =	vst v34;
	s16 =	smov.u32 s14  }
.Ltmp3:
0x115: {  	v20 =	vadd.s32 $0xC, v32;
	v28 =	vmul.f32 $1.442695020e+00, v28;
	v22 =	vld.idx.msk [tilespmem:v35+s20+$0x0], $0xffff;
	v18 =	vpop (erf);
	(erf) = vpow2.f32 v19;
	(pc) =	sbr.rel @p2 .LBB2_9-.Ltmp3, $4  }
0x116: {  	v25 =	vmul.f32 $1.442695020e+00, v25;
	v21 =	vld.idx.msk [tilespmem:v37+s20+$0x0], $0xffff;
	[tilespmem:s14+$0xFFFFFFB0] =	vst v18;
	v19 =	vadd.f32 v18, v26;
	v18 =	vpop (erf);
	(erf) = vpow2.f32 v23  }
0x117: {  	v27 =	vadd.s32 v4, v14;
	v23 =	vld.idx.msk [tilespmem:v36+s20+$0x0], $0xffff;
	[tilespmem:s14+$0xFFFFFFC0] =	vst v18;
	v18 =	vadd.f32 v18, v38;
	(erf) = vpow2.f32 v28  }
0x118: {  	v29 =	vadd.s32 v4, v15;
	v26 =	vld.idx.msk [tilespmem:v39+s20+$0x0], $0xffff;
	(erf) = vpow2.f32 v25  }
0x119: {  	s17 =	sand.u32 $0x7E0, s13;
	v28 =	vadd.s32 v5, v31;
	v30 =	vmul.f32 $1.442695020e+00, v30;
	v25 =	vadd.s32 v5, v32  }
0x11a: {  	_ =	sdelay $0x3  }
0x11b: {  	v14 =	vmul.f32 $1.442695020e+00, v24;
	v15 =	vld.idx.msk [tilespmem:v27+s20+$0x0], $0xffff  }
0x11c: {  	v16 =	vld.idx.msk [tilespmem:v29+s20+$0x0], $0xffff;
	v22 =	vmul.f32 $1.442695020e+00, v22;
	(erf) = vpow2.f32 v30  }
0x11d: {  	v24 =	vpop (erf);
	(erf) = vpow2.f32 v14;
	v14 =	vld.idx.msk [tilespmem:v28+s20+$0x0], $0xffff;
	v20 =	vmul.f32 $1.442695020e+00, v26  }
0x11e: {  	v25 =	vld.idx.msk [tilespmem:v25+s20+$0x0], $0xffff;
	v23 =	vmul.f32 $1.442695020e+00, v23  }
0x11f: {  	v26 =	vpop (erf);
	(erf) = vpow2.f32 v20;
	v20 =	vmul.f32 $1.442695020e+00, v21  }
0x120: {  	v21 =	vpop (erf);
	v15 =	vmul.f32 $1.442695020e+00, v15;
	(erf) = vpow2.f32 v22  }
0x121: {  	v16 =	vmul.f32 $1.442695020e+00, v16;
	v22 =	vpop (erf);
	(erf) = vpow2.f32 v23  }
0x122: {  	v23 =	vpop (erf);
	v14 =	vmul.f32 $1.442695020e+00, v14;
	(erf) = vpow2.f32 v20  }
0x123: {  	v25 =	vmul.f32 $1.442695020e+00, v25;
	v20 =	vpop (erf);
	(erf) = vpow2.f32 v15  }
0x124: {  	v15 =	vpop (erf);
	(erf) = vpow2.f32 v16  }
0x125: {  	v16 =	vpop (erf);
	(erf) = vpow2.f32 v14  }
0x126: {  	[tilespmem:s16+$0xFFFFFFF0] =	vst v24;
	v17 =	vadd.f32 v21, v17;
	v14 =	vpop (erf);
	(erf) = vpow2.f32 v25  }
0x127: {  	v19 =	vadd.f32 v24, v19;
	[tilespmem:s16+$0xFFFFFFD0] =	vst v26;
	v25 =	vpop (erf)  }
0x128: {  	v13 =	vadd.f32 v26, v13;
	[tilespmem:s16+$0xFFFFFFE0] =	vst v21;
	v17 =	vadd.f32 v20, v17;
	v27 =	vpop (erf)  }
0x129: {  	v18 =	vadd.f32 v22, v18;
	[tilespmem:s16+$0x0] =	vst v22;
	v19 =	vadd.f32 v15, v19;
	v24 =	vpop (erf)  }
0x12a: {  	v13 =	vadd.f32 v23, v13;
	[tilespmem:s16+$0x10] =	vst v23;
	v17 =	vadd.f32 v25, v17;
	v21 =	vpop (erf)  }
0x12b: {  	[tilespmem:s16+$0x20] =	vst v20;
	v18 =	vadd.f32 v16, v18;
	v22 =	vpop (erf)  }
0x12c: {  	[tilespmem:s17+$0x2D00] =	vst v15;
	v13 =	vadd.f32 v14, v13;
	v20 =	vpop (erf)  }
0x12d: {  	s14 =	sadd.s32 $0xA0, s14;
	[tilespmem:s16+$0x40] =	vst v16;
	v15 =	vadd.f32 v24, v19;
	v18 =	vadd.f32 v21, v18;
	v19 =	vpop (erf)  }
0x12e: {  	[tilespmem:s14+$0xFFFFFFB0] =	vst v14;
	v13 =	vadd.f32 v27, v13;
	v16 =	vadd.f32 v22, v17;
	v17 =	vpop (erf)  }
0x12f: {  	[tilespmem:s14+$0xFFFFFFC0] =	vst v25;
	v15 =	vadd.f32 v20, v15;
	v18 =	vadd.f32 v19, v18;
	v23 =	vpop (erf)  }
0x130: {  	[tilespmem:s14+$0xFFFFFFF0] =	vst v27;
	v13 =	vadd.f32 v17, v13;
	v14 =	vadd.f32 v23, v16  }
0x131: {  	[tilespmem:s14+$0xFFFFFFD0] =	vst v24  }
0x132: {  	[tilespmem:s14+$0xFFFFFFE0] =	vst v21;
	v15 =	vadd.f32 v18, v15;
	v13 =	vadd.f32 v14, v13  }
0x133: {  	[tilespmem:s14+$0x0] =	vst v22  }
0x134: {  	s13 =	sadd.s32 $0xA0, s13;
	[tilespmem:s14+$0x10] =	vst v20;
	v13 =	vadd.f32 v13, v15  }
0x135: {  	s13 =	sand.u32 $0x7E0, s13;
	[tilespmem:s14+$0x20] =	vst v19  }
0x136: {  	[tilespmem:s13+$0x2D00] =	vst v17;
	(erf) = vrcp.f32 v13  }
0x137: {  	s17 =	simm.s32 $0x2CD0;
	[tilespmem:s14+$0x40] =	vst v23  }
0x138: {  	v16 =	vld [tilespmem:s17+$0x20]  }
0x139: {  	v17 =	vld [tilespmem:s17+$0xFFFFFFF0]  }
0x13a: {  	v14 =	vld [tilespmem:s17+$0xFFFFFFB0]  }
0x13b: {  	v15 =	vld [tilespmem:s17+$0xFFFFFFE0]  }
0x13c: {  	v18 =	vld [tilespmem:s17+$0x0]  }
0x13d: {  	v21 =	vld [tilespmem:s17+$0xFFFFFFD0];
	_ =	sdelay $0x1  }
0x13e: {  	v13 =	vpop (erf)  }
0x13f: {  	v14 =	vmul.f32 v14, v13;
	v19 =	vmul.f32 v15, v13  }
0x140: {  	v15 =	vld [tilespmem:s17+$0x40];
	v22 =	vmul.f32 v16, v13;
	v20 =	vmul.f32 v18, v13  }
0x141: {  	v25 =	vld [tilespmem:s17+$0xFFFFFFC0];
	v23 =	vmul.f32 v17, v13;
	v17 =	vmul.f32 v21, v13  }
0x142: {  	vm1 =	vmmov vm0;
	s14 =	simm.s32 $0x0;
	v16 =	vmul.f32 $1.500000000e+01, v14;
	v26 =	vmul.f32 $1.500000000e+01, v19  }
0x143: {  	v40 =	vadd.s32 $0xB4, v6;
	s13 =	sor.u32 $0x1, s9;
	s18 =	sand.u32 $0x7E0, s14;
	v27 =	vld [tilespmem:s17+$0x10];
	v34 =	vmul.f32 $1.500000000e+01, v20;
	v32 =	vmul.f32 $1.500000000e+01, v22  }
0x144: {  	v24 =	vadd.s32 $0xB4, v2;
	p2 =	slt.u32 s13, s4;
	v21 =	vld [tilespmem:s18+$0x2D00];
	v18 =	vtrunc.f32 v16;
	v28 =	vtrunc.f32 v26  }
0x145: {  	vm1 =	vmneg @p2 vm1;
	v15 =	vmul.f32 v15, v13;
	v29 =	vcvt.f32.s32 v18  }
0x146: {  	vm2 =	veq.f32 v16, v18;
	v16 =	vmul.f32 v25, v13;
	v25 =	vmul.f32 $1.500000000e+01, v17  }
0x147: {  	v18 =	vcvt.f32.s32 v28;
	vm3 =	veq.f32 v26, v28;
	v28 =	vmul.f32 $1.500000000e+01, v23  }
0x148: {  	v26 =	vsel vm3, $0xFFFFFFFF, v9;
	v30 =	vsel vm2, $0xFFFFFFFF, v9;
	v31 =	vtrunc.f32 v25  }
0x149: {  	v33 =	vadd.s32 v18, v26;
	v18 =	vmul.f32 v21, v13;
	v21 =	vmul.f32 v27, v13  }
0x14a: {  	v30 =	vadd.s32 v29, v30;
	v26 =	vtrunc.f32 v32;
	v27 =	vmul.f32 $1.500000000e+01, v15  }
0x14b: {  	v38 =	vtrunc.f32 v28;
	v37 =	vcvt.f32.s32 v26;
	vm3 =	veq.f32 v32, v26  }
0x14c: {  	v26 =	vcvt.f32.s32 v38;
	v39 =	vcvt.f32.s32 v31;
	vm4 =	veq.f32 v25, v31  }
0x14d: {  	v36 =	vmul.f32 $1.500000000e+01, v21;
	v35 =	vtrunc.f32 v27;
	v32 =	vsel vm3, $0xFFFFFFFF, v9  }
0x14e: {  	v29 =	vmul.f32 $1.500000000e+01, v18;
	vm3 =	veq.f32 v28, v38;
	v31 =	vadd.s32 v37, v32  }
0x14f: {  	v63 =	vsel vm3, $0xFFFFFFFF, v9;
	v28 =	vtrunc.f32 v36;
	vm5 =	vgt.s32 v31, $0x0  }
0x150: {  	v26 =	vadd.s32 v26, v63;
	v25 =	vcvt.f32.s32 v28;
	vm3 =	veq.f32 v36, v28  }
0x151: {  	v31 =	vnsel vm5, $0x0, v31;
	v28 =	vsel vm3, $0xFFFFFFFF, v9;
	vm3 =	vgt.s32 v26, $0x0  }
0x152: {  	v25 =	vadd.s32 v25, v28;
	v28 =	vmin.u32 v31, $0xE;
	v26 =	vnsel vm3, $0x0, v26  }
0x153: {  	vm5 =	vgt.s32 v25, $0x0;
	v28 =	vadd.s32 v28, v8;
	v26 =	vmin.u32 v26, $0xE  }
0x154: {  	v25 =	vnsel vm5, $0x0, v25;
	v38 =	vadd.s32 $0x3C, v28;
	v28 =	vsel vm4, $0xFFFFFFFF, v9  }
0x155: {  	v26 =	vadd.s32 v26, v2;
	v25 =	vmin.u32 v25, $0xE;
	v28 =	vadd.s32 v39, v28  }
0x156: {  	vm2 =	vgt.s32 v30, $0x0;
	v37 =	vtrunc.f32 v29;
	vm3 =	veq.f32 v27, v35  }
0x157: {  	v31 =	vadd.s32 $0x78, v8;
	v27 =	vmovc v7;
	v39 =	vadd.s32 $0x3C, v26;
	vm4 =	vgt.s32 v28, $0x0  }
0x158: {  	s16 =	simm.s32 $0x0;
	s17 =	simm.s32 $0x2D70;
	v36 =	vadd.s32 v25, v7;
	v32 =	vnsel vm4, $0x0, v28;
	v26 =	vmovc v6;
	v28 =	vmovc v8;
	v25 =	vmov v2  }
.LBB2_11:
0x159: {  	v41 =	vld [tilespmem:s17+$0xFFFFFFF0];
	s16 =	sadd.s32 $0xA, s16;
	v42 =	vmin.u32 v32, $0xE;
	v43 =	vtrunc.f32 v34;
	v32 =	vadd.s32 $0x78, v27;
	s14 =	sadd.s32 $0xA0, s14  }
0x15a: {  	v44 =	vld [tilespmem:s17+$0x20];
	s18 =	sand.u32 $0x7E0, s14;
	p3 =	slt.u32 s16, $0x5A;
	v42 =	vadd.s32 v27, v42;
	v45 =	vcvt.f32.s32 v43;
	vm4 =	veq.f32 v34, v43;
	v27 =	vmovc v24  }
0x15b: {  	v24 =	vadd.s32 $0xB4, v32;
	v34 =	vmul.f32 $1.500000000e+01, v16;
	v43 =	vsel vm4, $0xFFFFFFFF, v9;
	[tilespmem:v38+s24+$0x0] =	vst.idx.add.f32.msk vm1, v10  }
0x15c: {  	v30 =	vnsel vm2, $0x0, v30;
	vm2 =	vgt.s32 v33, $0x0;
	[tilespmem:v39+s24+$0x0] =	vst.idx.add.f32.msk vm1, v10;
	v43 =	vadd.s32 v45, v43  }
0x15d: {  	v33 =	vnsel vm2, $0x0, v33;
	v46 =	vtrunc.f32 v34;
	v45 =	vld [tilespmem:s17+$0xFFFFFFC0];
	vm2 =	vgt.s32 v43, $0x0  }
0x15e: {  	v33 =	vmin.u32 v33, $0xE;
	vm4 =	veq.f32 v34, v46;
	v47 =	vld [tilespmem:s17+$0xFFFFFFB0];
	v34 =	vnsel vm2, $0x0, v43  }
0x15f: {  	v35 =	vcvt.f32.s32 v35;
	v33 =	vadd.s32 v28, v33;
	v28 =	vmovc v40;
	v43 =	vld [tilespmem:s17+$0xFFFFFFE0];
	v34 =	vmin.u32 v34, $0xE  }
0x160: {  	v48 =	vsel vm3, $0xFFFFFFFF, v9;
	v46 =	vcvt.f32.s32 v46;
	v40 =	vld [tilespmem:s17+$0x0];
	v34 =	vadd.s32 v34, v26  }
0x161: {  	v49 =	vsel vm4, $0xFFFFFFFF, v9;
	v34 =	vadd.s32 $0x3C, v34;
	[tilespmem:v38+s25+$0x0] =	vst.idx.add.f32.msk vm1, v22;
	v22 =	vadd.s32 v35, v48  }
0x162: {  	v30 =	vmin.u32 v30, $0xE;
	v35 =	vadd.s32 v46, v49;
	vm2 =	vgt.s32 v22, $0x0  }
0x163: {  	vm3 =	vgt.s32 v35, $0x0;
	v38 =	vmul.f32 v47, v13;
	[tilespmem:v39+s25+$0x0] =	vst.idx.add.f32.msk vm1, v23;
	v22 =	vnsel vm2, $0x0, v22  }
0x164: {  	v23 =	vnsel vm3, $0x0, v35;
	v39 =	vld [tilespmem:s17+$0xFFFFFFD0];
	v43 =	vmul.f32 v43, v13;
	v35 =	vmin.u32 v22, $0xE  }
0x165: {  	v46 =	vadd.s32 v25, v30;
	v22 =	vmul.f32 v44, v13;
	v23 =	vmin.u32 v23, $0xE;
	v44 =	vld [tilespmem:s17+$0x40]  }
0x166: {  	v48 =	vcvt.f32.s32 v37;
	v30 =	vmul.f32 $1.500000000e+01, v38;
	v47 =	vadd.s32 v26, v23;
	[tilespmem:v33+s24+$0x0] =	vst.idx.add.f32.msk vm1, v10  }
0x167: {  	vm2 =	veq.f32 v29, v37;
	v40 =	vmul.f32 v40, v13;
	v49 =	vmul.f32 $1.500000000e+01, v43;
	[tilespmem:v33+s25+$0x0] =	vst.idx.add.f32.msk vm1, v19  }
0x168: {  	v23 =	vmul.f32 v41, v13;
	v35 =	vadd.s32 v35, v26;
	v26 =	vmovc v31;
	v33 =	vsel vm2, $0xFFFFFFFF, v9;
	v19 =	vmovc v43;
	v29 =	vld [tilespmem:s17+$0x10]  }
0x169: {  	v36 =	vadd.s32 $0x3C, v36;
	v37 =	vtrunc.f32 v30;
	v41 =	vtrunc.f32 v49;
	[tilespmem:v34+s24+$0x0] =	vst.idx.add.f32.msk vm1, v10  }
0x16a: {  	v35 =	vadd.s32 $0x78, v35;
	v39 =	vmul.f32 v39, v13;
	v43 =	vmul.f32 v44, v13;
	[tilespmem:v34+s25+$0x0] =	vst.idx.add.f32.msk vm1, v20  }
0x16b: {  	vm2 =	veq.f32 v30, v37;
	v44 =	vcvt.f32.s32 v37;
	v37 =	vmul.f32 v45, v13;
	v20 =	vmovc v40;
	v30 =	vld [tilespmem:s18+$0x2D00]  }
0x16c: {  	vm3 =	veq.f32 v49, v41;
	v40 =	vcvt.f32.s32 v41;
	v41 =	vadd.s32 v48, v33;
	[tilespmem:v47+s24+$0x0] =	vst.idx.add.f32.msk vm1, v10  }
0x16d: {  	v33 =	vsel vm3, $0xFFFFFFFF, v9;
	v45 =	vmul.f32 $1.500000000e+01, v39;
	vm3 =	vgt.s32 v41, $0x0;
	[tilespmem:v42+s24+$0x0] =	vst.idx.add.f32.msk vm1, v10  }
0x16e: {  	v49 =	vmul.f32 $1.500000000e+01, v23;
	v48 =	vsel vm2, $0xFFFFFFFF, v9;
	v34 =	vmul.f32 $1.500000000e+01, v20;
	[tilespmem:v36+s24+$0x0] =	vst.idx.add.f32.msk vm1, v10  }
0x16f: {  	v33 =	vadd.s32 v40, v33;
	v50 =	vtrunc.f32 v45;
	[tilespmem:v36+s25+$0x0] =	vst.idx.add.f32.msk vm1, v21;
	v21 =	vnsel vm3, $0x0, v41  }
0x170: {  	v36 =	vmul.f32 $1.500000000e+01, v22;
	v40 =	vmul.f32 v30, v13;
	[tilespmem:v42+s25+$0x0] =	vst.idx.add.f32.msk vm1, v17;
	v41 =	vmin.u32 v21, $0xE;
	v17 =	vmovc v39  }
0x171: {  	v30 =	vadd.s32 v44, v48;
	v21 =	vmul.f32 v29, v13;
	v29 =	vadd.s32 v41, v25;
	v25 =	vmovc v32  }
0x172: {  	vm2 =	vgt.s32 v30, $0x0;
	v39 =	vtrunc.f32 v36;
	v41 =	vmul.f32 $1.500000000e+01, v43;
	[tilespmem:v35+s24+$0x0] =	vst.idx.add.f32.msk vm1, v10  }
0x173: {  	v42 =	vmul.f32 $1.500000000e+01, v21;
	v44 =	vcvt.f32.s32 v39;
	v48 =	vadd.s32 $0x78, v29;
	[tilespmem:v35+s25+$0x0] =	vst.idx.add.f32.msk vm1, v15;
	v15 =	vmovc v43  }
0x174: {  	vm3 =	veq.f32 v36, v39;
	v43 =	vtrunc.f32 v49;
	v35 =	vtrunc.f32 v41;
	[tilespmem:v47+s25+$0x0] =	vst.idx.add.f32.msk vm1, v16;
	v16 =	vmovc v37  }
0x175: {  	v29 =	vmul.f32 $1.500000000e+01, v40;
	v36 =	vcvt.f32.s32 v43;
	v37 =	vsel vm3, $0xFFFFFFFF, v9;
	[tilespmem:v46+s24+$0x0] =	vst.idx.add.f32.msk vm1, v10  }
0x176: {  	v39 =	vcvt.f32.s32 v50;
	vm3 =	veq.f32 v49, v43;
	v43 =	vtrunc.f32 v42;
	[tilespmem:v46+s25+$0x0] =	vst.idx.add.f32.msk vm1, v14;
	v14 =	vmovc v38  }
0x177: {  	vm4 =	veq.f32 v45, v50;
	v37 =	vadd.s32 v44, v37;
	v38 =	vcvt.f32.s32 v43  }
0x178: {  	v44 =	vsel vm3, $0xFFFFFFFF, v9;
	vm3 =	veq.f32 v42, v43;
	vm5 =	vgt.s32 v37, $0x0;
	[tilespmem:v48+s24+$0x0] =	vst.idx.add.f32.msk vm1, v10  }
0x179: {  	v36 =	vadd.s32 v36, v44;
	v42 =	vsel vm3, $0xFFFFFFFF, v9;
	v37 =	vnsel vm5, $0x0, v37;
	[tilespmem:v48+s25+$0x0] =	vst.idx.add.f32.msk vm1, v18;
	v18 =	vmovc v40  }
0x17a: {  	v38 =	vadd.s32 v38, v42;
	v37 =	vmin.u32 v37, $0xE;
	v40 =	vadd.s32 $0xB4, v31  }
0x17b: {  	vm3 =	vgt.s32 v36, $0x0;
	vm5 =	vgt.s32 v38, $0x0;
	v31 =	vadd.s32 v37, v28  }
.Ltmp4:
0x17c: {  	v36 =	vnsel vm3, $0x0, v36;
	v37 =	vnsel vm5, $0x0, v38;
	v38 =	vadd.s32 $0x3C, v31;
	(pc) =	sbr.rel @p3 .LBB2_11-.Ltmp4, $4  }
0x17d: {  	v36 =	vmin.u32 v36, $0xE;
	v31 =	vsel vm4, $0xFFFFFFFF, v9;
	v37 =	vmin.u32 v37, $0xE  }
0x17e: {  	v32 =	vadd.s32 v36, v32;
	v31 =	vadd.s32 v39, v31;
	v36 =	vadd.s32 v37, v27  }
0x17f: {  	vm3 =	veq.f32 v41, v35;
	v39 =	vadd.s32 $0x3C, v32;
	vm4 =	vgt.s32 v31, $0x0  }
0x180: {  	s17 =	sadd.s32 $0xA0, s17;
	v37 =	vtrunc.f32 v29;
	v32 =	vnsel vm4, $0x0, v31;
	v31 =	vadd.s32 $0x78, v28  }
0x181: {  	v24 =	vtrunc.f32 v34  }
0x182: {  	vm13 =	vgt.s32 v33, $0x0;
	v31 =	vcvt.f32.s32 v24;
	vm4 =	veq.f32 v34, v24  }
0x183: {  	v24 =	vmul.f32 $1.500000000e+01, v16;
	v33 =	vnsel vm13, $0x0, v33;
	v34 =	vsel vm4, $0xFFFFFFFF, v9  }
0x184: {  	v33 =	vmin.u32 v33, $0xE;
	v31 =	vadd.s32 v31, v34  }
0x185: {  	v57 =	vtrunc.f32 v24;
	v28 =	vadd.s32 v28, v33;
	vm14 =	vgt.s32 v31, $0x0  }
0x186: {  	vm5 =	veq.f32 v24, v57;
	v24 =	vcvt.f32.s32 v57;
	v31 =	vnsel vm14, $0x0, v31  }
0x187: {  	v58 =	vsel vm5, $0xFFFFFFFF, v9;
	v31 =	vmin.u32 v31, $0xE  }
0x188: {  	[tilespmem:v38+s24+$0x0] =	vst.idx.add.f32.msk vm1, v10;
	v24 =	vadd.s32 v24, v58;
	v31 =	vadd.s32 v31, v26  }
0x189: {  	v59 =	vcvt.f32.s32 v35;
	[tilespmem:v38+s25+$0x0] =	vst.idx.add.f32.msk vm1, v22;
	vm15 =	vgt.s32 v24, $0x0;
	v31 =	vadd.s32 $0x3C, v31  }
0x18a: {  	v60 =	vsel vm3, $0xFFFFFFFF, v9;
	v24 =	vnsel vm15, $0x0, v24;
	[tilespmem:v28+s24+$0x0] =	vst.idx.add.f32.msk vm1, v10  }
0x18b: {  	v61 =	vadd.s32 v59, v60;
	v22 =	vmin.u32 v24, $0xE;
	[tilespmem:v28+s25+$0x0] =	vst.idx.add.f32.msk vm1, v19;
	v19 =	vadd.s32 $0x3C, v36  }
0x18c: {  	[tilespmem:v39+s24+$0x0] =	vst.idx.add.f32.msk vm1, v10;
	vm3 =	vgt.s32 v61, $0x0;
	v24 =	vmin.u32 v32, $0xE;
	v22 =	vadd.s32 v26, v22  }
0x18d: {  	[tilespmem:v39+s25+$0x0] =	vst.idx.add.f32.msk vm1, v23;
	v23 =	vadd.s32 v27, v24;
	v24 =	vnsel vm3, $0x0, v61  }
0x18e: {  	v27 =	vcvt.f32.s32 v37;
	vm3 =	veq.f32 v29, v37;
	v24 =	vmin.u32 v24, $0xE;
	[tilespmem:v31+s24+$0x0] =	vst.idx.add.f32.msk vm1, v10  }
0x18f: {  	v28 =	vsel vm3, $0xFFFFFFFF, v9;
	v24 =	vadd.s32 v24, v26;
	[tilespmem:v31+s25+$0x0] =	vst.idx.add.f32.msk vm1, v20  }
0x190: {  	v26 =	vnsel vm2, $0x0, v30;
	v20 =	vadd.s32 $0x78, v24;
	v24 =	vadd.s32 v27, v28;
	[tilespmem:v19+s24+$0x0] =	vst.idx.add.f32.msk vm1, v10  }
0x191: {  	v26 =	vmin.u32 v26, $0xE;
	[tilespmem:v22+s24+$0x0] =	vst.idx.add.f32.msk vm1, v10;
	vm2 =	vgt.s32 v24, $0x0  }
0x192: {  	v26 =	vadd.s32 v25, v26;
	[tilespmem:v23+s24+$0x0] =	vst.idx.add.f32.msk vm1, v10;
	v24 =	vnsel vm2, $0x0, v24  }
0x193: {  	[tilespmem:v19+s25+$0x0] =	vst.idx.add.f32.msk vm1, v21;
	v19 =	vmin.u32 v24, $0xE  }
0x194: {  	[tilespmem:v23+s25+$0x0] =	vst.idx.add.f32.msk vm1, v17;
	v17 =	vadd.s32 v19, v25  }
0x195: {  	[tilespmem:v22+s25+$0x0] =	vst.idx.add.f32.msk vm1, v16;
	v17 =	vadd.s32 $0x78, v17  }
0x196: {  	[tilespmem:v20+s24+$0x0] =	vst.idx.add.f32.msk vm1, v10  }
0x197: {  	[tilespmem:v26+s24+$0x0] =	vst.idx.add.f32.msk vm1, v10  }
0x198: {  	[tilespmem:v20+s25+$0x0] =	vst.idx.add.f32.msk vm1, v15  }
0x199: {  	[tilespmem:v26+s25+$0x0] =	vst.idx.add.f32.msk vm1, v14  }
0x19a: {  	s13 =	sshll.u32 s13, $0x4;
	[tilespmem:v17+s24+$0x0] =	vst.idx.add.f32.msk vm1, v10  }
0x19b: {  	s13 =	sand.u32 $0x3FFFFFF0, s13;
	[tilespmem:v17+s25+$0x0] =	vst.idx.add.f32.msk vm1, v18  }
0x19c: {  	v14 =	vld [tilespmem:s13+$0x0];
	_ =	sdelay $0x4  }
0x19d: {  	vm2 =	vgt.s32 v14, $0x0  }
0x19e: {  	v14 =	vnsel vm2, $0x0, v14  }
0x19f: {  	v14 =	vmin.u32 v14, $0x63  }
0x1a0: {  	v15 =	vshll.u32 v14, $0x4  }
0x1a1: {  	v15 =	vor.u32 v0, v15;
	_ =	sdelay $0x4  }
0x1a2: {  	v15 =	vld.idx.msk [tilespmem:v15+s26+$0x0], $0xffff;
	_ =	sdelay $0x4  }
0x1a3: {  	v13 =	vmul.f32 v15, v13;
	_ =	sdelay $0x1  }
0x1a4: {  	v13 =	vmul.f32 $1.500000000e+01, v13;
	_ =	sdelay $0x1  }
0x1a5: {  	v15 =	vtrunc.f32 v13  }
0x1a6: {  	v16 =	vcvt.f32.s32 v15;
	vm2 =	veq.f32 v13, v15  }
0x1a7: {  	v13 =	vsel vm2, $0xFFFFFFFF, v9  }
0x1a8: {  	v13 =	vadd.s32 v16, v13  }
0x1a9: {  	vm2 =	vgt.s32 v13, $0x0  }
0x1aa: {  	v15 =	vmul.u32 $0xF, v14;
	v13 =	vnsel vm2, $0x0, v13  }
0x1ab: {  	v13 =	vmin.u32 v13, $0xE  }
0x1ac: {  	v13 =	vadd.s32 v13, v15  }
0x1ad: {  	v13 =	vadd.s32 v2, v13  }
0x1ae: {  	s13 =	sadd.s32 @!p1 s9, s11  }
0x1af: {  	s13 =	sshll.u32 @!p1 s13, $0x4  }
0x1b0: {  	s13 =	smin.u32 @!p1 s13, $0x18690  }
0x1b1: {  	s13 =	sshll.u32 @!p1 s13, $0x4;
	v15 =	vimm.s32 $0x0  }
0x1b2: {  	s14 =	simm.s32 @!p1 $0x0;
	s16 =	simm.s32 @!p1 $0x1480;
	s13 =	sadd.s32 @!p1 s3, s13;
	v16 =	vimm.s32 $0x1;
	[tilespmem:v13+s28+$0x0] =	vst.idx.add.f32.msk vm1, v10;
	v13 =	vadd.s32 v1, v15  }
0x1b3: {  	v17 =	vadd.s32 v1, v16;
	[tilespmem:s16], [sflag:$0x2] =	stream.linear.gather @!p1 [hbm4b:s13+s14], $0x800, $0x38;
	[tilespmem:$0x15700] =	vst v63  }
0x1b4: {  	v18 =	vimm.s32 $0x2;
	_ =	swait.ge [sflag:s30], $0x800  }
0x1b5: {  	v19 =	vadd.s32 v1, v18;
	[sflag:s30] =	ssyncset.done $0x0  }
0x1b6: {  	v20 =	vadd.s32 v4, v15;
	[sflag:s30] =	ssyncadd.s32 $0xFFFFF800  }
0x1b7: {  	v21 =	vimm.s32 $0x3;
	v22 =	vadd.s32 v4, v16;
	v13 =	vld.idx.msk [tilespmem:v13+s21+$0x0], $0xffff  }
0x1b8: {  	v23 =	vadd.s32 v1, v21;
	v17 =	vld.idx.msk [tilespmem:v17+s21+$0x0], $0xffff  }
0x1b9: {  	v25 =	vadd.s32 v4, v21  }
0x1ba: {  	v19 =	vld.idx.msk [tilespmem:v19+s21+$0x0], $0xffff  }
0x1bb: {  	v31 =	vadd.s32 $0x8, v21;
	v24 =	vadd.s32 v4, v18;
	v20 =	vld.idx.msk [tilespmem:v20+s21+$0x0], $0xffff  }
0x1bc: {  	v29 =	vadd.s32 v4, v31;
	v26 =	vadd.s32 v5, v15;
	v22 =	vld.idx.msk [tilespmem:v22+s21+$0x0], $0xffff;
	v13 =	vmul.f32 $1.442695020e+00, v13  }
0x1bd: {  	v28 =	vadd.s32 $0x8, v18;
	v27 =	vadd.s32 v5, v16;
	v23 =	vld.idx.msk [tilespmem:v23+s21+$0x0], $0xffff;
	v17 =	vmul.f32 $1.442695020e+00, v17  }
0x1be: {  	v18 =	vadd.s32 v1, v28;
	vm1 =	vgt.s32 v12, v14;
	v21 =	vld.idx.msk [tilespmem:v25+s21+$0x0], $0xffff;
	(erf) = vpow2.f32 v13  }
0x1bf: {  	v63 =	vadd.s32 v4, v28;
	v14 =	vsel vm1, v12, v14;
	(erf) = vpow2.f32 v17  }
0x1c0: {  	v12 =	vpsel p2, v14, v12;
	v14 =	vadd.s32 $0xC, v15;
	v15 =	vadd.s32 $0xC, v16;
	v17 =	vld.idx.msk [tilespmem:v24+s21+$0x0], $0xffff  }
0x1c1: {  	v25 =	vld.idx.msk [tilespmem:v26+s21+$0x0], $0xffff;
	v16 =	vmul.f32 $1.442695020e+00, v20;
	v20 =	vmul.f32 $1.442695020e+00, v22;
	v22 =	vadd.s32 v1, v31  }
0x1c2: {  	v30 =	vadd.s32 v1, v15;
	v27 =	vld.idx.msk [tilespmem:v27+s21+$0x0], $0xffff;
	v19 =	vmul.f32 $1.442695020e+00, v19;
	v23 =	vmul.f32 $1.442695020e+00, v23  }
0x1c3: {  	v26 =	vadd.s32 v1, v14;
	v62 =	vld.idx.msk [tilespmem:v18+s21+$0x0], $0xffff;
	v18 =	vmul.f32 $1.442695020e+00, v21;
	(erf) = vpow2.f32 v16  }
0x1c4: {  	v21 =	vld.idx.msk [tilespmem:v29+s21+$0x0], $0xffff;
	v29 =	vadd.s32 v4, v15;
	v13 =	vimm.f32 $0.0e+00;
	(erf) = vpow2.f32 v19  }
0x1c5: {  	v16 =	vadd.s32 $0xC, v28;
	(erf) = vpow2.f32 v23;
	v17 =	vmul.f32 $1.442695020e+00, v17  }
0x1c6: {  	v28 =	vadd.s32 v5, v28;
	v24 =	vld.idx.msk [tilespmem:v22+s21+$0x0], $0xffff;
	v23 =	vmul.f32 $1.442695020e+00, v25;
	(erf) = vpow2.f32 v20  }
0x1c7: {  	v20 =	vadd.s32 $0xC, v31;
	v25 =	vpop (erf);
	(erf) = vpow2.f32 v17;
	v17 =	vmul.f32 $1.442695020e+00, v27  }
0x1c8: {  	s14 =	simm.s32 $0x2CD0;
	v22 =	vld.idx.msk [tilespmem:v26+s21+$0x0], $0xffff;
	v27 =	vadd.s32 v4, v14;
	v19 =	vadd.f32 v25, v13;
	v26 =	vpop (erf);
	(erf) = vpow2.f32 v18  }
0x1c9: {  	s18 =	simm.s32 $0xA;
	s13 =	simm.s32 $0x0;
	[tilespmem:s14+$0xFFFFFFB0] =	vst v25;
	v25 =	vadd.s32 v5, v31;
	v18 =	vadd.f32 v26, v13;
	(erf) = vpow2.f32 v23;
	v23 =	vld.idx.msk [tilespmem:v30+s21+$0x0], $0xffff  }
0x1ca: {  	s16 =	simm.s32 $0x2CD0;
	s17 =	sand.u32 $0x7E0, s13;
	v30 =	vmul.f32 $1.442695020e+00, v62;
	[tilespmem:s14+$0xFFFFFFC0] =	vst v26;
	v26 =	vld.idx.msk [tilespmem:v63+s21+$0x0], $0xffff;
	(erf) = vpow2.f32 v17;
	v17 =	vimm.f32 $0.0e+00  }
.LBB2_13:
0x1cb: {  	v35 =	vmul.f32 $1.442695020e+00, v24;
	v31 =	vadd.s32 $0x8, v14  }
0x1cc: {  	s18 =	sadd.s32 $0xA, s18;
	v32 =	vadd.s32 $0x8, v15;
	s13 =	sadd.s32 $0xA0, s13;
	s14 =	sadd.s32 $0xA0, s14;
	v33 =	vpop (erf);
	v14 =	vmov v16;
	v15 =	vmov v20  }
0x1cd: {  	v22 =	vmul.f32 $1.442695020e+00, v22;
	p2 =	slt.u32 s18, $0x5A;
	(erf) = vpow2.f32 v30;
	[tilespmem:s16+$0xFFFFFFF0] =	vst v33;
	v19 =	vadd.f32 v33, v19;
	v16 =	vpop (erf)  }
0x1ce: {  	v21 =	vmul.f32 $1.442695020e+00, v21;
	v27 =	vld.idx.msk [tilespmem:v27+s21+$0x0], $0xffff;
	(erf) = vpow2.f32 v35;
	[tilespmem:s16+$0xFFFFFFD0] =	vst v16;
	v13 =	vadd.f32 v16, v13;
	v24 =	vpop (erf)  }
0x1cf: {  	v30 =	vadd.s32 v1, v31;
	v33 =	vadd.s32 v1, v32;
	v16 =	vadd.s32 $0xC, v31;
	v29 =	vld.idx.msk [tilespmem:v29+s21+$0x0], $0xffff;
	[tilespmem:s16+$0xFFFFFFE0] =	vst v24;
	v34 =	vpop (erf)  }
0x1d0: {  	v23 =	vmul.f32 $1.442695020e+00, v23;
	v26 =	vmul.f32 $1.442695020e+00, v26;
	v28 =	vld.idx.msk [tilespmem:v28+s21+$0x0], $0xffff;
	[tilespmem:s16+$0x0] =	vst v34;
	v18 =	vadd.f32 v34, v18;
	v34 =	vpop (erf)  }
0x1d1: {  	v36 =	vadd.s32 v1, v20;
	v35 =	vadd.s32 v1, v14;
	v24 =	vadd.f32 v24, v17;
	v25 =	vld.idx.msk [tilespmem:v25+s21+$0x0], $0xffff;
	v20 =	vpop (erf)  }
0x1d2: {  	v37 =	vadd.s32 v4, v32;
	(erf) = vpow2.f32 v26;
	v26 =	vadd.f32 v34, v13;
	[tilespmem:s16+$0x20] =	vst v20;
	v13 =	vpop (erf)  }
0x1d3: {  	v38 =	vadd.f32 v20, v24;
	(erf) = vpow2.f32 v22;
	[tilespmem:s17+$0x2D00] =	vst v13;
	v13 =	vadd.f32 v13, v19;
	v17 =	vpop (erf)  }
0x1d4: {  	v39 =	vadd.s32 v4, v31;
	v19 =	vmul.f32 $1.442695020e+00, v27;
	v30 =	vld.idx.msk [tilespmem:v30+s21+$0x0], $0xffff;
	(erf) = vpow2.f32 v23;
	[tilespmem:s16+$0x40] =	vst v17  }
0x1d5: {  	v23 =	vmul.f32 $1.442695020e+00, v29;
	v17 =	vadd.f32 v17, v18;
	v24 =	vld.idx.msk [tilespmem:v33+s21+$0x0], $0xffff;
	(erf) = vpow2.f32 v21;
	[tilespmem:s16+$0x10] =	vst v34;
	s16 =	smov.u32 s14  }
.Ltmp5:
0x1d6: {  	v20 =	vadd.s32 $0xC, v32;
	v28 =	vmul.f32 $1.442695020e+00, v28;
	v22 =	vld.idx.msk [tilespmem:v35+s21+$0x0], $0xffff;
	v18 =	vpop (erf);
	(erf) = vpow2.f32 v19;
	(pc) =	sbr.rel @p2 .LBB2_13-.Ltmp5, $4  }
0x1d7: {  	v25 =	vmul.f32 $1.442695020e+00, v25;
	v21 =	vld.idx.msk [tilespmem:v37+s21+$0x0], $0xffff;
	[tilespmem:s14+$0xFFFFFFB0] =	vst v18;
	v19 =	vadd.f32 v18, v26;
	v18 =	vpop (erf);
	(erf) = vpow2.f32 v23  }
0x1d8: {  	v27 =	vadd.s32 v4, v14;
	v23 =	vld.idx.msk [tilespmem:v36+s21+$0x0], $0xffff;
	[tilespmem:s14+$0xFFFFFFC0] =	vst v18;
	v18 =	vadd.f32 v18, v38;
	(erf) = vpow2.f32 v28  }
0x1d9: {  	v29 =	vadd.s32 v4, v15;
	v26 =	vld.idx.msk [tilespmem:v39+s21+$0x0], $0xffff;
	(erf) = vpow2.f32 v25  }
0x1da: {  	s17 =	sand.u32 $0x7E0, s13;
	v28 =	vadd.s32 v5, v31;
	v30 =	vmul.f32 $1.442695020e+00, v30;
	v25 =	vadd.s32 v5, v32  }
0x1db: {  	_ =	sdelay $0x3  }
0x1dc: {  	v14 =	vmul.f32 $1.442695020e+00, v24;
	v15 =	vld.idx.msk [tilespmem:v27+s21+$0x0], $0xffff  }
0x1dd: {  	v16 =	vld.idx.msk [tilespmem:v29+s21+$0x0], $0xffff;
	v22 =	vmul.f32 $1.442695020e+00, v22;
	(erf) = vpow2.f32 v30  }
0x1de: {  	v24 =	vpop (erf);
	(erf) = vpow2.f32 v14;
	v14 =	vld.idx.msk [tilespmem:v28+s21+$0x0], $0xffff;
	v20 =	vmul.f32 $1.442695020e+00, v26  }
0x1df: {  	v25 =	vld.idx.msk [tilespmem:v25+s21+$0x0], $0xffff;
	v23 =	vmul.f32 $1.442695020e+00, v23  }
0x1e0: {  	v26 =	vpop (erf);
	(erf) = vpow2.f32 v20;
	v20 =	vmul.f32 $1.442695020e+00, v21  }
0x1e1: {  	v21 =	vpop (erf);
	v15 =	vmul.f32 $1.442695020e+00, v15;
	(erf) = vpow2.f32 v22  }
0x1e2: {  	v16 =	vmul.f32 $1.442695020e+00, v16;
	v22 =	vpop (erf);
	(erf) = vpow2.f32 v23  }
0x1e3: {  	v23 =	vpop (erf);
	v14 =	vmul.f32 $1.442695020e+00, v14;
	(erf) = vpow2.f32 v20  }
0x1e4: {  	v25 =	vmul.f32 $1.442695020e+00, v25;
	v20 =	vpop (erf);
	(erf) = vpow2.f32 v15  }
0x1e5: {  	v15 =	vpop (erf);
	(erf) = vpow2.f32 v16  }
0x1e6: {  	v16 =	vpop (erf);
	(erf) = vpow2.f32 v14  }
0x1e7: {  	[tilespmem:s16+$0xFFFFFFF0] =	vst v24;
	v17 =	vadd.f32 v21, v17;
	v14 =	vpop (erf);
	(erf) = vpow2.f32 v25  }
0x1e8: {  	v19 =	vadd.f32 v24, v19;
	[tilespmem:s16+$0xFFFFFFD0] =	vst v26;
	v25 =	vpop (erf)  }
0x1e9: {  	v13 =	vadd.f32 v26, v13;
	[tilespmem:s16+$0xFFFFFFE0] =	vst v21;
	v17 =	vadd.f32 v20, v17;
	v27 =	vpop (erf)  }
0x1ea: {  	v18 =	vadd.f32 v22, v18;
	[tilespmem:s16+$0x0] =	vst v22;
	v19 =	vadd.f32 v15, v19;
	v24 =	vpop (erf)  }
0x1eb: {  	v13 =	vadd.f32 v23, v13;
	[tilespmem:s16+$0x10] =	vst v23;
	v17 =	vadd.f32 v25, v17;
	v21 =	vpop (erf)  }
0x1ec: {  	[tilespmem:s16+$0x20] =	vst v20;
	v18 =	vadd.f32 v16, v18;
	v22 =	vpop (erf)  }
0x1ed: {  	[tilespmem:s17+$0x2D00] =	vst v15;
	v13 =	vadd.f32 v14, v13;
	v20 =	vpop (erf)  }
0x1ee: {  	s14 =	sadd.s32 $0xA0, s14;
	[tilespmem:s16+$0x40] =	vst v16;
	v15 =	vadd.f32 v24, v19;
	v18 =	vadd.f32 v21, v18;
	v19 =	vpop (erf)  }
0x1ef: {  	[tilespmem:s14+$0xFFFFFFB0] =	vst v14;
	v13 =	vadd.f32 v27, v13;
	v16 =	vadd.f32 v22, v17;
	v17 =	vpop (erf)  }
0x1f0: {  	[tilespmem:s14+$0xFFFFFFC0] =	vst v25;
	v15 =	vadd.f32 v20, v15;
	v18 =	vadd.f32 v19, v18;
	v23 =	vpop (erf)  }
0x1f1: {  	[tilespmem:s14+$0xFFFFFFF0] =	vst v27;
	v13 =	vadd.f32 v17, v13;
	v14 =	vadd.f32 v23, v16  }
0x1f2: {  	[tilespmem:s14+$0xFFFFFFD0] =	vst v24  }
0x1f3: {  	[tilespmem:s14+$0xFFFFFFE0] =	vst v21;
	v15 =	vadd.f32 v18, v15;
	v13 =	vadd.f32 v14, v13  }
0x1f4: {  	[tilespmem:s14+$0x0] =	vst v22  }
0x1f5: {  	s13 =	sadd.s32 $0xA0, s13;
	[tilespmem:s14+$0x10] =	vst v20;
	v13 =	vadd.f32 v13, v15  }
0x1f6: {  	s13 =	sand.u32 $0x7E0, s13;
	[tilespmem:s14+$0x20] =	vst v19  }
0x1f7: {  	[tilespmem:s13+$0x2D00] =	vst v17;
	(erf) = vrcp.f32 v13  }
0x1f8: {  	s17 =	simm.s32 $0x2CD0;
	[tilespmem:s14+$0x40] =	vst v23  }
0x1f9: {  	v16 =	vld [tilespmem:s17+$0x20]  }
0x1fa: {  	v17 =	vld [tilespmem:s17+$0xFFFFFFF0]  }
0x1fb: {  	v14 =	vld [tilespmem:s17+$0xFFFFFFB0]  }
0x1fc: {  	v15 =	vld [tilespmem:s17+$0xFFFFFFE0]  }
0x1fd: {  	v18 =	vld [tilespmem:s17+$0x0]  }
0x1fe: {  	v21 =	vld [tilespmem:s17+$0xFFFFFFD0];
	_ =	sdelay $0x1  }
0x1ff: {  	v13 =	vpop (erf)  }
0x200: {  	v14 =	vmul.f32 v14, v13;
	v19 =	vmul.f32 v15, v13  }
0x201: {  	v15 =	vld [tilespmem:s17+$0x40];
	v22 =	vmul.f32 v16, v13;
	v20 =	vmul.f32 v18, v13  }
0x202: {  	v25 =	vld [tilespmem:s17+$0xFFFFFFC0];
	v23 =	vmul.f32 v17, v13;
	v17 =	vmul.f32 v21, v13  }
0x203: {  	vm1 =	vmmov vm0;
	s14 =	simm.s32 $0x0;
	v16 =	vmul.f32 $1.500000000e+01, v14;
	v26 =	vmul.f32 $1.500000000e+01, v19  }
0x204: {  	v40 =	vadd.s32 $0xB4, v6;
	s13 =	sor.u32 $0x2, s9;
	s18 =	sand.u32 $0x7E0, s14;
	v27 =	vld [tilespmem:s17+$0x10];
	v34 =	vmul.f32 $1.500000000e+01, v20;
	v32 =	vmul.f32 $1.500000000e+01, v22  }
0x205: {  	v24 =	vadd.s32 $0xB4, v2;
	p2 =	slt.u32 s13, s4;
	v21 =	vld [tilespmem:s18+$0x2D00];
	v18 =	vtrunc.f32 v16;
	v28 =	vtrunc.f32 v26  }
0x206: {  	vm1 =	vmneg @p2 vm1;
	v15 =	vmul.f32 v15, v13;
	v29 =	vcvt.f32.s32 v18  }
0x207: {  	vm2 =	veq.f32 v16, v18;
	v16 =	vmul.f32 v25, v13;
	v25 =	vmul.f32 $1.500000000e+01, v17  }
0x208: {  	v18 =	vcvt.f32.s32 v28;
	vm3 =	veq.f32 v26, v28;
	v28 =	vmul.f32 $1.500000000e+01, v23  }
0x209: {  	v26 =	vsel vm3, $0xFFFFFFFF, v9;
	v30 =	vsel vm2, $0xFFFFFFFF, v9;
	v31 =	vtrunc.f32 v25  }
0x20a: {  	v33 =	vadd.s32 v18, v26;
	v18 =	vmul.f32 v21, v13;
	v21 =	vmul.f32 v27, v13  }
0x20b: {  	v30 =	vadd.s32 v29, v30;
	v26 =	vtrunc.f32 v32;
	v27 =	vmul.f32 $1.500000000e+01, v15  }
0x20c: {  	v38 =	vtrunc.f32 v28;
	v37 =	vcvt.f32.s32 v26;
	vm3 =	veq.f32 v32, v26  }
0x20d: {  	v26 =	vcvt.f32.s32 v38;
	v39 =	vcvt.f32.s32 v31;
	vm4 =	veq.f32 v25, v31  }
0x20e: {  	v36 =	vmul.f32 $1.500000000e+01, v21;
	v35 =	vtrunc.f32 v27;
	v32 =	vsel vm3, $0xFFFFFFFF, v9  }
0x20f: {  	v29 =	vmul.f32 $1.500000000e+01, v18;
	vm3 =	veq.f32 v28, v38;
	v31 =	vadd.s32 v37, v32  }
0x210: {  	v63 =	vsel vm3, $0xFFFFFFFF, v9;
	v28 =	vtrunc.f32 v36;
	vm5 =	vgt.s32 v31, $0x0  }
0x211: {  	v26 =	vadd.s32 v26, v63;
	v25 =	vcvt.f32.s32 v28;
	vm3 =	veq.f32 v36, v28  }
0x212: {  	v31 =	vnsel vm5, $0x0, v31;
	v28 =	vsel vm3, $0xFFFFFFFF, v9;
	vm3 =	vgt.s32 v26, $0x0  }
0x213: {  	v25 =	vadd.s32 v25, v28;
	v28 =	vmin.u32 v31, $0xE;
	v26 =	vnsel vm3, $0x0, v26  }
0x214: {  	vm5 =	vgt.s32 v25, $0x0;
	v28 =	vadd.s32 v28, v8;
	v26 =	vmin.u32 v26, $0xE  }
0x215: {  	v25 =	vnsel vm5, $0x0, v25;
	v38 =	vadd.s32 $0x3C, v28;
	v28 =	vsel vm4, $0xFFFFFFFF, v9  }
0x216: {  	v26 =	vadd.s32 v26, v2;
	v25 =	vmin.u32 v25, $0xE;
	v28 =	vadd.s32 v39, v28  }
0x217: {  	vm2 =	vgt.s32 v30, $0x0;
	v37 =	vtrunc.f32 v29;
	vm3 =	veq.f32 v27, v35  }
0x218: {  	v31 =	vadd.s32 $0x78, v8;
	v27 =	vmovc v7;
	v39 =	vadd.s32 $0x3C, v26;
	vm4 =	vgt.s32 v28, $0x0  }
0x219: {  	s16 =	simm.s32 $0x0;
	s17 =	simm.s32 $0x2D70;
	v36 =	vadd.s32 v25, v7;
	v32 =	vnsel vm4, $0x0, v28;
	v26 =	vmovc v6;
	v28 =	vmovc v8;
	v25 =	vmov v2  }
.LBB2_15:
0x21a: {  	v41 =	vld [tilespmem:s17+$0xFFFFFFF0];
	s16 =	sadd.s32 $0xA, s16;
	v42 =	vmin.u32 v32, $0xE;
	v43 =	vtrunc.f32 v34;
	v32 =	vadd.s32 $0x78, v27;
	s14 =	sadd.s32 $0xA0, s14  }
0x21b: {  	v44 =	vld [tilespmem:s17+$0x20];
	s18 =	sand.u32 $0x7E0, s14;
	p3 =	slt.u32 s16, $0x5A;
	v42 =	vadd.s32 v27, v42;
	v45 =	vcvt.f32.s32 v43;
	vm4 =	veq.f32 v34, v43;
	v27 =	vmovc v24  }
0x21c: {  	v24 =	vadd.s32 $0xB4, v32;
	v34 =	vmul.f32 $1.500000000e+01, v16;
	v43 =	vsel vm4, $0xFFFFFFFF, v9;
	[tilespmem:v38+s24+$0x0] =	vst.idx.add.f32.msk vm1, v10  }
0x21d: {  	v30 =	vnsel vm2, $0x0, v30;
	vm2 =	vgt.s32 v33, $0x0;
	[tilespmem:v39+s24+$0x0] =	vst.idx.add.f32.msk vm1, v10;
	v43 =	vadd.s32 v45, v43  }
0x21e: {  	v33 =	vnsel vm2, $0x0, v33;
	v46 =	vtrunc.f32 v34;
	v45 =	vld [tilespmem:s17+$0xFFFFFFC0];
	vm2 =	vgt.s32 v43, $0x0  }
0x21f: {  	v33 =	vmin.u32 v33, $0xE;
	vm4 =	veq.f32 v34, v46;
	v47 =	vld [tilespmem:s17+$0xFFFFFFB0];
	v34 =	vnsel vm2, $0x0, v43  }
0x220: {  	v35 =	vcvt.f32.s32 v35;
	v33 =	vadd.s32 v28, v33;
	v28 =	vmovc v40;
	v43 =	vld [tilespmem:s17+$0xFFFFFFE0];
	v34 =	vmin.u32 v34, $0xE  }
0x221: {  	v48 =	vsel vm3, $0xFFFFFFFF, v9;
	v46 =	vcvt.f32.s32 v46;
	v40 =	vld [tilespmem:s17+$0x0];
	v34 =	vadd.s32 v34, v26  }
0x222: {  	v49 =	vsel vm4, $0xFFFFFFFF, v9;
	v34 =	vadd.s32 $0x3C, v34;
	[tilespmem:v38+s25+$0x0] =	vst.idx.add.f32.msk vm1, v22;
	v22 =	vadd.s32 v35, v48  }
0x223: {  	v30 =	vmin.u32 v30, $0xE;
	v35 =	vadd.s32 v46, v49;
	vm2 =	vgt.s32 v22, $0x0  }
0x224: {  	vm3 =	vgt.s32 v35, $0x0;
	v38 =	vmul.f32 v47, v13;
	[tilespmem:v39+s25+$0x0] =	vst.idx.add.f32.msk vm1, v23;
	v22 =	vnsel vm2, $0x0, v22  }
0x225: {  	v23 =	vnsel vm3, $0x0, v35;
	v39 =	vld [tilespmem:s17+$0xFFFFFFD0];
	v43 =	vmul.f32 v43, v13;
	v35 =	vmin.u32 v22, $0xE  }
0x226: {  	v46 =	vadd.s32 v25, v30;
	v22 =	vmul.f32 v44, v13;
	v23 =	vmin.u32 v23, $0xE;
	v44 =	vld [tilespmem:s17+$0x40]  }
0x227: {  	v48 =	vcvt.f32.s32 v37;
	v30 =	vmul.f32 $1.500000000e+01, v38;
	v47 =	vadd.s32 v26, v23;
	[tilespmem:v33+s24+$0x0] =	vst.idx.add.f32.msk vm1, v10  }
0x228: {  	vm2 =	veq.f32 v29, v37;
	v40 =	vmul.f32 v40, v13;
	v49 =	vmul.f32 $1.500000000e+01, v43;
	[tilespmem:v33+s25+$0x0] =	vst.idx.add.f32.msk vm1, v19  }
0x229: {  	v23 =	vmul.f32 v41, v13;
	v35 =	vadd.s32 v35, v26;
	v26 =	vmovc v31;
	v33 =	vsel vm2, $0xFFFFFFFF, v9;
	v19 =	vmovc v43;
	v29 =	vld [tilespmem:s17+$0x10]  }
0x22a: {  	v36 =	vadd.s32 $0x3C, v36;
	v37 =	vtrunc.f32 v30;
	v41 =	vtrunc.f32 v49;
	[tilespmem:v34+s24+$0x0] =	vst.idx.add.f32.msk vm1, v10  }
0x22b: {  	v35 =	vadd.s32 $0x78, v35;
	v39 =	vmul.f32 v39, v13;
	v43 =	vmul.f32 v44, v13;
	[tilespmem:v34+s25+$0x0] =	vst.idx.add.f32.msk vm1, v20  }
0x22c: {  	vm2 =	veq.f32 v30, v37;
	v44 =	vcvt.f32.s32 v37;
	v37 =	vmul.f32 v45, v13;
	v20 =	vmovc v40;
	v30 =	vld [tilespmem:s18+$0x2D00]  }
0x22d: {  	vm3 =	veq.f32 v49, v41;
	v40 =	vcvt.f32.s32 v41;
	v41 =	vadd.s32 v48, v33;
	[tilespmem:v47+s24+$0x0] =	vst.idx.add.f32.msk vm1, v10  }
0x22e: {  	v33 =	vsel vm3, $0xFFFFFFFF, v9;
	v45 =	vmul.f32 $1.500000000e+01, v39;
	vm3 =	vgt.s32 v41, $0x0;
	[tilespmem:v42+s24+$0x0] =	vst.idx.add.f32.msk vm1, v10  }
0x22f: {  	v49 =	vmul.f32 $1.500000000e+01, v23;
	v48 =	vsel vm2, $0xFFFFFFFF, v9;
	v34 =	vmul.f32 $1.500000000e+01, v20;
	[tilespmem:v36+s24+$0x0] =	vst.idx.add.f32.msk vm1, v10  }
0x230: {  	v33 =	vadd.s32 v40, v33;
	v50 =	vtrunc.f32 v45;
	[tilespmem:v36+s25+$0x0] =	vst.idx.add.f32.msk vm1, v21;
	v21 =	vnsel vm3, $0x0, v41  }
0x231: {  	v36 =	vmul.f32 $1.500000000e+01, v22;
	v40 =	vmul.f32 v30, v13;
	[tilespmem:v42+s25+$0x0] =	vst.idx.add.f32.msk vm1, v17;
	v41 =	vmin.u32 v21, $0xE;
	v17 =	vmovc v39  }
0x232: {  	v30 =	vadd.s32 v44, v48;
	v21 =	vmul.f32 v29, v13;
	v29 =	vadd.s32 v41, v25;
	v25 =	vmovc v32  }
0x233: {  	vm2 =	vgt.s32 v30, $0x0;
	v39 =	vtrunc.f32 v36;
	v41 =	vmul.f32 $1.500000000e+01, v43;
	[tilespmem:v35+s24+$0x0] =	vst.idx.add.f32.msk vm1, v10  }
0x234: {  	v42 =	vmul.f32 $1.500000000e+01, v21;
	v44 =	vcvt.f32.s32 v39;
	v48 =	vadd.s32 $0x78, v29;
	[tilespmem:v35+s25+$0x0] =	vst.idx.add.f32.msk vm1, v15;
	v15 =	vmovc v43  }
0x235: {  	vm3 =	veq.f32 v36, v39;
	v43 =	vtrunc.f32 v49;
	v35 =	vtrunc.f32 v41;
	[tilespmem:v47+s25+$0x0] =	vst.idx.add.f32.msk vm1, v16;
	v16 =	vmovc v37  }
0x236: {  	v29 =	vmul.f32 $1.500000000e+01, v40;
	v36 =	vcvt.f32.s32 v43;
	v37 =	vsel vm3, $0xFFFFFFFF, v9;
	[tilespmem:v46+s24+$0x0] =	vst.idx.add.f32.msk vm1, v10  }
0x237: {  	v39 =	vcvt.f32.s32 v50;
	vm3 =	veq.f32 v49, v43;
	v43 =	vtrunc.f32 v42;
	[tilespmem:v46+s25+$0x0] =	vst.idx.add.f32.msk vm1, v14;
	v14 =	vmovc v38  }
0x238: {  	vm4 =	veq.f32 v45, v50;
	v37 =	vadd.s32 v44, v37;
	v38 =	vcvt.f32.s32 v43  }
0x239: {  	v44 =	vsel vm3, $0xFFFFFFFF, v9;
	vm3 =	veq.f32 v42, v43;
	vm5 =	vgt.s32 v37, $0x0;
	[tilespmem:v48+s24+$0x0] =	vst.idx.add.f32.msk vm1, v10  }
0x23a: {  	v36 =	vadd.s32 v36, v44;
	v42 =	vsel vm3, $0xFFFFFFFF, v9;
	v37 =	vnsel vm5, $0x0, v37;
	[tilespmem:v48+s25+$0x0] =	vst.idx.add.f32.msk vm1, v18;
	v18 =	vmovc v40  }
0x23b: {  	v38 =	vadd.s32 v38, v42;
	v37 =	vmin.u32 v37, $0xE;
	v40 =	vadd.s32 $0xB4, v31  }
0x23c: {  	vm3 =	vgt.s32 v36, $0x0;
	vm5 =	vgt.s32 v38, $0x0;
	v31 =	vadd.s32 v37, v28  }
.Ltmp6:
0x23d: {  	v36 =	vnsel vm3, $0x0, v36;
	v37 =	vnsel vm5, $0x0, v38;
	v38 =	vadd.s32 $0x3C, v31;
	(pc) =	sbr.rel @p3 .LBB2_15-.Ltmp6, $4  }
0x23e: {  	v36 =	vmin.u32 v36, $0xE;
	v31 =	vsel vm4, $0xFFFFFFFF, v9;
	v37 =	vmin.u32 v37, $0xE  }
0x23f: {  	v32 =	vadd.s32 v36, v32;
	v31 =	vadd.s32 v39, v31;
	v36 =	vadd.s32 v37, v27  }
0x240: {  	vm3 =	veq.f32 v41, v35;
	v39 =	vadd.s32 $0x3C, v32;
	vm4 =	vgt.s32 v31, $0x0  }
0x241: {  	s17 =	sadd.s32 $0xA0, s17;
	v37 =	vtrunc.f32 v29;
	v32 =	vnsel vm4, $0x0, v31;
	v31 =	vadd.s32 $0x78, v28  }
0x242: {  	v24 =	vtrunc.f32 v34  }
0x243: {  	vm13 =	vgt.s32 v33, $0x0;
	v31 =	vcvt.f32.s32 v24;
	vm4 =	veq.f32 v34, v24  }
0x244: {  	v24 =	vmul.f32 $1.500000000e+01, v16;
	v33 =	vnsel vm13, $0x0, v33;
	v34 =	vsel vm4, $0xFFFFFFFF, v9  }
0x245: {  	v33 =	vmin.u32 v33, $0xE;
	v31 =	vadd.s32 v31, v34  }
0x246: {  	v57 =	vtrunc.f32 v24;
	v28 =	vadd.s32 v28, v33;
	vm14 =	vgt.s32 v31, $0x0  }
0x247: {  	vm5 =	veq.f32 v24, v57;
	v24 =	vcvt.f32.s32 v57;
	v31 =	vnsel vm14, $0x0, v31  }
0x248: {  	v58 =	vsel vm5, $0xFFFFFFFF, v9;
	v31 =	vmin.u32 v31, $0xE  }
0x249: {  	[tilespmem:v38+s24+$0x0] =	vst.idx.add.f32.msk vm1, v10;
	v24 =	vadd.s32 v24, v58;
	v31 =	vadd.s32 v31, v26  }
0x24a: {  	v59 =	vcvt.f32.s32 v35;
	[tilespmem:v38+s25+$0x0] =	vst.idx.add.f32.msk vm1, v22;
	vm15 =	vgt.s32 v24, $0x0;
	v31 =	vadd.s32 $0x3C, v31  }
0x24b: {  	v60 =	vsel vm3, $0xFFFFFFFF, v9;
	v24 =	vnsel vm15, $0x0, v24;
	[tilespmem:v28+s24+$0x0] =	vst.idx.add.f32.msk vm1, v10  }
0x24c: {  	v61 =	vadd.s32 v59, v60;
	v22 =	vmin.u32 v24, $0xE;
	[tilespmem:v28+s25+$0x0] =	vst.idx.add.f32.msk vm1, v19;
	v19 =	vadd.s32 $0x3C, v36  }
0x24d: {  	[tilespmem:v39+s24+$0x0] =	vst.idx.add.f32.msk vm1, v10;
	vm3 =	vgt.s32 v61, $0x0;
	v24 =	vmin.u32 v32, $0xE;
	v22 =	vadd.s32 v26, v22  }
0x24e: {  	[tilespmem:v39+s25+$0x0] =	vst.idx.add.f32.msk vm1, v23;
	v23 =	vadd.s32 v27, v24;
	v24 =	vnsel vm3, $0x0, v61  }
0x24f: {  	v27 =	vcvt.f32.s32 v37;
	vm3 =	veq.f32 v29, v37;
	v24 =	vmin.u32 v24, $0xE;
	[tilespmem:v31+s24+$0x0] =	vst.idx.add.f32.msk vm1, v10  }
0x250: {  	v28 =	vsel vm3, $0xFFFFFFFF, v9;
	v24 =	vadd.s32 v24, v26;
	[tilespmem:v31+s25+$0x0] =	vst.idx.add.f32.msk vm1, v20  }
0x251: {  	v26 =	vnsel vm2, $0x0, v30;
	v20 =	vadd.s32 $0x78, v24;
	v24 =	vadd.s32 v27, v28;
	[tilespmem:v19+s24+$0x0] =	vst.idx.add.f32.msk vm1, v10  }
0x252: {  	v26 =	vmin.u32 v26, $0xE;
	[tilespmem:v22+s24+$0x0] =	vst.idx.add.f32.msk vm1, v10;
	vm2 =	vgt.s32 v24, $0x0  }
0x253: {  	v26 =	vadd.s32 v25, v26;
	[tilespmem:v23+s24+$0x0] =	vst.idx.add.f32.msk vm1, v10;
	v24 =	vnsel vm2, $0x0, v24  }
0x254: {  	[tilespmem:v19+s25+$0x0] =	vst.idx.add.f32.msk vm1, v21;
	v19 =	vmin.u32 v24, $0xE  }
0x255: {  	[tilespmem:v23+s25+$0x0] =	vst.idx.add.f32.msk vm1, v17;
	v17 =	vadd.s32 v19, v25  }
0x256: {  	[tilespmem:v22+s25+$0x0] =	vst.idx.add.f32.msk vm1, v16;
	v17 =	vadd.s32 $0x78, v17  }
0x257: {  	[tilespmem:v20+s24+$0x0] =	vst.idx.add.f32.msk vm1, v10  }
0x258: {  	[tilespmem:v26+s24+$0x0] =	vst.idx.add.f32.msk vm1, v10  }
0x259: {  	[tilespmem:v20+s25+$0x0] =	vst.idx.add.f32.msk vm1, v15  }
0x25a: {  	[tilespmem:v26+s25+$0x0] =	vst.idx.add.f32.msk vm1, v14  }
0x25b: {  	s13 =	sshll.u32 s13, $0x4;
	[tilespmem:v17+s24+$0x0] =	vst.idx.add.f32.msk vm1, v10  }
0x25c: {  	s13 =	sand.u32 $0x3FFFFFF0, s13;
	[tilespmem:v17+s25+$0x0] =	vst.idx.add.f32.msk vm1, v18  }
0x25d: {  	v14 =	vld [tilespmem:s13+$0x0];
	_ =	sdelay $0x4  }
0x25e: {  	vm2 =	vgt.s32 v14, $0x0  }
0x25f: {  	v14 =	vnsel vm2, $0x0, v14  }
0x260: {  	v14 =	vmin.u32 v14, $0x63  }
0x261: {  	v15 =	vshll.u32 v14, $0x4  }
0x262: {  	v15 =	vor.u32 v0, v15;
	_ =	sdelay $0x4  }
0x263: {  	v15 =	vld.idx.msk [tilespmem:v15+s26+$0x0], $0xffff;
	_ =	sdelay $0x4  }
0x264: {  	v13 =	vmul.f32 v15, v13;
	_ =	sdelay $0x1  }
0x265: {  	v13 =	vmul.f32 $1.500000000e+01, v13;
	_ =	sdelay $0x1  }
0x266: {  	v15 =	vtrunc.f32 v13  }
0x267: {  	v16 =	vcvt.f32.s32 v15;
	vm2 =	veq.f32 v13, v15  }
0x268: {  	v13 =	vsel vm2, $0xFFFFFFFF, v9  }
0x269: {  	v13 =	vadd.s32 v16, v13  }
0x26a: {  	vm2 =	vgt.s32 v13, $0x0  }
0x26b: {  	v15 =	vmul.u32 $0xF, v14;
	v13 =	vnsel vm2, $0x0, v13  }
0x26c: {  	v13 =	vmin.u32 v13, $0xE  }
0x26d: {  	v13 =	vadd.s32 v13, v15  }
0x26e: {  	v13 =	vadd.s32 v2, v13  }
0x26f: {  	s13 =	sadd.s32 @!p1 s9, s12  }
0x270: {  	s13 =	sshll.u32 @!p1 s13, $0x4  }
0x271: {  	s13 =	smin.u32 @!p1 s13, $0x18690  }
0x272: {  	s13 =	sshll.u32 @!p1 s13, $0x4;
	v15 =	vimm.s32 $0x0  }
0x273: {  	s14 =	simm.s32 @!p1 $0x0;
	s16 =	simm.s32 @!p1 $0x1C80;
	s13 =	sadd.s32 @!p1 s3, s13;
	v16 =	vimm.s32 $0x1;
	[tilespmem:v13+s28+$0x0] =	vst.idx.add.f32.msk vm1, v10;
	v13 =	vadd.s32 v1, v15  }
0x274: {  	v17 =	vadd.s32 v1, v16;
	[tilespmem:s16], [sflag:$0x3] =	stream.linear.gather @!p1 [hbm4b:s13+s14], $0x800, $0x38;
	[tilespmem:$0x15700] =	vst v63  }
0x275: {  	v18 =	vimm.s32 $0x2;
	_ =	swait.ge [sflag:s31], $0x800  }
0x276: {  	v19 =	vadd.s32 v1, v18;
	[sflag:s31] =	ssyncset.done $0x0  }
0x277: {  	v20 =	vadd.s32 v4, v15;
	[sflag:s31] =	ssyncadd.s32 $0xFFFFF800  }
0x278: {  	v21 =	vimm.s32 $0x3;
	v22 =	vadd.s32 v4, v16;
	v13 =	vld.idx.msk [tilespmem:v13+s22+$0x0], $0xffff  }
0x279: {  	v23 =	vadd.s32 v1, v21;
	v17 =	vld.idx.msk [tilespmem:v17+s22+$0x0], $0xffff  }
0x27a: {  	v25 =	vadd.s32 v4, v21  }
0x27b: {  	v19 =	vld.idx.msk [tilespmem:v19+s22+$0x0], $0xffff  }
0x27c: {  	v31 =	vadd.s32 $0x8, v21;
	v24 =	vadd.s32 v4, v18;
	v20 =	vld.idx.msk [tilespmem:v20+s22+$0x0], $0xffff  }
0x27d: {  	v29 =	vadd.s32 v4, v31;
	v26 =	vadd.s32 v5, v15;
	v22 =	vld.idx.msk [tilespmem:v22+s22+$0x0], $0xffff;
	v13 =	vmul.f32 $1.442695020e+00, v13  }
0x27e: {  	v28 =	vadd.s32 $0x8, v18;
	v27 =	vadd.s32 v5, v16;
	v23 =	vld.idx.msk [tilespmem:v23+s22+$0x0], $0xffff;
	v17 =	vmul.f32 $1.442695020e+00, v17  }
0x27f: {  	v18 =	vadd.s32 v1, v28;
	vm1 =	vgt.s32 v12, v14;
	v21 =	vld.idx.msk [tilespmem:v25+s22+$0x0], $0xffff;
	(erf) = vpow2.f32 v13  }
0x280: {  	v63 =	vadd.s32 v4, v28;
	v14 =	vsel vm1, v12, v14;
	(erf) = vpow2.f32 v17  }
0x281: {  	v12 =	vpsel p2, v14, v12;
	v14 =	vadd.s32 $0xC, v15;
	v15 =	vadd.s32 $0xC, v16;
	v17 =	vld.idx.msk [tilespmem:v24+s22+$0x0], $0xffff  }
0x282: {  	v25 =	vld.idx.msk [tilespmem:v26+s22+$0x0], $0xffff;
	v16 =	vmul.f32 $1.442695020e+00, v20;
	v20 =	vmul.f32 $1.442695020e+00, v22;
	v22 =	vadd.s32 v1, v31  }
0x283: {  	v30 =	vadd.s32 v1, v15;
	v27 =	vld.idx.msk [tilespmem:v27+s22+$0x0], $0xffff;
	v19 =	vmul.f32 $1.442695020e+00, v19;
	v23 =	vmul.f32 $1.442695020e+00, v23  }
0x284: {  	v26 =	vadd.s32 v1, v14;
	v62 =	vld.idx.msk [tilespmem:v18+s22+$0x0], $0xffff;
	v18 =	vmul.f32 $1.442695020e+00, v21;
	(erf) = vpow2.f32 v16  }
0x285: {  	v21 =	vld.idx.msk [tilespmem:v29+s22+$0x0], $0xffff;
	v29 =	vadd.s32 v4, v15;
	v13 =	vimm.f32 $0.0e+00;
	(erf) = vpow2.f32 v19  }
0x286: {  	v16 =	vadd.s32 $0xC, v28;
	(erf) = vpow2.f32 v23;
	v17 =	vmul.f32 $1.442695020e+00, v17  }
0x287: {  	v28 =	vadd.s32 v5, v28;
	v24 =	vld.idx.msk [tilespmem:v22+s22+$0x0], $0xffff;
	v23 =	vmul.f32 $1.442695020e+00, v25;
	(erf) = vpow2.f32 v20  }
0x288: {  	v20 =	vadd.s32 $0xC, v31;
	v25 =	vpop (erf);
	(erf) = vpow2.f32 v17;
	v17 =	vmul.f32 $1.442695020e+00, v27  }
0x289: {  	s14 =	simm.s32 $0x2CD0;
	v22 =	vld.idx.msk [tilespmem:v26+s22+$0x0], $0xffff;
	v27 =	vadd.s32 v4, v14;
	v19 =	vadd.f32 v25, v13;
	v26 =	vpop (erf);
	(erf) = vpow2.f32 v18  }
0x28a: {  	s18 =	simm.s32 $0xA;
	s13 =	simm.s32 $0x0;
	[tilespmem:s14+$0xFFFFFFB0] =	vst v25;
	v25 =	vadd.s32 v5, v31;
	v18 =	vadd.f32 v26, v13;
	(erf) = vpow2.f32 v23;
	v23 =	vld.idx.msk [tilespmem:v30+s22+$0x0], $0xffff  }
0x28b: {  	s16 =	simm.s32 $0x2CD0;
	s17 =	sand.u32 $0x7E0, s13;
	v30 =	vmul.f32 $1.442695020e+00, v62;
	[tilespmem:s14+$0xFFFFFFC0] =	vst v26;
	v26 =	vld.idx.msk [tilespmem:v63+s22+$0x0], $0xffff;
	(erf) = vpow2.f32 v17;
	v17 =	vimm.f32 $0.0e+00  }
.LBB2_17:
0x28c: {  	v35 =	vmul.f32 $1.442695020e+00, v24;
	v31 =	vadd.s32 $0x8, v14  }
0x28d: {  	s18 =	sadd.s32 $0xA, s18;
	v32 =	vadd.s32 $0x8, v15;
	s13 =	sadd.s32 $0xA0, s13;
	s14 =	sadd.s32 $0xA0, s14;
	v33 =	vpop (erf);
	v14 =	vmov v16;
	v15 =	vmov v20  }
0x28e: {  	v22 =	vmul.f32 $1.442695020e+00, v22;
	p2 =	slt.u32 s18, $0x5A;
	(erf) = vpow2.f32 v30;
	[tilespmem:s16+$0xFFFFFFF0] =	vst v33;
	v19 =	vadd.f32 v33, v19;
	v16 =	vpop (erf)  }
0x28f: {  	v21 =	vmul.f32 $1.442695020e+00, v21;
	v27 =	vld.idx.msk [tilespmem:v27+s22+$0x0], $0xffff;
	(erf) = vpow2.f32 v35;
	[tilespmem:s16+$0xFFFFFFD0] =	vst v16;
	v13 =	vadd.f32 v16, v13;
	v24 =	vpop (erf)  }
0x290: {  	v30 =	vadd.s32 v1, v31;
	v33 =	vadd.s32 v1, v32;
	v16 =	vadd.s32 $0xC, v31;
	v29 =	vld.idx.msk [tilespmem:v29+s22+$0x0], $0xffff;
	[tilespmem:s16+$0xFFFFFFE0] =	vst v24;
	v34 =	vpop (erf)  }
0x291: {  	v23 =	vmul.f32 $1.442695020e+00, v23;
	v26 =	vmul.f32 $1.442695020e+00, v26;
	v28 =	vld.idx.msk [tilespmem:v28+s22+$0x0], $0xffff;
	[tilespmem:s16+$0x0] =	vst v34;
	v18 =	vadd.f32 v34, v18;
	v34 =	vpop (erf)  }
0x292: {  	v36 =	vadd.s32 v1, v20;
	v35 =	vadd.s32 v1, v14;
	v24 =	vadd.f32 v24, v17;
	v25 =	vld.idx.msk [tilespmem:v25+s22+$0x0], $0xffff;
	v20 =	vpop (erf)  }
0x293: {  	v37 =	vadd.s32 v4, v32;
	(erf) = vpow2.f32 v26;
	v26 =	vadd.f32 v34, v13;
	[tilespmem:s16+$0x20] =	vst v20;
	v13 =	vpop (erf)  }
0x294: {  	v38 =	vadd.f32 v20, v24;
	(erf) = vpow2.f32 v22;
	[tilespmem:s17+$0x2D00] =	vst v13;
	v13 =	vadd.f32 v13, v19;
	v17 =	vpop (erf)  }
0x295: {  	v39 =	vadd.s32 v4, v31;
	v19 =	vmul.f32 $1.442695020e+00, v27;
	v30 =	vld.idx.msk [tilespmem:v30+s22+$0x0], $0xffff;
	(erf) = vpow2.f32 v23;
	[tilespmem:s16+$0x40] =	vst v17  }
0x296: {  	v23 =	vmul.f32 $1.442695020e+00, v29;
	v17 =	vadd.f32 v17, v18;
	v24 =	vld.idx.msk [tilespmem:v33+s22+$0x0], $0xffff;
	(erf) = vpow2.f32 v21;
	[tilespmem:s16+$0x10] =	vst v34;
	s16 =	smov.u32 s14  }
.Ltmp7:
0x297: {  	v20 =	vadd.s32 $0xC, v32;
	v28 =	vmul.f32 $1.442695020e+00, v28;
	v22 =	vld.idx.msk [tilespmem:v35+s22+$0x0], $0xffff;
	v18 =	vpop (erf);
	(erf) = vpow2.f32 v19;
	(pc) =	sbr.rel @p2 .LBB2_17-.Ltmp7, $4  }
0x298: {  	v25 =	vmul.f32 $1.442695020e+00, v25;
	v21 =	vld.idx.msk [tilespmem:v37+s22+$0x0], $0xffff;
	[tilespmem:s14+$0xFFFFFFB0] =	vst v18;
	v19 =	vadd.f32 v18, v26;
	v18 =	vpop (erf);
	(erf) = vpow2.f32 v23  }
0x299: {  	v27 =	vadd.s32 v4, v14;
	v23 =	vld.idx.msk [tilespmem:v36+s22+$0x0], $0xffff;
	[tilespmem:s14+$0xFFFFFFC0] =	vst v18;
	v18 =	vadd.f32 v18, v38;
	(erf) = vpow2.f32 v28  }
0x29a: {  	v29 =	vadd.s32 v4, v15;
	v26 =	vld.idx.msk [tilespmem:v39+s22+$0x0], $0xffff;
	(erf) = vpow2.f32 v25  }
0x29b: {  	s17 =	sand.u32 $0x7E0, s13;
	v28 =	vadd.s32 v5, v31;
	v30 =	vmul.f32 $1.442695020e+00, v30;
	v25 =	vadd.s32 v5, v32  }
0x29c: {  	_ =	sdelay $0x3  }
0x29d: {  	v14 =	vmul.f32 $1.442695020e+00, v24;
	v15 =	vld.idx.msk [tilespmem:v27+s22+$0x0], $0xffff  }
0x29e: {  	v16 =	vld.idx.msk [tilespmem:v29+s22+$0x0], $0xffff;
	v22 =	vmul.f32 $1.442695020e+00, v22;
	(erf) = vpow2.f32 v30  }
0x29f: {  	v24 =	vpop (erf);
	(erf) = vpow2.f32 v14;
	v14 =	vld.idx.msk [tilespmem:v28+s22+$0x0], $0xffff;
	v20 =	vmul.f32 $1.442695020e+00, v26  }
0x2a0: {  	v25 =	vld.idx.msk [tilespmem:v25+s22+$0x0], $0xffff;
	v23 =	vmul.f32 $1.442695020e+00, v23  }
0x2a1: {  	v26 =	vpop (erf);
	(erf) = vpow2.f32 v20;
	v20 =	vmul.f32 $1.442695020e+00, v21  }
0x2a2: {  	v21 =	vpop (erf);
	v15 =	vmul.f32 $1.442695020e+00, v15;
	(erf) = vpow2.f32 v22  }
0x2a3: {  	v16 =	vmul.f32 $1.442695020e+00, v16;
	v22 =	vpop (erf);
	(erf) = vpow2.f32 v23  }
0x2a4: {  	v23 =	vpop (erf);
	v14 =	vmul.f32 $1.442695020e+00, v14;
	(erf) = vpow2.f32 v20  }
0x2a5: {  	v25 =	vmul.f32 $1.442695020e+00, v25;
	v20 =	vpop (erf);
	(erf) = vpow2.f32 v15  }
0x2a6: {  	v15 =	vpop (erf);
	(erf) = vpow2.f32 v16  }
0x2a7: {  	v16 =	vpop (erf);
	(erf) = vpow2.f32 v14  }
0x2a8: {  	[tilespmem:s16+$0xFFFFFFF0] =	vst v24;
	v17 =	vadd.f32 v21, v17;
	v14 =	vpop (erf);
	(erf) = vpow2.f32 v25  }
0x2a9: {  	v19 =	vadd.f32 v24, v19;
	[tilespmem:s16+$0xFFFFFFD0] =	vst v26;
	v25 =	vpop (erf)  }
0x2aa: {  	v13 =	vadd.f32 v26, v13;
	[tilespmem:s16+$0xFFFFFFE0] =	vst v21;
	v17 =	vadd.f32 v20, v17;
	v27 =	vpop (erf)  }
0x2ab: {  	v18 =	vadd.f32 v22, v18;
	[tilespmem:s16+$0x0] =	vst v22;
	v19 =	vadd.f32 v15, v19;
	v24 =	vpop (erf)  }
0x2ac: {  	v13 =	vadd.f32 v23, v13;
	[tilespmem:s16+$0x10] =	vst v23;
	v17 =	vadd.f32 v25, v17;
	v21 =	vpop (erf)  }
0x2ad: {  	[tilespmem:s16+$0x20] =	vst v20;
	v18 =	vadd.f32 v16, v18;
	v22 =	vpop (erf)  }
0x2ae: {  	[tilespmem:s17+$0x2D00] =	vst v15;
	v13 =	vadd.f32 v14, v13;
	v20 =	vpop (erf)  }
0x2af: {  	s14 =	sadd.s32 $0xA0, s14;
	[tilespmem:s16+$0x40] =	vst v16;
	v15 =	vadd.f32 v24, v19;
	v18 =	vadd.f32 v21, v18;
	v19 =	vpop (erf)  }
0x2b0: {  	[tilespmem:s14+$0xFFFFFFB0] =	vst v14;
	v13 =	vadd.f32 v27, v13;
	v16 =	vadd.f32 v22, v17;
	v17 =	vpop (erf)  }
0x2b1: {  	[tilespmem:s14+$0xFFFFFFC0] =	vst v25;
	v15 =	vadd.f32 v20, v15;
	v18 =	vadd.f32 v19, v18;
	v23 =	vpop (erf)  }
0x2b2: {  	[tilespmem:s14+$0xFFFFFFF0] =	vst v27;
	v13 =	vadd.f32 v17, v13;
	v14 =	vadd.f32 v23, v16  }
0x2b3: {  	[tilespmem:s14+$0xFFFFFFD0] =	vst v24  }
0x2b4: {  	[tilespmem:s14+$0xFFFFFFE0] =	vst v21;
	v15 =	vadd.f32 v18, v15;
	v13 =	vadd.f32 v14, v13  }
0x2b5: {  	[tilespmem:s14+$0x0] =	vst v22  }
0x2b6: {  	s13 =	sadd.s32 $0xA0, s13;
	[tilespmem:s14+$0x10] =	vst v20;
	v13 =	vadd.f32 v13, v15  }
0x2b7: {  	s13 =	sand.u32 $0x7E0, s13;
	[tilespmem:s14+$0x20] =	vst v19  }
0x2b8: {  	[tilespmem:s13+$0x2D00] =	vst v17;
	(erf) = vrcp.f32 v13  }
0x2b9: {  	s17 =	simm.s32 $0x2CD0;
	[tilespmem:s14+$0x40] =	vst v23  }
0x2ba: {  	v16 =	vld [tilespmem:s17+$0x20]  }
0x2bb: {  	v17 =	vld [tilespmem:s17+$0xFFFFFFF0]  }
0x2bc: {  	v14 =	vld [tilespmem:s17+$0xFFFFFFB0]  }
0x2bd: {  	v15 =	vld [tilespmem:s17+$0xFFFFFFE0]  }
0x2be: {  	v18 =	vld [tilespmem:s17+$0x0]  }
0x2bf: {  	v21 =	vld [tilespmem:s17+$0xFFFFFFD0];
	_ =	sdelay $0x1  }
0x2c0: {  	v13 =	vpop (erf)  }
0x2c1: {  	v14 =	vmul.f32 v14, v13;
	v19 =	vmul.f32 v15, v13  }
0x2c2: {  	v15 =	vld [tilespmem:s17+$0x40];
	v22 =	vmul.f32 v16, v13;
	v20 =	vmul.f32 v18, v13  }
0x2c3: {  	v25 =	vld [tilespmem:s17+$0xFFFFFFC0];
	v23 =	vmul.f32 v17, v13;
	v17 =	vmul.f32 v21, v13  }
0x2c4: {  	vm1 =	vmmov vm0;
	s14 =	simm.s32 $0x0;
	v16 =	vmul.f32 $1.500000000e+01, v14;
	v26 =	vmul.f32 $1.500000000e+01, v19  }
0x2c5: {  	v40 =	vadd.s32 $0xB4, v6;
	s13 =	sor.u32 $0x3, s9;
	s18 =	sand.u32 $0x7E0, s14;
	v27 =	vld [tilespmem:s17+$0x10];
	v34 =	vmul.f32 $1.500000000e+01, v20;
	v32 =	vmul.f32 $1.500000000e+01, v22  }
0x2c6: {  	v24 =	vadd.s32 $0xB4, v2;
	p2 =	slt.u32 s13, s4;
	v21 =	vld [tilespmem:s18+$0x2D00];
	v18 =	vtrunc.f32 v16;
	v28 =	vtrunc.f32 v26  }
0x2c7: {  	vm1 =	vmneg @p2 vm1;
	v15 =	vmul.f32 v15, v13;
	v29 =	vcvt.f32.s32 v18  }
0x2c8: {  	vm2 =	veq.f32 v16, v18;
	v16 =	vmul.f32 v25, v13;
	v25 =	vmul.f32 $1.500000000e+01, v17  }
0x2c9: {  	v18 =	vcvt.f32.s32 v28;
	vm3 =	veq.f32 v26, v28;
	v28 =	vmul.f32 $1.500000000e+01, v23  }
0x2ca: {  	v26 =	vsel vm3, $0xFFFFFFFF, v9;
	v30 =	vsel vm2, $0xFFFFFFFF, v9;
	v31 =	vtrunc.f32 v25  }
0x2cb: {  	v33 =	vadd.s32 v18, v26;
	v18 =	vmul.f32 v21, v13;
	v21 =	vmul.f32 v27, v13  }
0x2cc: {  	v30 =	vadd.s32 v29, v30;
	v26 =	vtrunc.f32 v32;
	v27 =	vmul.f32 $1.500000000e+01, v15  }
0x2cd: {  	v38 =	vtrunc.f32 v28;
	v37 =	vcvt.f32.s32 v26;
	vm3 =	veq.f32 v32, v26  }
0x2ce: {  	v26 =	vcvt.f32.s32 v38;
	v39 =	vcvt.f32.s32 v31;
	vm4 =	veq.f32 v25, v31  }
0x2cf: {  	v36 =	vmul.f32 $1.500000000e+01, v21;
	v35 =	vtrunc.f32 v27;
	v32 =	vsel vm3, $0xFFFFFFFF, v9  }
0x2d0: {  	v29 =	vmul.f32 $1.500000000e+01, v18;
	vm3 =	veq.f32 v28, v38;
	v31 =	vadd.s32 v37, v32  }
0x2d1: {  	v63 =	vsel vm3, $0xFFFFFFFF, v9;
	v28 =	vtrunc.f32 v36;
	vm5 =	vgt.s32 v31, $0x0  }
0x2d2: {  	v26 =	vadd.s32 v26, v63;
	v25 =	vcvt.f32.s32 v28;
	vm3 =	veq.f32 v36, v28  }
0x2d3: {  	v31 =	vnsel vm5, $0x0, v31;
	v28 =	vsel vm3, $0xFFFFFFFF, v9;
	vm3 =	vgt.s32 v26, $0x0  }
0x2d4: {  	v25 =	vadd.s32 v25, v28;
	v28 =	vmin.u32 v31, $0xE;
	v26 =	vnsel vm3, $0x0, v26  }
0x2d5: {  	vm5 =	vgt.s32 v25, $0x0;
	v28 =	vadd.s32 v28, v8;
	v26 =	vmin.u32 v26, $0xE  }
0x2d6: {  	v25 =	vnsel vm5, $0x0, v25;
	v38 =	vadd.s32 $0x3C, v28;
	v28 =	vsel vm4, $0xFFFFFFFF, v9  }
0x2d7: {  	v26 =	vadd.s32 v26, v2;
	v25 =	vmin.u32 v25, $0xE;
	v28 =	vadd.s32 v39, v28  }
0x2d8: {  	vm2 =	vgt.s32 v30, $0x0;
	v37 =	vtrunc.f32 v29;
	vm3 =	veq.f32 v27, v35  }
0x2d9: {  	v31 =	vadd.s32 $0x78, v8;
	v27 =	vmovc v7;
	v39 =	vadd.s32 $0x3C, v26;
	vm4 =	vgt.s32 v28, $0x0  }
0x2da: {  	s16 =	simm.s32 $0x0;
	s17 =	simm.s32 $0x2D70;
	v36 =	vadd.s32 v25, v7;
	v32 =	vnsel vm4, $0x0, v28;
	v26 =	vmovc v6;
	v28 =	vmovc v8;
	v25 =	vmov v2  }
.LBB2_19:
0x2db: {  	v41 =	vld [tilespmem:s17+$0xFFFFFFF0];
	s16 =	sadd.s32 $0xA, s16;
	v42 =	vmin.u32 v32, $0xE;
	v43 =	vtrunc.f32 v34;
	v32 =	vadd.s32 $0x78, v27;
	s14 =	sadd.s32 $0xA0, s14  }
0x2dc: {  	v44 =	vld [tilespmem:s17+$0x20];
	s18 =	sand.u32 $0x7E0, s14;
	p3 =	slt.u32 s16, $0x5A;
	v42 =	vadd.s32 v27, v42;
	v45 =	vcvt.f32.s32 v43;
	vm4 =	veq.f32 v34, v43;
	v27 =	vmovc v24  }
0x2dd: {  	v24 =	vadd.s32 $0xB4, v32;
	v34 =	vmul.f32 $1.500000000e+01, v16;
	v43 =	vsel vm4, $0xFFFFFFFF, v9;
	[tilespmem:v38+s24+$0x0] =	vst.idx.add.f32.msk vm1, v10  }
0x2de: {  	v30 =	vnsel vm2, $0x0, v30;
	vm2 =	vgt.s32 v33, $0x0;
	[tilespmem:v39+s24+$0x0] =	vst.idx.add.f32.msk vm1, v10;
	v43 =	vadd.s32 v45, v43  }
0x2df: {  	v33 =	vnsel vm2, $0x0, v33;
	v46 =	vtrunc.f32 v34;
	v45 =	vld [tilespmem:s17+$0xFFFFFFC0];
	vm2 =	vgt.s32 v43, $0x0  }
0x2e0: {  	v33 =	vmin.u32 v33, $0xE;
	vm4 =	veq.f32 v34, v46;
	v47 =	vld [tilespmem:s17+$0xFFFFFFB0];
	v34 =	vnsel vm2, $0x0, v43  }
0x2e1: {  	v35 =	vcvt.f32.s32 v35;
	v33 =	vadd.s32 v28, v33;
	v28 =	vmovc v40;
	v43 =	vld [tilespmem:s17+$0xFFFFFFE0];
	v34 =	vmin.u32 v34, $0xE  }
0x2e2: {  	v48 =	vsel vm3, $0xFFFFFFFF, v9;
	v46 =	vcvt.f32.s32 v46;
	v40 =	vld [tilespmem:s17+$0x0];
	v34 =	vadd.s32 v34, v26  }
0x2e3: {  	v49 =	vsel vm4, $0xFFFFFFFF, v9;
	v34 =	vadd.s32 $0x3C, v34;
	[tilespmem:v38+s25+$0x0] =	vst.idx.add.f32.msk vm1, v22;
	v22 =	vadd.s32 v35, v48  }
0x2e4: {  	v30 =	vmin.u32 v30, $0xE;
	v35 =	vadd.s32 v46, v49;
	vm2 =	vgt.s32 v22, $0x0  }
0x2e5: {  	vm3 =	vgt.s32 v35, $0x0;
	v38 =	vmul.f32 v47, v13;
	[tilespmem:v39+s25+$0x0] =	vst.idx.add.f32.msk vm1, v23;
	v22 =	vnsel vm2, $0x0, v22  }
0x2e6: {  	v23 =	vnsel vm3, $0x0, v35;
	v39 =	vld [tilespmem:s17+$0xFFFFFFD0];
	v43 =	vmul.f32 v43, v13;
	v35 =	vmin.u32 v22, $0xE  }
0x2e7: {  	v46 =	vadd.s32 v25, v30;
	v22 =	vmul.f32 v44, v13;
	v23 =	vmin.u32 v23, $0xE;
	v44 =	vld [tilespmem:s17+$0x40]  }
0x2e8: {  	v48 =	vcvt.f32.s32 v37;
	v30 =	vmul.f32 $1.500000000e+01, v38;
	v47 =	vadd.s32 v26, v23;
	[tilespmem:v33+s24+$0x0] =	vst.idx.add.f32.msk vm1, v10  }
0x2e9: {  	vm2 =	veq.f32 v29, v37;
	v40 =	vmul.f32 v40, v13;
	v49 =	vmul.f32 $1.500000000e+01, v43;
	[tilespmem:v33+s25+$0x0] =	vst.idx.add.f32.msk vm1, v19  }
0x2ea: {  	v23 =	vmul.f32 v41, v13;
	v35 =	vadd.s32 v35, v26;
	v26 =	vmovc v31;
	v33 =	vsel vm2, $0xFFFFFFFF, v9;
	v19 =	vmovc v43;
	v29 =	vld [tilespmem:s17+$0x10]  }
0x2eb: {  	v36 =	vadd.s32 $0x3C, v36;
	v37 =	vtrunc.f32 v30;
	v41 =	vtrunc.f32 v49;
	[tilespmem:v34+s24+$0x0] =	vst.idx.add.f32.msk vm1, v10  }
0x2ec: {  	v35 =	vadd.s32 $0x78, v35;
	v39 =	vmul.f32 v39, v13;
	v43 =	vmul.f32 v44, v13;
	[tilespmem:v34+s25+$0x0] =	vst.idx.add.f32.msk vm1, v20  }
0x2ed: {  	vm2 =	veq.f32 v30, v37;
	v44 =	vcvt.f32.s32 v37;
	v37 =	vmul.f32 v45, v13;
	v20 =	vmovc v40;
	v30 =	vld [tilespmem:s18+$0x2D00]  }
0x2ee: {  	vm3 =	veq.f32 v49, v41;
	v40 =	vcvt.f32.s32 v41;
	v41 =	vadd.s32 v48, v33;
	[tilespmem:v47+s24+$0x0] =	vst.idx.add.f32.msk vm1, v10  }
0x2ef: {  	v33 =	vsel vm3, $0xFFFFFFFF, v9;
	v45 =	vmul.f32 $1.500000000e+01, v39;
	vm3 =	vgt.s32 v41, $0x0;
	[tilespmem:v42+s24+$0x0] =	vst.idx.add.f32.msk vm1, v10  }
0x2f0: {  	v49 =	vmul.f32 $1.500000000e+01, v23;
	v48 =	vsel vm2, $0xFFFFFFFF, v9;
	v34 =	vmul.f32 $1.500000000e+01, v20;
	[tilespmem:v36+s24+$0x0] =	vst.idx.add.f32.msk vm1, v10  }
0x2f1: {  	v33 =	vadd.s32 v40, v33;
	v50 =	vtrunc.f32 v45;
	[tilespmem:v36+s25+$0x0] =	vst.idx.add.f32.msk vm1, v21;
	v21 =	vnsel vm3, $0x0, v41  }
0x2f2: {  	v36 =	vmul.f32 $1.500000000e+01, v22;
	v40 =	vmul.f32 v30, v13;
	[tilespmem:v42+s25+$0x0] =	vst.idx.add.f32.msk vm1, v17;
	v41 =	vmin.u32 v21, $0xE;
	v17 =	vmovc v39  }
0x2f3: {  	v30 =	vadd.s32 v44, v48;
	v21 =	vmul.f32 v29, v13;
	v29 =	vadd.s32 v41, v25;
	v25 =	vmovc v32  }
0x2f4: {  	vm2 =	vgt.s32 v30, $0x0;
	v39 =	vtrunc.f32 v36;
	v41 =	vmul.f32 $1.500000000e+01, v43;
	[tilespmem:v35+s24+$0x0] =	vst.idx.add.f32.msk vm1, v10  }
0x2f5: {  	v42 =	vmul.f32 $1.500000000e+01, v21;
	v44 =	vcvt.f32.s32 v39;
	v48 =	vadd.s32 $0x78, v29;
	[tilespmem:v35+s25+$0x0] =	vst.idx.add.f32.msk vm1, v15;
	v15 =	vmovc v43  }
0x2f6: {  	vm3 =	veq.f32 v36, v39;
	v43 =	vtrunc.f32 v49;
	v35 =	vtrunc.f32 v41;
	[tilespmem:v47+s25+$0x0] =	vst.idx.add.f32.msk vm1, v16;
	v16 =	vmovc v37  }
0x2f7: {  	v29 =	vmul.f32 $1.500000000e+01, v40;
	v36 =	vcvt.f32.s32 v43;
	v37 =	vsel vm3, $0xFFFFFFFF, v9;
	[tilespmem:v46+s24+$0x0] =	vst.idx.add.f32.msk vm1, v10  }
0x2f8: {  	v39 =	vcvt.f32.s32 v50;
	vm3 =	veq.f32 v49, v43;
	v43 =	vtrunc.f32 v42;
	[tilespmem:v46+s25+$0x0] =	vst.idx.add.f32.msk vm1, v14;
	v14 =	vmovc v38  }
0x2f9: {  	vm4 =	veq.f32 v45, v50;
	v37 =	vadd.s32 v44, v37;
	v38 =	vcvt.f32.s32 v43  }
0x2fa: {  	v44 =	vsel vm3, $0xFFFFFFFF, v9;
	vm3 =	veq.f32 v42, v43;
	vm5 =	vgt.s32 v37, $0x0;
	[tilespmem:v48+s24+$0x0] =	vst.idx.add.f32.msk vm1, v10  }
0x2fb: {  	v36 =	vadd.s32 v36, v44;
	v42 =	vsel vm3, $0xFFFFFFFF, v9;
	v37 =	vnsel vm5, $0x0, v37;
	[tilespmem:v48+s25+$0x0] =	vst.idx.add.f32.msk vm1, v18;
	v18 =	vmovc v40  }
0x2fc: {  	v38 =	vadd.s32 v38, v42;
	v37 =	vmin.u32 v37, $0xE;
	v40 =	vadd.s32 $0xB4, v31  }
0x2fd: {  	vm3 =	vgt.s32 v36, $0x0;
	vm5 =	vgt.s32 v38, $0x0;
	v31 =	vadd.s32 v37, v28  }
.Ltmp8:
0x2fe: {  	v36 =	vnsel vm3, $0x0, v36;
	v37 =	vnsel vm5, $0x0, v38;
	v38 =	vadd.s32 $0x3C, v31;
	(pc) =	sbr.rel @p3 .LBB2_19-.Ltmp8, $4  }
0x2ff: {  	v36 =	vmin.u32 v36, $0xE;
	v31 =	vsel vm4, $0xFFFFFFFF, v9;
	v37 =	vmin.u32 v37, $0xE  }
0x300: {  	v32 =	vadd.s32 v36, v32;
	v31 =	vadd.s32 v39, v31;
	v36 =	vadd.s32 v37, v27  }
0x301: {  	vm3 =	veq.f32 v41, v35;
	v39 =	vadd.s32 $0x3C, v32;
	vm4 =	vgt.s32 v31, $0x0  }
0x302: {  	s17 =	sadd.s32 $0xA0, s17;
	v37 =	vtrunc.f32 v29;
	v32 =	vnsel vm4, $0x0, v31;
	v31 =	vadd.s32 $0x78, v28  }
0x303: {  	v24 =	vtrunc.f32 v34  }
0x304: {  	v44 =	vmul.f32 $1.500000000e+01, v16;
	vm13 =	vgt.s32 v33, $0x0;
	v48 =	vcvt.f32.s32 v35  }
0x305: {  	v49 =	vsel vm3, $0xFFFFFFFF, v9;
	v51 =	vmin.u32 v32, $0xE;
	v55 =	vadd.s32 $0x3C, v36  }
0x306: {  	v56 =	vcvt.f32.s32 v37;
	v31 =	vcvt.f32.s32 v24;
	vm4 =	veq.f32 v34, v24  }
0x307: {  	v33 =	vnsel vm13, $0x0, v33;
	v53 =	vadd.s32 v27, v51;
	v34 =	vsel vm4, $0xFFFFFFFF, v9  }
0x308: {  	[tilespmem:v38+s24+$0x0] =	vst.idx.add.f32.msk vm1, v10;
	v45 =	vtrunc.f32 v44;
	v33 =	vmin.u32 v33, $0xE;
	v31 =	vadd.s32 v31, v34  }
0x309: {  	[tilespmem:v39+s24+$0x0] =	vst.idx.add.f32.msk vm1, v10;
	vm5 =	veq.f32 v44, v45;
	v46 =	vcvt.f32.s32 v45;
	vm14 =	vgt.s32 v31, $0x0  }
0x30a: {  	[tilespmem:v38+s25+$0x0] =	vst.idx.add.f32.msk vm1, v22;
	v52 =	vadd.s32 v48, v49;
	v47 =	vsel vm5, $0xFFFFFFFF, v9;
	v31 =	vnsel vm14, $0x0, v31  }
0x30b: {  	[tilespmem:v39+s25+$0x0] =	vst.idx.add.f32.msk vm1, v23;
	v28 =	vadd.s32 v28, v33;
	v24 =	vadd.s32 v46, v47;
	v31 =	vmin.u32 v31, $0xE  }
0x30c: {  	vm3 =	vgt.s32 v52, $0x0;
	[tilespmem:v55+s24+$0x0] =	vst.idx.add.f32.msk vm1, v10;
	vm15 =	vgt.s32 v24, $0x0;
	v31 =	vadd.s32 v31, v26  }
0x30d: {  	v54 =	vnsel vm3, $0x0, v52;
	[tilespmem:v53+s24+$0x0] =	vst.idx.add.f32.msk vm1, v10;
	v24 =	vnsel vm15, $0x0, v24;
	v31 =	vadd.s32 $0x3C, v31  }
0x30e: {  	vm3 =	veq.f32 v29, v37;
	[tilespmem:v55+s25+$0x0] =	vst.idx.add.f32.msk vm1, v21;
	v50 =	vmin.u32 v24, $0xE;
	v24 =	vmin.u32 v54, $0xE  }
0x30f: {  	v57 =	vsel vm3, $0xFFFFFFFF, v9;
	[tilespmem:v53+s25+$0x0] =	vst.idx.add.f32.msk vm1, v17;
	v22 =	vadd.s32 v26, v50;
	v24 =	vadd.s32 v24, v26  }
0x310: {  	v60 =	vnsel vm2, $0x0, v30;
	v59 =	vadd.s32 v56, v57;
	[tilespmem:v28+s24+$0x0] =	vst.idx.add.f32.msk vm1, v10;
	v58 =	vadd.s32 $0x78, v24  }
0x311: {  	vm2 =	vgt.s32 v59, $0x0;
	[tilespmem:v28+s25+$0x0] =	vst.idx.add.f32.msk vm1, v19;
	v26 =	vmin.u32 v60, $0xE  }
0x312: {  	v24 =	vnsel vm2, $0x0, v59;
	v26 =	vadd.s32 v25, v26;
	[tilespmem:v31+s24+$0x0] =	vst.idx.add.f32.msk vm1, v10  }
0x313: {  	v61 =	vmin.u32 v24, $0xE;
	[tilespmem:v31+s25+$0x0] =	vst.idx.add.f32.msk vm1, v20  }
0x314: {  	v62 =	vadd.s32 v61, v25;
	[tilespmem:v22+s24+$0x0] =	vst.idx.add.f32.msk vm1, v10  }
0x315: {  	v17 =	vadd.s32 $0x78, v62;
	[tilespmem:v58+s24+$0x0] =	vst.idx.add.f32.msk vm1, v10  }
0x316: {  	[tilespmem:v22+s25+$0x0] =	vst.idx.add.f32.msk vm1, v16  }
0x317: {  	[tilespmem:v26+s24+$0x0] =	vst.idx.add.f32.msk vm1, v10  }
0x318: {  	[tilespmem:v58+s25+$0x0] =	vst.idx.add.f32.msk vm1, v15  }
0x319: {  	[tilespmem:v26+s25+$0x0] =	vst.idx.add.f32.msk vm1, v14  }
0x31a: {  	s13 =	sshll.u32 s13, $0x4;
	[tilespmem:v17+s24+$0x0] =	vst.idx.add.f32.msk vm1, v10  }
0x31b: {  	s13 =	sand.u32 $0x3FFFFFF0, s13;
	[tilespmem:v17+s25+$0x0] =	vst.idx.add.f32.msk vm1, v18  }
0x31c: {  	v14 =	vld [tilespmem:s13+$0x0];
	_ =	sdelay $0x4  }
0x31d: {  	vm2 =	vgt.s32 v14, $0x0  }
0x31e: {  	v14 =	vnsel vm2, $0x0, v14  }
0x31f: {  	v14 =	vmin.u32 v14, $0x63  }
0x320: {  	v15 =	vshll.u32 v14, $0x4  }
0x321: {  	v15 =	vor.u32 v0, v15;
	_ =	sdelay $0x4  }
0x322: {  	v15 =	vld.idx.msk [tilespmem:v15+s26+$0x0], $0xffff;
	_ =	sdelay $0x4  }
0x323: {  	v13 =	vmul.f32 v15, v13;
	_ =	sdelay $0x1  }
0x324: {  	v13 =	vmul.f32 $1.500000000e+01, v13;
	_ =	sdelay $0x1  }
0x325: {  	v15 =	vtrunc.f32 v13  }
0x326: {  	v63 =	vcvt.f32.s32 v15;
	vm2 =	veq.f32 v13, v15  }
0x327: {  	v13 =	vsel vm2, $0xFFFFFFFF, v9  }
0x328: {  	v13 =	vadd.s32 v63, v13  }
0x329: {  	vm2 =	vgt.s32 v13, $0x0  }
0x32a: {  	v15 =	vmul.u32 $0xF, v14;
	v13 =	vnsel vm2, $0x0, v13  }
0x32b: {  	v13 =	vmin.u32 v13, $0xE  }
0x32c: {  	v13 =	vadd.s32 v13, v15  }
0x32d: {  	v13 =	vadd.s32 v2, v13  }
.Ltmp9:
0x32e: {  	_ = 	snop;
	(pc) =	sbr.rel @p1 .LBB2_22-.Ltmp9, $4  }
0x32f: {  	_ = 	snop  }
0x330: {  	vm2 =	vgt.s32 v12, v14  }
0x331: {  	v14 =	vsel vm2, v12, v14  }
0x332: {  	v12 =	vpsel p2, v14, v12;
	[tilespmem:v13+s28+$0x0] =	vst.idx.add.f32.msk vm1, v10  }
0x333: {  	s9 =	sadd.s32 s9, s15  }
.Ltmp10:
0x334: {  	s9 =	sshll.u32 s9, $0x4;
	(pc) =	sbr.rel .LBB2_4-.Ltmp10, $4  }
0x335: {  	s9 =	smin.u32 s9, $0x18690  }
0x336: {  	s9 =	sshll.u32 s9, $0x4  }
0x337: {  	s8 =	sadd.s32 $0x1, s8;
	s9 =	sadd.s32 s3, s9  }
0x338: {  	[tilespmem:s22], [sflag:$0x4] =	stream.linear.gather [hbm4b:s9+s2], $0x800, $0x38;
	[tilespmem:$0x15700] =	vst v63  }
.LBB2_22:
0x339: {  	[tilespmem:$0x15680] =	vst v12;
	s7 =	simm.s32 $0x0;
	s8 =	rddreg [dreg:$0x6];
	s9 =	simm.s32 $0x15680  }
0x33a: {  	[hbm4b:s8+s7] =	stream.linear.scatter [tilespmem:s9], [sflag:$0x5], $0x10, $0x38;
	[tilespmem:$0x15700] =	vst v63  }
0x33b: {  	_ =	swait.ge [sflag:s1], $0x10  }
0x33c: {  	[sflag:s1] =	ssyncset.done $0x0  }
0x33d: {  	s8 =	simm.s32 $0x0;
	[sflag:s1] =	ssyncadd.s32 $0xFFFFFFF0  }
.LBB2_23:
0x33e: {  	p1 =	sne.s32 s8, $0x1FC0  }
.Ltmp11:
0x33f: {  	_ = 	snop;
	(pc) =	sbr.rel @p1 .LBB2_23-.Ltmp11, $3  }
0x340: {  	_ =	sdelay $0x1  }
0x341: {  	s9 =	sshra.s32 s8, $0x2  }
0x342: {  	s8 =	sadd.s32 $0x40, s8;
	[tilespmem:s9+$0x14E80] =	vst v3  }
0x343: {  	v11 =	vor.u32 s7, v0  }
0x344: {  	s14 =	simm.s32 $0x5E1  }
0x345: {  	v12 =	vadd.s32 s14, v0  }
0x346: {  	s16 =	simm.s32 $0xBC2  }
0x347: {  	v13 =	vadd.s32 s16, v0  }
0x348: {  	s17 =	simm.s32 $0x11A3;
	v11 =	vld.idx.msk [tilespmem:v11+s24+$0x0], $0xffff  }
0x349: {  	v14 =	vadd.s32 s17, v0  }
0x34a: {  	s18 =	simm.s32 $0x1784;
	v12 =	vld.idx.msk [tilespmem:v12+s24+$0x0], $0xffff  }
0x34b: {  	v15 =	vadd.s32 s18, v0  }
0x34c: {  	s8 =	simm.s32 $0x1D65;
	v13 =	vld.idx.msk [tilespmem:v13+s24+$0x0], $0xffff  }
0x34d: {  	v16 =	vadd.s32 s8, v0;
	v11 =	vadd.f32 $0.0e+00, v11  }
0x34e: {  	s9 =	simm.s32 $0x2346;
	v14 =	vld.idx.msk [tilespmem:v14+s24+$0x0], $0xffff  }
0x34f: {  	v17 =	vadd.s32 s9, v0;
	v11 =	vadd.f32 v12, v11  }
0x350: {  	s13 =	simm.s32 $0x2927;
	v12 =	vld.idx.msk [tilespmem:v15+s24+$0x0], $0xffff  }
0x351: {  	v15 =	vadd.s32 s13, v0;
	v11 =	vadd.f32 v13, v11  }
0x352: {  	s14 =	simm.s32 $0x2F08;
	v13 =	vld.idx.msk [tilespmem:v16+s24+$0x0], $0xffff  }
0x353: {  	v51 =	vadd.s32 s14, v0;
	v11 =	vadd.f32 v14, v11  }
0x354: {  	s16 =	simm.s32 $0x34E9;
	v14 =	vld.idx.msk [tilespmem:v17+s24+$0x0], $0xffff  }
0x355: {  	v52 =	vadd.s32 s16, v0;
	v11 =	vadd.f32 v12, v11  }
0x356: {  	s17 =	simm.s32 $0x3ACA;
	v12 =	vld.idx.msk [tilespmem:v15+s24+$0x0], $0xffff  }
0x357: {  	v15 =	vadd.s32 s17, v0;
	v11 =	vadd.f32 v13, v11  }
0x358: {  	s18 =	simm.s32 $0x40AB;
	v13 =	vld.idx.msk [tilespmem:v51+s24+$0x0], $0xffff  }
0x359: {  	v53 =	vadd.s32 s18, v0;
	v11 =	vadd.f32 v14, v11  }
0x35a: {  	s8 =	simm.s32 $0x468C;
	v14 =	vld.idx.msk [tilespmem:v52+s24+$0x0], $0xffff  }
0x35b: {  	v54 =	vadd.s32 s8, v0;
	v11 =	vadd.f32 v12, v11  }
0x35c: {  	s9 =	simm.s32 $0x4C6D;
	v12 =	vld.idx.msk [tilespmem:v15+s24+$0x0], $0xffff  }
0x35d: {  	v15 =	vadd.s32 s9, v0;
	v11 =	vadd.f32 v13, v11  }
0x35e: {  	s13 =	simm.s32 $0x524E;
	v13 =	vld.idx.msk [tilespmem:v53+s24+$0x0], $0xffff  }
0x35f: {  	v55 =	vadd.s32 s13, v0;
	v11 =	vadd.f32 v14, v11  }
0x360: {  	s14 =	simm.s32 $0x582F;
	v14 =	vld.idx.msk [tilespmem:v54+s24+$0x0], $0xffff  }
0x361: {  	v56 =	vadd.s32 s14, v0;
	v11 =	vadd.f32 v12, v11  }
0x362: {  	v12 =	vld.idx.msk [tilespmem:v15+s24+$0x0], $0xffff  }
0x363: {  	v11 =	vadd.f32 v13, v11  }
0x364: {  	v13 =	vld.idx.msk [tilespmem:v55+s24+$0x0], $0xffff  }
0x365: {  	v11 =	vadd.f32 v14, v11  }
0x366: {  	v14 =	vld.idx.msk [tilespmem:v56+s24+$0x0], $0xffff  }
0x367: {  	v11 =	vadd.f32 v12, v11  }
0x368: {  	s16 =	simm.s32 $0x10  }
0x369: {  	v12 =	vor.u32 s16, v0;
	v11 =	vadd.f32 v13, v11  }
0x36a: {  	s17 =	simm.s32 $0x5F1  }
0x36b: {  	v13 =	vadd.s32 s17, v0;
	v11 =	vadd.f32 v14, v11  }
0x36c: {  	s7 =	simm.s32 $0x14E80;
	s8 =	simm.s32 $0xBD2  }
0x36d: {  	v14 =	vadd.s32 s8, v0;
	[tilespmem:s7+$0x0] =	vst v11  }
0x36e: {  	s18 =	simm.s32 $0x11B3;
	v11 =	vld.idx.msk [tilespmem:v12+s24+$0x0], $0xffff  }
0x36f: {  	v12 =	vadd.s32 s18, v0  }
0x370: {  	s9 =	simm.s32 $0x1794;
	v13 =	vld.idx.msk [tilespmem:v13+s24+$0x0], $0xffff  }
0x371: {  	v15 =	vadd.s32 s9, v0  }
0x372: {  	s13 =	simm.s32 $0x1D75;
	v14 =	vld.idx.msk [tilespmem:v14+s24+$0x0], $0xffff  }
0x373: {  	v57 =	vadd.s32 s13, v0;
	v11 =	vadd.f32 $0.0e+00, v11  }
0x374: {  	s14 =	simm.s32 $0x2356;
	v12 =	vld.idx.msk [tilespmem:v12+s24+$0x0], $0xffff  }
0x375: {  	v58 =	vadd.s32 s14, v0;
	v11 =	vadd.f32 v13, v11  }
0x376: {  	s16 =	simm.s32 $0x2937;
	v13 =	vld.idx.msk [tilespmem:v15+s24+$0x0], $0xffff  }
0x377: {  	v15 =	vadd.s32 s16, v0;
	v11 =	vadd.f32 v14, v11  }
0x378: {  	s17 =	simm.s32 $0x2F18;
	v14 =	vld.idx.msk [tilespmem:v57+s24+$0x0], $0xffff  }
0x379: {  	v59 =	vadd.s32 s17, v0;
	v11 =	vadd.f32 v12, v11  }
0x37a: {  	s18 =	simm.s32 $0x34F9;
	v12 =	vld.idx.msk [tilespmem:v58+s24+$0x0], $0xffff  }
0x37b: {  	v60 =	vadd.s32 s18, v0;
	v11 =	vadd.f32 v13, v11  }
0x37c: {  	s9 =	simm.s32 $0x3ADA;
	v13 =	vld.idx.msk [tilespmem:v15+s24+$0x0], $0xffff  }
0x37d: {  	v15 =	vadd.s32 s9, v0;
	v11 =	vadd.f32 v14, v11  }
0x37e: {  	s13 =	simm.s32 $0x40BB;
	v14 =	vld.idx.msk [tilespmem:v59+s24+$0x0], $0xffff  }
0x37f: {  	v61 =	vadd.s32 s13, v0;
	v11 =	vadd.f32 v12, v11  }
0x380: {  	v12 =	vld.idx.msk [tilespmem:v60+s24+$0x0], $0xffff  }
0x381: {  	v11 =	vadd.f32 v13, v11  }
0x382: {  	s14 =	simm.s32 $0x469C;
	v13 =	vld.idx.msk [tilespmem:v15+s24+$0x0], $0xffff  }
0x383: {  	v62 =	vadd.s32 s14, v0;
	v11 =	vadd.f32 v14, v11  }
0x384: {  	s16 =	simm.s32 $0x4C7D;
	v14 =	vld.idx.msk [tilespmem:v61+s24+$0x0], $0xffff  }
0x385: {  	v15 =	vadd.s32 s16, v0;
	v11 =	vadd.f32 v12, v11  }
0x386: {  	s17 =	simm.s32 $0x525E  }
0x387: {  	v63 =	vadd.s32 s17, v0;
	v11 =	vadd.f32 v13, v11  }
0x388: {  	s18 =	simm.s32 $0x583F;
	v12 =	vld.idx.msk [tilespmem:v62+s24+$0x0], $0xffff  }
0x389: {  	v11 =	vadd.f32 v14, v11;
	v14 =	vadd.s32 s18, v0  }
0x38a: {  	v13 =	vld.idx.msk [tilespmem:v15+s24+$0x0], $0xffff;
	_ =	sdelay $0x1  }
0x38b: {  	v15 =	vld.idx.msk [tilespmem:v63+s24+$0x0], $0xffff  }
0x38c: {  	v11 =	vadd.f32 v12, v11  }
0x38d: {  	v12 =	vld.idx.msk [tilespmem:v14+s24+$0x0], $0xffff  }
0x38e: {  	v13 =	vadd.f32 v13, v11  }
0x38f: {  	s8 =	simm.s32 $0x20  }
0x390: {  	s9 =	simm.s32 $0x30;
	v11 =	vor.u32 s8, v0;
	v13 =	vadd.f32 v15, v13  }
.LBB2_25:
0x391: {  	p1 =	sne.s32 s9, $0x5D0;
	s13 =	sadd.s32 $0x5E1, s8  }
0x392: {  	v14 =	vadd.s32 s13, v0;
	v12 =	vadd.f32 v12, v13  }
0x393: {  	s7 =	sadd.s32 $0x10, s7;
	s13 =	sadd.s32 $0xBC2, s8  }
0x394: {  	v13 =	vadd.s32 s13, v0;
	[tilespmem:s7+$0x0] =	vst v12  }
0x395: {  	s13 =	sadd.s32 $0x11A3, s8;
	v11 =	vld.idx.msk [tilespmem:v11+s24+$0x0], $0xffff  }
0x396: {  	v12 =	vadd.s32 s13, v0  }
0x397: {  	s13 =	sadd.s32 $0x1784, s8;
	v14 =	vld.idx.msk [tilespmem:v14+s24+$0x0], $0xffff  }
0x398: {  	v15 =	vadd.s32 s13, v0  }
0x399: {  	s13 =	sadd.s32 $0x1D65, s8;
	v13 =	vld.idx.msk [tilespmem:v13+s24+$0x0], $0xffff  }
0x39a: {  	v16 =	vadd.s32 s13, v0  }
0x39b: {  	s13 =	sadd.s32 $0x2346, s8;
	v11 =	vadd.f32 $0.0e+00, v11;
	v12 =	vld.idx.msk [tilespmem:v12+s24+$0x0], $0xffff  }
0x39c: {  	v17 =	vadd.s32 s13, v0  }
0x39d: {  	s13 =	sadd.s32 $0x2927, s8;
	v11 =	vadd.f32 v14, v11;
	v14 =	vld.idx.msk [tilespmem:v15+s24+$0x0], $0xffff  }
0x39e: {  	v15 =	vadd.s32 s13, v0  }
0x39f: {  	s13 =	sadd.s32 $0x2F08, s8;
	v11 =	vadd.f32 v13, v11;
	v13 =	vld.idx.msk [tilespmem:v16+s24+$0x0], $0xffff  }
0x3a0: {  	v16 =	vadd.s32 s13, v0  }
0x3a1: {  	s13 =	sadd.s32 $0x34E9, s8;
	v11 =	vadd.f32 v12, v11;
	v12 =	vld.idx.msk [tilespmem:v17+s24+$0x0], $0xffff  }
0x3a2: {  	v17 =	vadd.s32 s13, v0  }
0x3a3: {  	s13 =	sadd.s32 $0x3ACA, s8;
	v11 =	vadd.f32 v14, v11;
	v14 =	vld.idx.msk [tilespmem:v15+s24+$0x0], $0xffff  }
0x3a4: {  	v15 =	vadd.s32 s13, v0  }
0x3a5: {  	s13 =	sadd.s32 $0x40AB, s8;
	v11 =	vadd.f32 v13, v11;
	v13 =	vld.idx.msk [tilespmem:v16+s24+$0x0], $0xffff  }
0x3a6: {  	v16 =	vadd.s32 s13, v0  }
0x3a7: {  	s13 =	sadd.s32 $0x468C, s8;
	v11 =	vadd.f32 v12, v11;
	v12 =	vld.idx.msk [tilespmem:v17+s24+$0x0], $0xffff  }
0x3a8: {  	v17 =	vadd.s32 s13, v0  }
0x3a9: {  	s13 =	sadd.s32 $0x4C6D, s8;
	v11 =	vadd.f32 v14, v11;
	v14 =	vld.idx.msk [tilespmem:v15+s24+$0x0], $0xffff  }
0x3aa: {  	v15 =	vadd.s32 s13, v0  }
0x3ab: {  	s13 =	sadd.s32 $0x524E, s8;
	v11 =	vadd.f32 v13, v11;
	v13 =	vld.idx.msk [tilespmem:v16+s24+$0x0], $0xffff  }
0x3ac: {  	v16 =	vadd.s32 s13, v0  }
0x3ad: {  	s13 =	sadd.s32 $0x582F, s8;
	s8 =	smov.u32 s9;
	v11 =	vadd.f32 v12, v11;
	v12 =	vld.idx.msk [tilespmem:v17+s24+$0x0], $0xffff  }
0x3ae: {  	v17 =	vadd.s32 s13, v0  }
0x3af: {  	v11 =	vadd.f32 v14, v11;
	v14 =	vld.idx.msk [tilespmem:v15+s24+$0x0], $0xffff;
	_ =	sdelay $0x1  }
0x3b0: {  	v11 =	vadd.f32 v13, v11;
	v13 =	vld.idx.msk [tilespmem:v16+s24+$0x0], $0xffff;
	_ =	sdelay $0x1  }
.Ltmp12:
0x3b1: {  	v11 =	vadd.f32 v12, v11;
	v12 =	vld.idx.msk [tilespmem:v17+s24+$0x0], $0xffff;
	(pc) =	sbr.rel @p1 .LBB2_25-.Ltmp12, $3  }
0x3b2: {  	_ = 	snop  }
0x3b3: {  	v14 =	vadd.f32 v14, v11;
	_ =	sdelay $0x1  }
0x3b4: {  	s9 =	sadd.s32 $0x10, s9;
	v11 =	vor.u32 s8, v0;
	v13 =	vadd.f32 v13, v14  }
0x3b5: {  	s9 =	sadd.s32 $0x5E1, s8  }
0x3b6: {  	v14 =	vadd.s32 s9, v0;
	v12 =	vadd.f32 v12, v13  }
0x3b7: {  	s17 =	sadd.s32 $0xBC2, s8;
	s7 =	sadd.s32 $0x10, s7  }
0x3b8: {  	v13 =	vadd.s32 s17, v0;
	[tilespmem:s7+$0x0] =	vst v12  }
0x3b9: {  	s18 =	sadd.s32 $0x11A3, s8;
	v11 =	vld.idx.msk [tilespmem:v11+s24+$0x0], $0xffff  }
0x3ba: {  	v12 =	vadd.s32 s18, v0  }
0x3bb: {  	s13 =	sadd.s32 $0x1784, s8;
	v14 =	vld.idx.msk [tilespmem:v14+s24+$0x0], $0xffff  }
0x3bc: {  	v15 =	vadd.s32 s13, v0  }
0x3bd: {  	s14 =	sadd.s32 $0x1D65, s8;
	v13 =	vld.idx.msk [tilespmem:v13+s24+$0x0], $0xffff  }
0x3be: {  	v16 =	vadd.s32 s14, v0;
	v11 =	vadd.f32 $0.0e+00, v11  }
0x3bf: {  	s16 =	sadd.s32 $0x2346, s8;
	v12 =	vld.idx.msk [tilespmem:v12+s24+$0x0], $0xffff  }
0x3c0: {  	v17 =	vadd.s32 s16, v0;
	v11 =	vadd.f32 v14, v11  }
0x3c1: {  	s17 =	sadd.s32 $0x2927, s8;
	v14 =	vld.idx.msk [tilespmem:v15+s24+$0x0], $0xffff  }
0x3c2: {  	v15 =	vadd.s32 s17, v0;
	v11 =	vadd.f32 v13, v11  }
0x3c3: {  	s18 =	sadd.s32 $0x2F08, s8;
	v13 =	vld.idx.msk [tilespmem:v16+s24+$0x0], $0xffff  }
0x3c4: {  	v43 =	vadd.s32 s18, v0;
	v11 =	vadd.f32 v12, v11  }
0x3c5: {  	s13 =	sadd.s32 $0x34E9, s8;
	v12 =	vld.idx.msk [tilespmem:v17+s24+$0x0], $0xffff  }
0x3c6: {  	v44 =	vadd.s32 s13, v0;
	v11 =	vadd.f32 v14, v11  }
0x3c7: {  	s14 =	sadd.s32 $0x3ACA, s8;
	v14 =	vld.idx.msk [tilespmem:v15+s24+$0x0], $0xffff  }
0x3c8: {  	v15 =	vadd.s32 s14, v0;
	v11 =	vadd.f32 v13, v11  }
0x3c9: {  	s16 =	sadd.s32 $0x40AB, s8;
	v13 =	vld.idx.msk [tilespmem:v43+s24+$0x0], $0xffff  }
0x3ca: {  	v45 =	vadd.s32 s16, v0;
	v11 =	vadd.f32 v12, v11  }
0x3cb: {  	s17 =	sadd.s32 $0x468C, s8;
	v12 =	vld.idx.msk [tilespmem:v44+s24+$0x0], $0xffff  }
0x3cc: {  	v46 =	vadd.s32 s17, v0;
	v11 =	vadd.f32 v14, v11  }
0x3cd: {  	s18 =	sadd.s32 $0x4C6D, s8;
	v14 =	vld.idx.msk [tilespmem:v15+s24+$0x0], $0xffff  }
0x3ce: {  	v15 =	vadd.s32 s18, v0;
	v11 =	vadd.f32 v13, v11  }
0x3cf: {  	s13 =	sadd.s32 $0x524E, s8;
	v13 =	vld.idx.msk [tilespmem:v45+s24+$0x0], $0xffff  }
0x3d0: {  	v47 =	vadd.s32 s13, v0;
	v11 =	vadd.f32 v12, v11  }
0x3d1: {  	s14 =	sadd.s32 $0x582F, s8;
	v12 =	vld.idx.msk [tilespmem:v46+s24+$0x0], $0xffff  }
0x3d2: {  	v48 =	vadd.s32 s14, v0;
	v11 =	vadd.f32 v14, v11  }
0x3d3: {  	v14 =	vld.idx.msk [tilespmem:v15+s24+$0x0], $0xffff  }
0x3d4: {  	v11 =	vadd.f32 v13, v11  }
0x3d5: {  	v13 =	vld.idx.msk [tilespmem:v47+s24+$0x0], $0xffff  }
0x3d6: {  	v11 =	vadd.f32 v12, v11  }
0x3d7: {  	v12 =	vld.idx.msk [tilespmem:v48+s24+$0x0], $0xffff  }
0x3d8: {  	v11 =	vadd.f32 v14, v11;
	_ =	sdelay $0x1  }
0x3d9: {  	v11 =	vadd.f32 v13, v11;
	_ =	sdelay $0x1  }
0x3da: {  	v11 =	vadd.f32 v12, v11  }
0x3db: {  	s16 =	simm.s32 $0x0;
	s7 =	sadd.s32 $0x10, s7  }
0x3dc: {  	s17 =	rddreg [dreg:$0x7];
	s18 =	simm.s32 $0x5E1;
	[tilespmem:s7+$0x0] =	vst v11;
	s7 =	simm.s32 $0x14E80;
	v11 =	vor.u32 s16, v0  }
0x3dd: {  	[hbm4b:s17+s16] =	stream.linear.scatter [tilespmem:s7], [sflag:$0x5], $0x800, $0x38;
	[tilespmem:$0x15700] =	vst v63  }
0x3de: {  	v12 =	vadd.s32 s18, v0;
	_ =	swait.ge [sflag:s1], $0x800  }
0x3df: {  	s9 =	simm.s32 $0xBC2;
	[sflag:s1] =	ssyncset.done $0x0  }
0x3e0: {  	v13 =	vadd.s32 s9, v0;
	[sflag:s1] =	ssyncadd.s32 $0xFFFFF800  }
0x3e1: {  	s13 =	simm.s32 $0x11A3;
	v11 =	vld.idx.msk [tilespmem:v11+s25+$0x0], $0xffff  }
0x3e2: {  	v14 =	vadd.s32 s13, v0  }
0x3e3: {  	s14 =	simm.s32 $0x1784;
	v12 =	vld.idx.msk [tilespmem:v12+s25+$0x0], $0xffff  }
0x3e4: {  	v15 =	vadd.s32 s14, v0  }
0x3e5: {  	s16 =	simm.s32 $0x1D65;
	v13 =	vld.idx.msk [tilespmem:v13+s25+$0x0], $0xffff  }
0x3e6: {  	v49 =	vadd.s32 s16, v0;
	v11 =	vadd.f32 $0.0e+00, v11  }
0x3e7: {  	s17 =	simm.s32 $0x2346;
	v14 =	vld.idx.msk [tilespmem:v14+s25+$0x0], $0xffff  }
0x3e8: {  	v50 =	vadd.s32 s17, v0;
	v11 =	vadd.f32 v12, v11  }
0x3e9: {  	s18 =	simm.s32 $0x2927;
	v12 =	vld.idx.msk [tilespmem:v15+s25+$0x0], $0xffff  }
0x3ea: {  	v15 =	vadd.s32 s18, v0;
	v11 =	vadd.f32 v13, v11  }
0x3eb: {  	s9 =	simm.s32 $0x2F08;
	v13 =	vld.idx.msk [tilespmem:v49+s25+$0x0], $0xffff  }
0x3ec: {  	v51 =	vadd.s32 s9, v0;
	v11 =	vadd.f32 v14, v11  }
0x3ed: {  	s13 =	simm.s32 $0x34E9;
	v14 =	vld.idx.msk [tilespmem:v50+s25+$0x0], $0xffff  }
0x3ee: {  	v52 =	vadd.s32 s13, v0;
	v11 =	vadd.f32 v12, v11  }
0x3ef: {  	s14 =	simm.s32 $0x3ACA;
	v12 =	vld.idx.msk [tilespmem:v15+s25+$0x0], $0xffff  }
0x3f0: {  	v15 =	vadd.s32 s14, v0;
	v11 =	vadd.f32 v13, v11  }
0x3f1: {  	s16 =	simm.s32 $0x40AB;
	v13 =	vld.idx.msk [tilespmem:v51+s25+$0x0], $0xffff  }
0x3f2: {  	v53 =	vadd.s32 s16, v0;
	v11 =	vadd.f32 v14, v11  }
0x3f3: {  	s17 =	simm.s32 $0x468C;
	v14 =	vld.idx.msk [tilespmem:v52+s25+$0x0], $0xffff  }
0x3f4: {  	v54 =	vadd.s32 s17, v0;
	v11 =	vadd.f32 v12, v11  }
0x3f5: {  	s18 =	simm.s32 $0x4C6D;
	v12 =	vld.idx.msk [tilespmem:v15+s25+$0x0], $0xffff  }
0x3f6: {  	v15 =	vadd.s32 s18, v0;
	v11 =	vadd.f32 v13, v11  }
0x3f7: {  	s9 =	simm.s32 $0x524E;
	v13 =	vld.idx.msk [tilespmem:v53+s25+$0x0], $0xffff  }
0x3f8: {  	v55 =	vadd.s32 s9, v0;
	v11 =	vadd.f32 v14, v11  }
0x3f9: {  	s13 =	simm.s32 $0x582F;
	v14 =	vld.idx.msk [tilespmem:v54+s25+$0x0], $0xffff  }
0x3fa: {  	v56 =	vadd.s32 s13, v0;
	v11 =	vadd.f32 v12, v11  }
0x3fb: {  	v12 =	vld.idx.msk [tilespmem:v15+s25+$0x0], $0xffff  }
0x3fc: {  	v11 =	vadd.f32 v13, v11  }
0x3fd: {  	v13 =	vld.idx.msk [tilespmem:v55+s25+$0x0], $0xffff  }
0x3fe: {  	v11 =	vadd.f32 v14, v11  }
0x3ff: {  	v14 =	vld.idx.msk [tilespmem:v56+s25+$0x0], $0xffff  }
0x400: {  	v11 =	vadd.f32 v12, v11  }
0x401: {  	s14 =	simm.s32 $0x10  }
0x402: {  	v12 =	vor.u32 s14, v0;
	v11 =	vadd.f32 v13, v11  }
0x403: {  	s16 =	simm.s32 $0x5F1  }
0x404: {  	v13 =	vadd.s32 s16, v0;
	v11 =	vadd.f32 v14, v11  }
0x405: {  	s17 =	simm.s32 $0xBD2  }
0x406: {  	v14 =	vadd.s32 s17, v0;
	[tilespmem:s7+$0x0] =	vst v11  }
0x407: {  	s18 =	simm.s32 $0x11B3;
	v11 =	vld.idx.msk [tilespmem:v12+s25+$0x0], $0xffff  }
0x408: {  	v12 =	vadd.s32 s18, v0  }
0x409: {  	s9 =	simm.s32 $0x1794;
	v13 =	vld.idx.msk [tilespmem:v13+s25+$0x0], $0xffff  }
0x40a: {  	v15 =	vadd.s32 s9, v0  }
0x40b: {  	s13 =	simm.s32 $0x1D75;
	v14 =	vld.idx.msk [tilespmem:v14+s25+$0x0], $0xffff  }
0x40c: {  	v57 =	vadd.s32 s13, v0;
	v11 =	vadd.f32 $0.0e+00, v11  }
0x40d: {  	s14 =	simm.s32 $0x2356;
	v12 =	vld.idx.msk [tilespmem:v12+s25+$0x0], $0xffff  }
0x40e: {  	v58 =	vadd.s32 s14, v0;
	v11 =	vadd.f32 v13, v11  }
0x40f: {  	s16 =	simm.s32 $0x2937;
	v13 =	vld.idx.msk [tilespmem:v15+s25+$0x0], $0xffff  }
0x410: {  	v15 =	vadd.s32 s16, v0;
	v11 =	vadd.f32 v14, v11  }
0x411: {  	s17 =	simm.s32 $0x2F18;
	v14 =	vld.idx.msk [tilespmem:v57+s25+$0x0], $0xffff  }
0x412: {  	v59 =	vadd.s32 s17, v0;
	v11 =	vadd.f32 v12, v11  }
0x413: {  	s18 =	simm.s32 $0x34F9;
	v12 =	vld.idx.msk [tilespmem:v58+s25+$0x0], $0xffff  }
0x414: {  	v60 =	vadd.s32 s18, v0;
	v11 =	vadd.f32 v13, v11  }
0x415: {  	s9 =	simm.s32 $0x3ADA;
	v13 =	vld.idx.msk [tilespmem:v15+s25+$0x0], $0xffff  }
0x416: {  	v15 =	vadd.s32 s9, v0;
	v11 =	vadd.f32 v14, v11  }
0x417: {  	s13 =	simm.s32 $0x40BB;
	v14 =	vld.idx.msk [tilespmem:v59+s25+$0x0], $0xffff  }
0x418: {  	v61 =	vadd.s32 s13, v0;
	v11 =	vadd.f32 v12, v11  }
0x419: {  	v12 =	vld.idx.msk [tilespmem:v60+s25+$0x0], $0xffff  }
0x41a: {  	v11 =	vadd.f32 v13, v11  }
0x41b: {  	s14 =	simm.s32 $0x469C;
	v13 =	vld.idx.msk [tilespmem:v15+s25+$0x0], $0xffff  }
0x41c: {  	v62 =	vadd.s32 s14, v0;
	v11 =	vadd.f32 v14, v11  }
0x41d: {  	s16 =	simm.s32 $0x4C7D;
	v14 =	vld.idx.msk [tilespmem:v61+s25+$0x0], $0xffff  }
0x41e: {  	v15 =	vadd.s32 s16, v0;
	v11 =	vadd.f32 v12, v11  }
0x41f: {  	s17 =	simm.s32 $0x525E  }
0x420: {  	v63 =	vadd.s32 s17, v0;
	v11 =	vadd.f32 v13, v11  }
0x421: {  	s18 =	simm.s32 $0x583F;
	v12 =	vld.idx.msk [tilespmem:v62+s25+$0x0], $0xffff  }
0x422: {  	v11 =	vadd.f32 v14, v11;
	v14 =	vadd.s32 s18, v0  }
0x423: {  	v13 =	vld.idx.msk [tilespmem:v15+s25+$0x0], $0xffff;
	_ =	sdelay $0x1  }
0x424: {  	v15 =	vld.idx.msk [tilespmem:v63+s25+$0x0], $0xffff  }
0x425: {  	v11 =	vadd.f32 v12, v11  }
0x426: {  	v12 =	vld.idx.msk [tilespmem:v14+s25+$0x0], $0xffff  }
0x427: {  	v13 =	vadd.f32 v13, v11  }
0x428: {  	s8 =	simm.s32 $0x20  }
0x429: {  	s9 =	simm.s32 $0x30;
	v11 =	vor.u32 s8, v0;
	v13 =	vadd.f32 v15, v13  }
.LBB2_27:
0x42a: {  	p1 =	sne.s32 s9, $0x5D0;
	s13 =	sadd.s32 $0x5E1, s8  }
0x42b: {  	v14 =	vadd.s32 s13, v0;
	v12 =	vadd.f32 v12, v13  }
0x42c: {  	s7 =	sadd.s32 $0x10, s7;
	s13 =	sadd.s32 $0xBC2, s8  }
0x42d: {  	v13 =	vadd.s32 s13, v0;
	[tilespmem:s7+$0x0] =	vst v12  }
0x42e: {  	s13 =	sadd.s32 $0x11A3, s8;
	v11 =	vld.idx.msk [tilespmem:v11+s25+$0x0], $0xffff  }
0x42f: {  	v12 =	vadd.s32 s13, v0  }
0x430: {  	s13 =	sadd.s32 $0x1784, s8;
	v14 =	vld.idx.msk [tilespmem:v14+s25+$0x0], $0xffff  }
0x431: {  	v15 =	vadd.s32 s13, v0  }
0x432: {  	s13 =	sadd.s32 $0x1D65, s8;
	v13 =	vld.idx.msk [tilespmem:v13+s25+$0x0], $0xffff  }
0x433: {  	v16 =	vadd.s32 s13, v0  }
0x434: {  	s13 =	sadd.s32 $0x2346, s8;
	v11 =	vadd.f32 $0.0e+00, v11;
	v12 =	vld.idx.msk [tilespmem:v12+s25+$0x0], $0xffff  }
0x435: {  	v17 =	vadd.s32 s13, v0  }
0x436: {  	s13 =	sadd.s32 $0x2927, s8;
	v11 =	vadd.f32 v14, v11;
	v14 =	vld.idx.msk [tilespmem:v15+s25+$0x0], $0xffff  }
0x437: {  	v15 =	vadd.s32 s13, v0  }
0x438: {  	s13 =	sadd.s32 $0x2F08, s8;
	v11 =	vadd.f32 v13, v11;
	v13 =	vld.idx.msk [tilespmem:v16+s25+$0x0], $0xffff  }
0x439: {  	v16 =	vadd.s32 s13, v0  }
0x43a: {  	s13 =	sadd.s32 $0x34E9, s8;
	v11 =	vadd.f32 v12, v11;
	v12 =	vld.idx.msk [tilespmem:v17+s25+$0x0], $0xffff  }
0x43b: {  	v17 =	vadd.s32 s13, v0  }
0x43c: {  	s13 =	sadd.s32 $0x3ACA, s8;
	v11 =	vadd.f32 v14, v11;
	v14 =	vld.idx.msk [tilespmem:v15+s25+$0x0], $0xffff  }
0x43d: {  	v15 =	vadd.s32 s13, v0  }
0x43e: {  	s13 =	sadd.s32 $0x40AB, s8;
	v11 =	vadd.f32 v13, v11;
	v13 =	vld.idx.msk [tilespmem:v16+s25+$0x0], $0xffff  }
0x43f: {  	v16 =	vadd.s32 s13, v0  }
0x440: {  	s13 =	sadd.s32 $0x468C, s8;
	v11 =	vadd.f32 v12, v11;
	v12 =	vld.idx.msk [tilespmem:v17+s25+$0x0], $0xffff  }
0x441: {  	v17 =	vadd.s32 s13, v0  }
0x442: {  	s13 =	sadd.s32 $0x4C6D, s8;
	v11 =	vadd.f32 v14, v11;
	v14 =	vld.idx.msk [tilespmem:v15+s25+$0x0], $0xffff  }
0x443: {  	v15 =	vadd.s32 s13, v0  }
0x444: {  	s13 =	sadd.s32 $0x524E, s8;
	v11 =	vadd.f32 v13, v11;
	v13 =	vld.idx.msk [tilespmem:v16+s25+$0x0], $0xffff  }
0x445: {  	v16 =	vadd.s32 s13, v0  }
0x446: {  	s13 =	sadd.s32 $0x582F, s8;
	s8 =	smov.u32 s9;
	v11 =	vadd.f32 v12, v11;
	v12 =	vld.idx.msk [tilespmem:v17+s25+$0x0], $0xffff  }
0x447: {  	v17 =	vadd.s32 s13, v0  }
0x448: {  	v11 =	vadd.f32 v14, v11;
	v14 =	vld.idx.msk [tilespmem:v15+s25+$0x0], $0xffff;
	_ =	sdelay $0x1  }
0x449: {  	v11 =	vadd.f32 v13, v11;
	v13 =	vld.idx.msk [tilespmem:v16+s25+$0x0], $0xffff;
	_ =	sdelay $0x1  }
.Ltmp13:
0x44a: {  	v11 =	vadd.f32 v12, v11;
	v12 =	vld.idx.msk [tilespmem:v17+s25+$0x0], $0xffff;
	(pc) =	sbr.rel @p1 .LBB2_27-.Ltmp13, $3  }
0x44b: {  	_ = 	snop  }
0x44c: {  	v14 =	vadd.f32 v14, v11;
	_ =	sdelay $0x1  }
0x44d: {  	s9 =	sadd.s32 $0x10, s9;
	v11 =	vor.u32 s8, v0;
	v13 =	vadd.f32 v13, v14  }
0x44e: {  	s9 =	sadd.s32 $0x5E1, s8  }
0x44f: {  	v14 =	vadd.s32 s9, v0;
	v12 =	vadd.f32 v12, v13  }
0x450: {  	s17 =	sadd.s32 $0xBC2, s8;
	s7 =	sadd.s32 $0x10, s7  }
0x451: {  	v13 =	vadd.s32 s17, v0;
	[tilespmem:s7+$0x0] =	vst v12  }
0x452: {  	s18 =	sadd.s32 $0x11A3, s8;
	v11 =	vld.idx.msk [tilespmem:v11+s25+$0x0], $0xffff  }
0x453: {  	v12 =	vadd.s32 s18, v0  }
0x454: {  	s13 =	sadd.s32 $0x1784, s8;
	v14 =	vld.idx.msk [tilespmem:v14+s25+$0x0], $0xffff  }
0x455: {  	v15 =	vadd.s32 s13, v0  }
0x456: {  	s14 =	sadd.s32 $0x1D65, s8;
	v13 =	vld.idx.msk [tilespmem:v13+s25+$0x0], $0xffff  }
0x457: {  	v16 =	vadd.s32 s14, v0;
	v11 =	vadd.f32 $0.0e+00, v11  }
0x458: {  	s16 =	sadd.s32 $0x2346, s8;
	v12 =	vld.idx.msk [tilespmem:v12+s25+$0x0], $0xffff  }
0x459: {  	v17 =	vadd.s32 s16, v0;
	v11 =	vadd.f32 v14, v11  }
0x45a: {  	s17 =	sadd.s32 $0x2927, s8;
	v14 =	vld.idx.msk [tilespmem:v15+s25+$0x0], $0xffff  }
0x45b: {  	v15 =	vadd.s32 s17, v0;
	v11 =	vadd.f32 v13, v11  }
0x45c: {  	s18 =	sadd.s32 $0x2F08, s8;
	v13 =	vld.idx.msk [tilespmem:v16+s25+$0x0], $0xffff  }
0x45d: {  	v43 =	vadd.s32 s18, v0;
	v11 =	vadd.f32 v12, v11  }
0x45e: {  	s13 =	sadd.s32 $0x34E9, s8;
	v12 =	vld.idx.msk [tilespmem:v17+s25+$0x0], $0xffff  }
0x45f: {  	v44 =	vadd.s32 s13, v0;
	v11 =	vadd.f32 v14, v11  }
0x460: {  	s14 =	sadd.s32 $0x3ACA, s8;
	v14 =	vld.idx.msk [tilespmem:v15+s25+$0x0], $0xffff  }
0x461: {  	v15 =	vadd.s32 s14, v0;
	v11 =	vadd.f32 v13, v11  }
0x462: {  	s16 =	sadd.s32 $0x40AB, s8;
	v13 =	vld.idx.msk [tilespmem:v43+s25+$0x0], $0xffff  }
0x463: {  	v45 =	vadd.s32 s16, v0;
	v11 =	vadd.f32 v12, v11  }
0x464: {  	s17 =	sadd.s32 $0x468C, s8;
	v12 =	vld.idx.msk [tilespmem:v44+s25+$0x0], $0xffff  }
0x465: {  	v46 =	vadd.s32 s17, v0;
	v11 =	vadd.f32 v14, v11  }
0x466: {  	s18 =	sadd.s32 $0x4C6D, s8;
	v14 =	vld.idx.msk [tilespmem:v15+s25+$0x0], $0xffff  }
0x467: {  	v15 =	vadd.s32 s18, v0;
	v11 =	vadd.f32 v13, v11  }
0x468: {  	s13 =	sadd.s32 $0x524E, s8;
	v13 =	vld.idx.msk [tilespmem:v45+s25+$0x0], $0xffff  }
0x469: {  	v47 =	vadd.s32 s13, v0;
	v11 =	vadd.f32 v12, v11  }
0x46a: {  	s14 =	sadd.s32 $0x582F, s8;
	v12 =	vld.idx.msk [tilespmem:v46+s25+$0x0], $0xffff  }
0x46b: {  	v48 =	vadd.s32 s14, v0;
	v11 =	vadd.f32 v14, v11  }
0x46c: {  	v14 =	vld.idx.msk [tilespmem:v15+s25+$0x0], $0xffff  }
0x46d: {  	v11 =	vadd.f32 v13, v11  }
0x46e: {  	v13 =	vld.idx.msk [tilespmem:v47+s25+$0x0], $0xffff  }
0x46f: {  	v11 =	vadd.f32 v12, v11  }
0x470: {  	v12 =	vld.idx.msk [tilespmem:v48+s25+$0x0], $0xffff  }
0x471: {  	v11 =	vadd.f32 v14, v11;
	_ =	sdelay $0x1  }
0x472: {  	v11 =	vadd.f32 v13, v11;
	_ =	sdelay $0x1  }
0x473: {  	v11 =	vadd.f32 v12, v11  }
0x474: {  	s16 =	simm.s32 $0x0;
	s7 =	sadd.s32 $0x10, s7  }
0x475: {  	s17 =	rddreg [dreg:$0x8];
	s18 =	simm.s32 $0x5E1;
	[tilespmem:s7+$0x0] =	vst v11;
	s7 =	simm.s32 $0x14E80;
	v11 =	vor.u32 s16, v0  }
0x476: {  	[hbm4b:s17+s16] =	stream.linear.scatter [tilespmem:s7], [sflag:$0x5], $0x800, $0x38;
	[tilespmem:$0x15700] =	vst v63  }
0x477: {  	v12 =	vadd.s32 s18, v0;
	_ =	swait.ge [sflag:s1], $0x800  }
0x478: {  	s9 =	simm.s32 $0xBC2;
	[sflag:s1] =	ssyncset.done $0x0  }
0x479: {  	v13 =	vadd.s32 s9, v0;
	[sflag:s1] =	ssyncadd.s32 $0xFFFFF800  }
0x47a: {  	s13 =	simm.s32 $0x11A3;
	v11 =	vld.idx.msk [tilespmem:v11+s28+$0x0], $0xffff  }
0x47b: {  	v14 =	vadd.s32 s13, v0  }
0x47c: {  	s14 =	simm.s32 $0x1784;
	v12 =	vld.idx.msk [tilespmem:v12+s28+$0x0], $0xffff  }
0x47d: {  	v15 =	vadd.s32 s14, v0  }
0x47e: {  	s16 =	simm.s32 $0x1D65;
	v13 =	vld.idx.msk [tilespmem:v13+s28+$0x0], $0xffff  }
0x47f: {  	v49 =	vadd.s32 s16, v0;
	v11 =	vadd.f32 $0.0e+00, v11  }
0x480: {  	s17 =	simm.s32 $0x2346;
	v14 =	vld.idx.msk [tilespmem:v14+s28+$0x0], $0xffff  }
0x481: {  	v50 =	vadd.s32 s17, v0;
	v11 =	vadd.f32 v12, v11  }
0x482: {  	s18 =	simm.s32 $0x2927;
	v12 =	vld.idx.msk [tilespmem:v15+s28+$0x0], $0xffff  }
0x483: {  	v15 =	vadd.s32 s18, v0;
	v11 =	vadd.f32 v13, v11  }
0x484: {  	s9 =	simm.s32 $0x2F08;
	v13 =	vld.idx.msk [tilespmem:v49+s28+$0x0], $0xffff  }
0x485: {  	v51 =	vadd.s32 s9, v0;
	v11 =	vadd.f32 v14, v11  }
0x486: {  	s13 =	simm.s32 $0x34E9;
	v14 =	vld.idx.msk [tilespmem:v50+s28+$0x0], $0xffff  }
0x487: {  	v52 =	vadd.s32 s13, v0;
	v11 =	vadd.f32 v12, v11  }
0x488: {  	s14 =	simm.s32 $0x3ACA;
	v12 =	vld.idx.msk [tilespmem:v15+s28+$0x0], $0xffff  }
0x489: {  	v15 =	vadd.s32 s14, v0;
	v11 =	vadd.f32 v13, v11  }
0x48a: {  	s16 =	simm.s32 $0x40AB;
	v13 =	vld.idx.msk [tilespmem:v51+s28+$0x0], $0xffff  }
0x48b: {  	v53 =	vadd.s32 s16, v0;
	v11 =	vadd.f32 v14, v11  }
0x48c: {  	s17 =	simm.s32 $0x468C;
	v14 =	vld.idx.msk [tilespmem:v52+s28+$0x0], $0xffff  }
0x48d: {  	v54 =	vadd.s32 s17, v0;
	v11 =	vadd.f32 v12, v11  }
0x48e: {  	s18 =	simm.s32 $0x4C6D;
	v12 =	vld.idx.msk [tilespmem:v15+s28+$0x0], $0xffff  }
0x48f: {  	v15 =	vadd.s32 s18, v0;
	v11 =	vadd.f32 v13, v11  }
0x490: {  	s9 =	simm.s32 $0x524E;
	v13 =	vld.idx.msk [tilespmem:v53+s28+$0x0], $0xffff  }
0x491: {  	v55 =	vadd.s32 s9, v0;
	v11 =	vadd.f32 v14, v11  }
0x492: {  	s13 =	simm.s32 $0x582F;
	v14 =	vld.idx.msk [tilespmem:v54+s28+$0x0], $0xffff  }
0x493: {  	v56 =	vadd.s32 s13, v0;
	v11 =	vadd.f32 v12, v11  }
0x494: {  	v12 =	vld.idx.msk [tilespmem:v15+s28+$0x0], $0xffff  }
0x495: {  	v11 =	vadd.f32 v13, v11  }
0x496: {  	v13 =	vld.idx.msk [tilespmem:v55+s28+$0x0], $0xffff  }
0x497: {  	v11 =	vadd.f32 v14, v11  }
0x498: {  	v14 =	vld.idx.msk [tilespmem:v56+s28+$0x0], $0xffff  }
0x499: {  	v11 =	vadd.f32 v12, v11  }
0x49a: {  	s14 =	simm.s32 $0x10  }
0x49b: {  	v12 =	vor.u32 s14, v0;
	v11 =	vadd.f32 v13, v11  }
0x49c: {  	s16 =	simm.s32 $0x5F1  }
0x49d: {  	v13 =	vadd.s32 s16, v0;
	v11 =	vadd.f32 v14, v11  }
0x49e: {  	s17 =	simm.s32 $0xBD2  }
0x49f: {  	v14 =	vadd.s32 s17, v0;
	[tilespmem:s7+$0x0] =	vst v11  }
0x4a0: {  	s18 =	simm.s32 $0x11B3;
	v11 =	vld.idx.msk [tilespmem:v12+s28+$0x0], $0xffff  }
0x4a1: {  	v12 =	vadd.s32 s18, v0  }
0x4a2: {  	s9 =	simm.s32 $0x1794;
	v13 =	vld.idx.msk [tilespmem:v13+s28+$0x0], $0xffff  }
0x4a3: {  	v15 =	vadd.s32 s9, v0  }
0x4a4: {  	s13 =	simm.s32 $0x1D75;
	v14 =	vld.idx.msk [tilespmem:v14+s28+$0x0], $0xffff  }
0x4a5: {  	v57 =	vadd.s32 s13, v0;
	v11 =	vadd.f32 $0.0e+00, v11  }
0x4a6: {  	s14 =	simm.s32 $0x2356;
	v12 =	vld.idx.msk [tilespmem:v12+s28+$0x0], $0xffff  }
0x4a7: {  	v58 =	vadd.s32 s14, v0;
	v11 =	vadd.f32 v13, v11  }
0x4a8: {  	s16 =	simm.s32 $0x2937;
	v13 =	vld.idx.msk [tilespmem:v15+s28+$0x0], $0xffff  }
0x4a9: {  	v15 =	vadd.s32 s16, v0;
	v11 =	vadd.f32 v14, v11  }
0x4aa: {  	s17 =	simm.s32 $0x2F18;
	v14 =	vld.idx.msk [tilespmem:v57+s28+$0x0], $0xffff  }
0x4ab: {  	v59 =	vadd.s32 s17, v0;
	v11 =	vadd.f32 v12, v11  }
0x4ac: {  	s18 =	simm.s32 $0x34F9;
	v12 =	vld.idx.msk [tilespmem:v58+s28+$0x0], $0xffff  }
0x4ad: {  	v60 =	vadd.s32 s18, v0;
	v11 =	vadd.f32 v13, v11  }
0x4ae: {  	s9 =	simm.s32 $0x3ADA;
	v13 =	vld.idx.msk [tilespmem:v15+s28+$0x0], $0xffff  }
0x4af: {  	v15 =	vadd.s32 s9, v0;
	v11 =	vadd.f32 v14, v11  }
0x4b0: {  	s13 =	simm.s32 $0x40BB;
	v14 =	vld.idx.msk [tilespmem:v59+s28+$0x0], $0xffff  }
0x4b1: {  	v61 =	vadd.s32 s13, v0;
	v11 =	vadd.f32 v12, v11  }
0x4b2: {  	v12 =	vld.idx.msk [tilespmem:v60+s28+$0x0], $0xffff  }
0x4b3: {  	v11 =	vadd.f32 v13, v11  }
0x4b4: {  	s14 =	simm.s32 $0x469C;
	v13 =	vld.idx.msk [tilespmem:v15+s28+$0x0], $0xffff  }
0x4b5: {  	v62 =	vadd.s32 s14, v0;
	v11 =	vadd.f32 v14, v11  }
0x4b6: {  	s16 =	simm.s32 $0x4C7D;
	v14 =	vld.idx.msk [tilespmem:v61+s28+$0x0], $0xffff  }
0x4b7: {  	v15 =	vadd.s32 s16, v0;
	v11 =	vadd.f32 v12, v11  }
0x4b8: {  	s17 =	simm.s32 $0x525E  }
0x4b9: {  	v63 =	vadd.s32 s17, v0;
	v11 =	vadd.f32 v13, v11  }
0x4ba: {  	s18 =	simm.s32 $0x583F;
	v12 =	vld.idx.msk [tilespmem:v62+s28+$0x0], $0xffff  }
0x4bb: {  	v11 =	vadd.f32 v14, v11;
	v14 =	vadd.s32 s18, v0  }
0x4bc: {  	v13 =	vld.idx.msk [tilespmem:v15+s28+$0x0], $0xffff;
	_ =	sdelay $0x1  }
0x4bd: {  	v15 =	vld.idx.msk [tilespmem:v63+s28+$0x0], $0xffff  }
0x4be: {  	v11 =	vadd.f32 v12, v11  }
0x4bf: {  	v12 =	vld.idx.msk [tilespmem:v14+s28+$0x0], $0xffff  }
0x4c0: {  	v13 =	vadd.f32 v13, v11  }
0x4c1: {  	s8 =	simm.s32 $0x20  }
0x4c2: {  	s9 =	simm.s32 $0x30;
	v11 =	vor.u32 s8, v0;
	v13 =	vadd.f32 v15, v13  }
.LBB2_29:
0x4c3: {  	p1 =	sne.s32 s9, $0x5D0;
	s13 =	sadd.s32 $0x5E1, s8  }
0x4c4: {  	v14 =	vadd.s32 s13, v0;
	v12 =	vadd.f32 v12, v13  }
0x4c5: {  	s7 =	sadd.s32 $0x10, s7;
	s13 =	sadd.s32 $0xBC2, s8  }
0x4c6: {  	v13 =	vadd.s32 s13, v0;
	[tilespmem:s7+$0x0] =	vst v12  }
0x4c7: {  	s13 =	sadd.s32 $0x11A3, s8;
	v11 =	vld.idx.msk [tilespmem:v11+s28+$0x0], $0xffff  }
0x4c8: {  	v12 =	vadd.s32 s13, v0  }
0x4c9: {  	s13 =	sadd.s32 $0x1784, s8;
	v14 =	vld.idx.msk [tilespmem:v14+s28+$0x0], $0xffff  }
0x4ca: {  	v15 =	vadd.s32 s13, v0  }
0x4cb: {  	s13 =	sadd.s32 $0x1D65, s8;
	v13 =	vld.idx.msk [tilespmem:v13+s28+$0x0], $0xffff  }
0x4cc: {  	v16 =	vadd.s32 s13, v0  }
0x4cd: {  	s13 =	sadd.s32 $0x2346, s8;
	v11 =	vadd.f32 $0.0e+00, v11;
	v12 =	vld.idx.msk [tilespmem:v12+s28+$0x0], $0xffff  }
0x4ce: {  	v17 =	vadd.s32 s13, v0  }
0x4cf: {  	s13 =	sadd.s32 $0x2927, s8;
	v11 =	vadd.f32 v14, v11;
	v14 =	vld.idx.msk [tilespmem:v15+s28+$0x0], $0xffff  }
0x4d0: {  	v15 =	vadd.s32 s13, v0  }
0x4d1: {  	s13 =	sadd.s32 $0x2F08, s8;
	v11 =	vadd.f32 v13, v11;
	v13 =	vld.idx.msk [tilespmem:v16+s28+$0x0], $0xffff  }
0x4d2: {  	v16 =	vadd.s32 s13, v0  }
0x4d3: {  	s13 =	sadd.s32 $0x34E9, s8;
	v11 =	vadd.f32 v12, v11;
	v12 =	vld.idx.msk [tilespmem:v17+s28+$0x0], $0xffff  }
0x4d4: {  	v17 =	vadd.s32 s13, v0  }
0x4d5: {  	s13 =	sadd.s32 $0x3ACA, s8;
	v11 =	vadd.f32 v14, v11;
	v14 =	vld.idx.msk [tilespmem:v15+s28+$0x0], $0xffff  }
0x4d6: {  	v15 =	vadd.s32 s13, v0  }
0x4d7: {  	s13 =	sadd.s32 $0x40AB, s8;
	v11 =	vadd.f32 v13, v11;
	v13 =	vld.idx.msk [tilespmem:v16+s28+$0x0], $0xffff  }
0x4d8: {  	v16 =	vadd.s32 s13, v0  }
0x4d9: {  	s13 =	sadd.s32 $0x468C, s8;
	v11 =	vadd.f32 v12, v11;
	v12 =	vld.idx.msk [tilespmem:v17+s28+$0x0], $0xffff  }
0x4da: {  	v17 =	vadd.s32 s13, v0  }
0x4db: {  	s13 =	sadd.s32 $0x4C6D, s8;
	v11 =	vadd.f32 v14, v11;
	v14 =	vld.idx.msk [tilespmem:v15+s28+$0x0], $0xffff  }
0x4dc: {  	v15 =	vadd.s32 s13, v0  }
0x4dd: {  	s13 =	sadd.s32 $0x524E, s8;
	v11 =	vadd.f32 v13, v11;
	v13 =	vld.idx.msk [tilespmem:v16+s28+$0x0], $0xffff  }
0x4de: {  	v16 =	vadd.s32 s13, v0  }
0x4df: {  	s13 =	sadd.s32 $0x582F, s8;
	s8 =	smov.u32 s9;
	v11 =	vadd.f32 v12, v11;
	v12 =	vld.idx.msk [tilespmem:v17+s28+$0x0], $0xffff  }
0x4e0: {  	v17 =	vadd.s32 s13, v0  }
0x4e1: {  	v11 =	vadd.f32 v14, v11;
	v14 =	vld.idx.msk [tilespmem:v15+s28+$0x0], $0xffff;
	_ =	sdelay $0x1  }
0x4e2: {  	v11 =	vadd.f32 v13, v11;
	v13 =	vld.idx.msk [tilespmem:v16+s28+$0x0], $0xffff;
	_ =	sdelay $0x1  }
.Ltmp14:
0x4e3: {  	v11 =	vadd.f32 v12, v11;
	v12 =	vld.idx.msk [tilespmem:v17+s28+$0x0], $0xffff;
	(pc) =	sbr.rel @p1 .LBB2_29-.Ltmp14, $3  }
0x4e4: {  	_ = 	snop  }
0x4e5: {  	v14 =	vadd.f32 v14, v11;
	_ =	sdelay $0x1  }
0x4e6: {  	s9 =	sadd.s32 $0x10, s9;
	v11 =	vor.u32 s8, v0;
	v13 =	vadd.f32 v13, v14  }
0x4e7: {  	s9 =	sadd.s32 $0x5E1, s8  }
0x4e8: {  	v14 =	vadd.s32 s9, v0;
	v12 =	vadd.f32 v12, v13  }
0x4e9: {  	s17 =	sadd.s32 $0xBC2, s8;
	s7 =	sadd.s32 $0x10, s7  }
0x4ea: {  	v41 =	vadd.s32 s17, v0;
	[tilespmem:s7+$0x0] =	vst v12  }
0x4eb: {  	s18 =	sadd.s32 $0x11A3, s8;
	v11 =	vld.idx.msk [tilespmem:v11+s28+$0x0], $0xffff  }
0x4ec: {  	v42 =	vadd.s32 s18, v0  }
0x4ed: {  	s13 =	sadd.s32 $0x1784, s8;
	v14 =	vld.idx.msk [tilespmem:v14+s28+$0x0], $0xffff  }
0x4ee: {  	v15 =	vadd.s32 s13, v0  }
0x4ef: {  	s14 =	sadd.s32 $0x1D65, s8;
	v13 =	vld.idx.msk [tilespmem:v41+s28+$0x0], $0xffff  }
0x4f0: {  	v16 =	vadd.s32 s14, v0;
	v11 =	vadd.f32 $0.0e+00, v11  }
0x4f1: {  	s16 =	sadd.s32 $0x2346, s8;
	v12 =	vld.idx.msk [tilespmem:v42+s28+$0x0], $0xffff  }
0x4f2: {  	v17 =	vadd.s32 s16, v0;
	v11 =	vadd.f32 v14, v11  }
0x4f3: {  	s17 =	sadd.s32 $0x2927, s8;
	v43 =	vld.idx.msk [tilespmem:v15+s28+$0x0], $0xffff  }
0x4f4: {  	v44 =	vadd.s32 s17, v0;
	v11 =	vadd.f32 v13, v11  }
0x4f5: {  	s18 =	sadd.s32 $0x2F08, s8;
	v45 =	vld.idx.msk [tilespmem:v16+s28+$0x0], $0xffff  }
0x4f6: {  	v46 =	vadd.s32 s18, v0;
	v11 =	vadd.f32 v12, v11  }
0x4f7: {  	s13 =	sadd.s32 $0x34E9, s8;
	v47 =	vld.idx.msk [tilespmem:v17+s28+$0x0], $0xffff  }
0x4f8: {  	v48 =	vadd.s32 s13, v0;
	v11 =	vadd.f32 v43, v11  }
0x4f9: {  	s14 =	sadd.s32 $0x3ACA, s8;
	v49 =	vld.idx.msk [tilespmem:v44+s28+$0x0], $0xffff  }
0x4fa: {  	v50 =	vadd.s32 s14, v0;
	v11 =	vadd.f32 v45, v11  }
0x4fb: {  	s16 =	sadd.s32 $0x40AB, s8;
	v51 =	vld.idx.msk [tilespmem:v46+s28+$0x0], $0xffff  }
0x4fc: {  	v52 =	vadd.s32 s16, v0;
	v11 =	vadd.f32 v47, v11  }
0x4fd: {  	s17 =	sadd.s32 $0x468C, s8;
	v53 =	vld.idx.msk [tilespmem:v48+s28+$0x0], $0xffff  }
0x4fe: {  	v54 =	vadd.s32 s17, v0;
	v11 =	vadd.f32 v49, v11  }
0x4ff: {  	s18 =	sadd.s32 $0x4C6D, s8;
	v55 =	vld.idx.msk [tilespmem:v50+s28+$0x0], $0xffff  }
0x500: {  	v56 =	vadd.s32 s18, v0;
	v11 =	vadd.f32 v51, v11  }
0x501: {  	s13 =	sadd.s32 $0x524E, s8;
	v57 =	vld.idx.msk [tilespmem:v52+s28+$0x0], $0xffff  }
0x502: {  	v58 =	vadd.s32 s13, v0;
	v11 =	vadd.f32 v53, v11  }
0x503: {  	s14 =	sadd.s32 $0x582F, s8;
	v59 =	vld.idx.msk [tilespmem:v54+s28+$0x0], $0xffff  }
0x504: {  	v60 =	vadd.s32 s14, v0;
	v11 =	vadd.f32 v55, v11  }
0x505: {  	v61 =	vld.idx.msk [tilespmem:v56+s28+$0x0], $0xffff  }
0x506: {  	v11 =	vadd.f32 v57, v11  }
0x507: {  	v62 =	vld.idx.msk [tilespmem:v58+s28+$0x0], $0xffff  }
0x508: {  	v11 =	vadd.f32 v59, v11  }
0x509: {  	v63 =	vld.idx.msk [tilespmem:v60+s28+$0x0], $0xffff  }
0x50a: {  	v11 =	vadd.f32 v61, v11;
	_ =	sdelay $0x1  }
0x50b: {  	v11 =	vadd.f32 v62, v11;
	_ =	sdelay $0x1  }
0x50c: {  	v11 =	vadd.f32 v63, v11  }
0x50d: {  	s7 =	sadd.s32 $0x10, s7  }
0x50e: {  	s16 =	rddreg [dreg:$0x9];
	s17 =	simm.s32 $0x14E80;
	[tilespmem:s7+$0x0] =	vst v11  }
0x50f: {  	[hbm4b:s16+s2] =	stream.linear.scatter [tilespmem:s17], [sflag:$0x5], $0x800, $0x38;
	[tilespmem:$0x15700] =	vst v63  }
0x510: {  	_ =	swait.ge [sflag:s1], $0x800  }
0x511: {  	s0 =	sadd.s32 $0x1, s0;
	s18 =	rddreg [dreg:$0xa]  }
0x512: {  	p1 =	sne.s32 s0, s18  }
.Ltmp15:
0x513: {  	_ = 	snop;
	(pc) =	sbr.rel @p1 .LBB2_1-.Ltmp15, $3  }
0x514: {  	_ =	sdelay $0x1  }
0x515: {  	[sflag:s1] =	ssyncset.done $0x0  }
0x516: {  	[sflag:s1] =	ssyncadd.s32 $0xFFFFF800  }
0x517: {  	_ =	sfence.sel $0x180000  }
0x518: {  	[bflag:$0x0] =	sbarrier.arrive $0xFFFF  }
0x519: {  	_ =	strace $0x90000047  }
0x51a: {  	s0 =	stileid.u32;
	[bflag:$0x2] =	sbarrier.arrive $0xFFFF  }
0x51b: {  	p0 =	sne.s32 s0, $0x0;
	s0 =	rddreg [dreg:$0x2]  }
0x51c: {  	s0 =	sadd.s32 @!p0 $0x100000, s0  }
0x51d: {  	[sflag:s0] =	ssyncadd.tile.s32 @!p0 $0x1;
	_ =	shalt  }
.Lfunc_end2:
_tile_overlayer_lowered:
.L_overlay_start_2:
0x51e: {  	(tag) =	ssettag $0x2  }
0x51f: {  	s0 =	rddreg [dreg:$0x0];
	s2 =	stileid.u32  }
0x520: {  	s1 =	rddreg [dreg:$0x1];
	p0 =	sne.s32 s2, $0x0  }
0x521: {  	s3 =	rddreg [dreg:$0x2];
	[bflag:$0x3] =	sbarrier.arrive $0xFFFF;
	s2 =	simm.s32 @!p0 $0x1C05  }
0x522: {  	[timem:s3], [sflag:s2] =	dma.local @!p0 [hbm:s0], s1  }
0x523: {  	s0 =	simm.s32 @!p0 $0x5  }
0x524: {  	_ =	swait.ge @!p0 [sflag:s0], s1  }
0x525: {  	s1 =	ssub.s32 @!p0 $0x0, s1;
	[sflag:s0] =	ssyncset.done @!p0 $0x0  }
0x526: {  	[sflag:s0] =	ssyncadd.s32 @!p0 s1  }
0x527: {  	[bflag:$0x3] =	sbarrier.arrive $0xFFFF  }
0x528: {  	_ =	shalt  }

</sc_bundles>
